<compile_context>
chip_gen: v7x
topology: tpu7x:2x2x1
jax: 0.10.2.dev20260603
libtpu: 0.0.44.dev20260713+nightly
codegen_flags: <defaults>
</compile_context>

<pallas_src>
import jax
import jax.numpy as jnp
from jax.experimental import pallas as pl
from jax.experimental.pallas import tpu as pltpu
from jax.experimental.pallas import tpu_sc as plsc

_TOP_K = 8

_ROT = ((13, 15, 26, 6), (17, 29, 16, 24))


def _gauss_block(flat_u32):
    k0 = jnp.uint32(0)
    k1 = jnp.uint32(42)
    ks = (k0, k1, k0 ^ k1 ^ jnp.uint32(0x1BD11BDA))
    x0 = jnp.zeros_like(flat_u32) + ks[0]
    x1 = flat_u32 + ks[1]
    for i in range(5):
        for r in _ROT[i % 2]:
            x0 = x0 + x1
            x1 = (x1 << jnp.uint32(r)) | (x1 >> jnp.uint32(32 - r))
            x1 = x1 ^ x0
        x0 = x0 + ks[(i + 1) % 3]
        x1 = x1 + ks[(i + 2) % 3] + jnp.uint32(i + 1)
    bits = x0 ^ x1

    u = pltpu.bitcast((bits >> jnp.uint32(9)) | jnp.uint32(0x3F800000),
                      jnp.float32) - 1.0
    lo = jnp.float32(-0.99999994)
    x = u * (jnp.float32(1.0) - lo) + lo
    w = -jnp.log1p(-x * x)
    small = w < 5.0
    ws = w - 2.5
    wl = jnp.sqrt(w) - 3.0
    p1 = jnp.full_like(x, 2.81022636e-08)
    for c in (3.43273939e-07, -3.5233877e-06, -4.39150654e-06, 0.00021858087,
              -0.00125372503, -0.00417768164, 0.246640727, 1.50140941):
        p1 = p1 * ws + jnp.float32(c)
    p2 = jnp.full_like(x, -0.000200214257)
    for c in (0.000100950558, 0.00134934322, -0.00367342844, 0.00573950773,
              -0.0076224613, 0.00943887047, 1.00167406, 2.83297682):
        p2 = p2 * wl + jnp.float32(c)
    p = jnp.where(small, p1, p2)
    return jnp.float32(1.4142135623730951) * (p * x)


def _router_block_kernel(x_ref, wcat_ref, bcat_ref, out_ref, idx_ref, acc_ref):
    rows, twoexp = acc_ref.shape
    n_exp = twoexp // 2

    acc = acc_ref[...]
    logits = acc[:, :n_exp]
    nlog = acc[:, n_exp:]

    g_rows, g_cols = rows // 2, twoexp
    row_i = jax.lax.broadcasted_iota(jnp.int32, (g_rows, g_cols), 0)
    col_i = jax.lax.broadcasted_iota(jnp.int32, (g_rows, g_cols), 1)
    base = (pl.program_id(0) - 1) * (rows * n_exp)
    flat = (base + row_i * n_exp + col_i
            + jnp.where(col_i >= n_exp, (g_rows - 1) * n_exp, 0)
            ).astype(jnp.uint32)
    g2 = _gauss_block(flat)
    gauss = jnp.concatenate([g2[:, :n_exp], g2[:, n_exp:]], axis=0)

    noisy = logits + gauss * jax.nn.softplus(nlog)

    chunk = 64 if rows % 64 == 0 else rows
    neg_inf = jnp.float32(-jnp.inf)
    for c in range(rows // chunk):
        nz = noisy[c * chunk:(c + 1) * chunk, :]
        colf = jax.lax.broadcasted_iota(jnp.int32, nz.shape, 1).astype(jnp.float32)
        kcol = jax.lax.broadcasted_iota(jnp.int32, (chunk, _TOP_K), 1)
        idx_out = jnp.zeros((chunk, _TOP_K), jnp.int32)
        work = nz
        m0 = None
        for k in range(_TOP_K):
            m = jnp.max(work, axis=1, keepdims=True)
            amaxf = jnp.min(jnp.where(work == m, colf, jnp.float32(128.0)),
                            axis=1, keepdims=True)
            idx_out = jnp.where(kcol == k, amaxf.astype(jnp.int32), idx_out)
            if k == 0:
                m0 = m
            work = jnp.where(colf == amaxf, neg_inf, work)
        idx_ref[c * chunk:(c + 1) * chunk, :] = idx_out

        mask = work == neg_inf
        e = jnp.where(mask, jnp.exp(nz - m0), 0.0)
        r = jnp.float32(1.0) / jnp.sum(e, axis=1, keepdims=True)
        out_ref[c * chunk:(c + 1) * chunk, :] = e * r

    acc_ref[...] = jnp.dot(x_ref[...], wcat_ref[...],
                           preferred_element_type=jnp.float32) + bcat_ref[...]


def kernel(x, W_route, b_route, W_noise, b_noise):
    n_tokens, d_model = x.shape
    n_experts = W_route.shape[0]
    blk = 512 if n_tokens % 512 == 0 else n_tokens
    nblk = n_tokens // blk
    grid = (nblk + 1,)

    wcat = jnp.concatenate([W_route.T, W_noise.T], axis=1)
    bcat = jnp.concatenate([b_route, b_noise]).reshape(1, 2 * n_experts)

    router, indices = pl.pallas_call(
        _router_block_kernel,
        grid=grid,
        in_specs=[
            pl.BlockSpec((blk, d_model), lambda i: (jnp.minimum(i, nblk - 1), 0)),
            pl.BlockSpec((d_model, 2 * n_experts), lambda i: (0, 0)),
            pl.BlockSpec((1, 2 * n_experts), lambda i: (0, 0)),
        ],
        out_specs=[
            pl.BlockSpec((blk, n_experts), lambda i: (jnp.maximum(i - 1, 0), 0)),
            pl.BlockSpec((blk, _TOP_K), lambda i: (jnp.maximum(i - 1, 0), 0)),
        ],
        out_shape=[
            jax.ShapeDtypeStruct((n_tokens, n_experts), jnp.float32),
            jax.ShapeDtypeStruct((n_tokens, _TOP_K), jnp.int32),
        ],
        scratch_shapes=[pltpu.VMEM((blk, 2 * n_experts), jnp.float32)],
        compiler_params=pltpu.CompilerParams(
            dimension_semantics=("arbitrary",),
        ),
    )(x, wcat, bcat)

    def _sc_copy_body(inp_ref, out_ref, vbuf, sem_in, sem_out):
        c = jax.lax.axis_index("c")
        sub = jax.lax.axis_index("s") + 16 * c
        rows = inp_ref.shape[0] // 32
        start = sub * rows
        cp = pltpu.make_async_copy(inp_ref.at[pl.ds(start, rows), :], vbuf, sem_in)
        cp.start()
        cp.wait()
        cp2 = pltpu.make_async_copy(vbuf, out_ref.at[pl.ds(start, rows), :], sem_out)
        cp2.start()
        cp2.wait()

    indices = pl.kernel(
        _sc_copy_body,
        out_type=jax.ShapeDtypeStruct((n_tokens, _TOP_K), jnp.int32),
        mesh=plsc.VectorSubcoreMesh(core_axis_name="c", subcore_axis_name="s"),
        scratch_types=[
            pltpu.MemorySpace.VMEM(( n_tokens // 32, _TOP_K), jnp.int32),
            pltpu.SemaphoreType.DMA,
            pltpu.SemaphoreType.DMA,
        ],
    )(indices)
    return (router, indices)

# --- scband reference (transcript-rebuilt; emitter-appended) ---
"""Pipeline reference for scband-noisy-topk-router-70205535420532 (READ-ONLY COPY).

The authoritative reference and input builder live on the scoring server;
editing this copy changes nothing except your own understanding.
"""

import jax, jax.numpy as jnp
import numpy as np

N_TOKENS = 16384
D_MODEL = 4096
N_EXPERTS = 64
TOP_K = 8


def setup_inputs(seed: int = 0) -> dict:
    key = jax.random.key(seed)
    k1, k2, k3 = jax.random.split(key, 3)
    x = jax.random.normal(k1, (N_TOKENS, D_MODEL), dtype=jnp.float32)
    W_route = (jax.random.normal(k2, (N_EXPERTS, D_MODEL), dtype=jnp.float32) * 0.02)
    b_route = jnp.zeros((N_EXPERTS,), dtype=jnp.float32)
    W_noise = (jax.random.normal(k3, (N_EXPERTS, D_MODEL), dtype=jnp.float32) * 0.02)
    b_noise = jnp.zeros((N_EXPERTS,), dtype=jnp.float32)
    return {"x": x, "W_route": W_route, "b_route": b_route, "W_noise": W_noise, "b_noise": b_noise}


def reference(x, W_route, b_route, W_noise, b_noise):
    # logits = topkroute_linear(x)
    logits = x @ W_route.T + b_route
    # noise_logits = noise_linear(x)
    noise_logits = x @ W_noise.T + b_noise
    # noise = randn_like(logits) * softplus(noise_logits)  (fixed key for determinism)
    gauss = jax.random.normal(jax.random.key(42), logits.shape, dtype=logits.dtype)
    noise = gauss * jax.nn.softplus(noise_logits)
    noisy_logits = logits + noise
    # top-k along experts dim
    top_k_logits, indices = jax.lax.top_k(noisy_logits, TOP_K)
    # scatter top-k values into -inf matrix
    rows = jnp.arange(noisy_logits.shape[0])[:, None]
    sparse_logits = jnp.full_like(noisy_logits, -jnp.inf).at[rows, indices].set(top_k_logits)
    router_output = jax.nn.softmax(sparse_logits, axis=-1)
    return (router_output, indices)

if __name__ == "__main__":
    import jax
    _d = setup_inputs()
    print(jax.jit(kernel)(*tuple(_d.values())))

</pallas_src>

<mosaic_0001>
#map = affine_map<(d0, d1) -> (0, 0)>
module attributes {stable_mosaic.version = 14 : i64} {
  func.func @_sc_copy_body(%arg0: i32, %arg1: i32, %arg2: memref<16384x8xi32, #tpu.memory_space<hbm>>, %arg3: memref<16384x8xi32, #tpu.memory_space<hbm>>, %arg4: memref<512x8xi32, #tpu.memory_space<vmem>>, %arg5: memref<!tpu.dma_semaphore, #tpu.memory_space<semaphore_mem>>, %arg6: memref<!tpu.dma_semaphore, #tpu.memory_space<semaphore_mem>>) attributes {dimension_semantics = [#tpu.dimension_semantics<core_parallel>, #tpu.dimension_semantics<subcore_parallel>], iteration_bounds = array<i64: 2, 16>, scalar_prefetch = 0 : i64, scratch_operands = 3 : i64, tpu.core_type = #tpu.core_type<sc_vector_subcore>, window_params = [{transform_indices = #map}, {transform_indices = #map}]} {
    %mul3A = arith.constant 16 : i32
    %mul3A_0 = arith.muli %mul3A, %arg0 : i32
    %add3A = arith.addi %arg1, %mul3A_0 : i32
    %mul3A_1 = arith.constant 512 : i32
    %mul3A_2 = arith.muli %add3A, %mul3A_1 : i32
    %dma_start3A = arith.constant 0 : i32
    %dma_start3A_3 = tpu.memref_slice %arg2[%mul3A_2, %dma_start3A] : memref<16384x8xi32, #tpu.memory_space<hbm>> -> memref<512x8xi32, #tpu.memory_space<hbm>>
    %dma_start3A_4 = arith.constant 0 : i32
    %dma_start3A_5 = tpu.memref_slice %arg2[%mul3A_2, %dma_start3A_4] : memref<16384x8xi32, #tpu.memory_space<hbm>> -> memref<512x8xi32, #tpu.memory_space<hbm>>
    tpu.enqueue_dma source(%dma_start3A_5 : memref<512x8xi32, #tpu.memory_space<hbm>>) target(%arg4 : memref<512x8xi32, #tpu.memory_space<vmem>>) target_semaphore(%arg5 : memref<!tpu.dma_semaphore, #tpu.memory_space<semaphore_mem>>)
    %dma_wait3A = arith.constant 0 : i32
    %dma_wait3A_6 = tpu.memref_slice %arg2[%mul3A_2, %dma_wait3A] : memref<16384x8xi32, #tpu.memory_space<hbm>> -> memref<512x8xi32, #tpu.memory_space<hbm>>
    %dma_wait3A_7 = arith.constant 0 : i32
    %dma_wait3A_8 = tpu.memref_slice %arg2[%mul3A_2, %dma_wait3A_7] : memref<16384x8xi32, #tpu.memory_space<hbm>> -> memref<512x8xi32, #tpu.memory_space<hbm>>
    tpu.wait_dma2 semaphore(%arg5 : memref<!tpu.dma_semaphore, #tpu.memory_space<semaphore_mem>>) src(%dma_wait3A_8 : memref<512x8xi32, #tpu.memory_space<hbm>>) dst(%arg4 : memref<512x8xi32, #tpu.memory_space<vmem>>)
    %dma_start3A_9 = arith.constant 0 : i32
    %dma_start3A_10 = tpu.memref_slice %arg3[%mul3A_2, %dma_start3A_9] : memref<16384x8xi32, #tpu.memory_space<hbm>> -> memref<512x8xi32, #tpu.memory_space<hbm>>
    %dma_start3A_11 = arith.constant 0 : i32
    %dma_start3A_12 = tpu.memref_slice %arg3[%mul3A_2, %dma_start3A_11] : memref<16384x8xi32, #tpu.memory_space<hbm>> -> memref<512x8xi32, #tpu.memory_space<hbm>>
    tpu.enqueue_dma source(%arg4 : memref<512x8xi32, #tpu.memory_space<vmem>>) target(%dma_start3A_12 : memref<512x8xi32, #tpu.memory_space<hbm>>) target_semaphore(%arg6 : memref<!tpu.dma_semaphore, #tpu.memory_space<semaphore_mem>>)
    %dma_wait3A_13 = arith.constant 0 : i32
    %dma_wait3A_14 = tpu.memref_slice %arg3[%mul3A_2, %dma_wait3A_13] : memref<16384x8xi32, #tpu.memory_space<hbm>> -> memref<512x8xi32, #tpu.memory_space<hbm>>
    %dma_wait3A_15 = arith.constant 0 : i32
    %dma_wait3A_16 = tpu.memref_slice %arg3[%mul3A_2, %dma_wait3A_15] : memref<16384x8xi32, #tpu.memory_space<hbm>> -> memref<512x8xi32, #tpu.memory_space<hbm>>
    tpu.wait_dma2 semaphore(%arg6 : memref<!tpu.dma_semaphore, #tpu.memory_space<semaphore_mem>>) src(%arg4 : memref<512x8xi32, #tpu.memory_space<vmem>>) dst(%dma_wait3A_16 : memref<512x8xi32, #tpu.memory_space<hbm>>)
    return
  }
}

module attributes {stable_mosaic.version = 14 : i64} {
  func.func @_router_block_kernel(%arg0: i32, %arg1: memref<512x4096xf32, #tpu.memory_space<vmem>>, %arg2: memref<4096x128xf32, #tpu.memory_space<vmem>>, %arg3: memref<1x128xf32, #tpu.memory_space<vmem>>, %arg4: memref<512x64xf32, #tpu.memory_space<vmem>>, %arg5: memref<512x8xi32, #tpu.memory_space<vmem>>, %arg6: memref<512x128xf32, #tpu.memory_space<vmem>>) attributes {dimension_semantics = [#tpu.dimension_semantics<arbitrary>], iteration_bounds = array<i64: 33>, scalar_prefetch = 0 : i64, scratch_operands = 1 : i64, tpu.core_type = #tpu.core_type<tc>, window_params = [{transform_indices = @transform_0, window_bounds = array<i64: 512, 4096>}, {pipeline_mode = #tpu.pipeline_mode<synchronous>, transform_indices = @transform_1, window_bounds = array<i64: 4096, 128>}, {pipeline_mode = #tpu.pipeline_mode<synchronous>, transform_indices = @transform_2, window_bounds = array<i64: 1, 128>}, {transform_indices = @transform_3, window_bounds = array<i64: 512, 64>}, {transform_indices = @transform_4, window_bounds = array<i64: 512, 8>}]} {
    %get3A = arith.constant 0 : index
    %get3A_0 = arith.constant 0 : index
    %get3A_1 = vector.load %arg6[%get3A, %get3A_0] : memref<512x128xf32, #tpu.memory_space<vmem>>, vector<512x128xf32>
    %slice3A = vector.extract_strided_slice %get3A_1 {offsets = [0, 0], sizes = [512, 64], strides = [1, 1]} : vector<512x128xf32> to vector<512x64xf32>
    %slice3A_2 = vector.extract_strided_slice %get3A_1 {offsets = [0, 64], sizes = [512, 64], strides = [1, 1]} : vector<512x128xf32> to vector<512x64xf32>
    %iota3A = tpu.iota {dimensions = array<i32: 0>} : vector<256x128xi32>
    %iota3A_3 = tpu.iota {dimensions = array<i32: 1>} : vector<256x128xi32>
    %sub3A = arith.constant 1 : i32
    %sub3A_4 = arith.subi %arg0, %sub3A : i32
    %mul3A = arith.constant 32768 : i32
    %mul3A_5 = arith.muli %sub3A_4, %mul3A : i32
    %mul3A_6 = arith.constant 64 : i32
    %mul3A_7 = vector.broadcast %mul3A_6 : i32 to vector<256x128xi32>
    %mul3A_8 = arith.muli %iota3A, %mul3A_7 : vector<256x128xi32>
    %add3A = vector.broadcast %mul3A_5 : i32 to vector<256x128xi32>
    %add3A_9 = arith.addi %add3A, %mul3A_8 : vector<256x128xi32>
    %add3A_10 = arith.addi %add3A_9, %iota3A_3 : vector<256x128xi32>
    %ge3A = arith.constant 64 : i32
    %ge3A_11 = vector.broadcast %ge3A : i32 to vector<256x128xi32>
    %ge3A_12 = arith.cmpi sge, %iota3A_3, %ge3A_11 : vector<256x128xi32>
    %jit3A = arith.constant 16320 : i32
    %jit3A_13 = arith.constant 0 : i32
    %broadcast_in_dim3A = vector.broadcast %jit3A : i32 to vector<256x128xi32>
    %broadcast_in_dim3A_14 = vector.broadcast %jit3A_13 : i32 to vector<256x128xi32>
    %select_n3A = arith.select %ge3A_12, %broadcast_in_dim3A, %broadcast_in_dim3A_14 : vector<256x128xi1>, vector<256x128xi32>
    %add3A_15 = arith.addi %add3A_10, %select_n3A : vector<256x128xi32>
    %xor3A = arith.constant 0 : i32
    %xor3A_16 = arith.constant 42 : i32
    %xor3A_17 = arith.xori %xor3A, %xor3A_16 : i32
    %xor3A_18 = arith.constant 466688986 : i32
    %xor3A_19 = arith.xori %xor3A_17, %xor3A_18 : i32
    %broadcast_in_dim3A_20 = arith.constant 0 : i32
    %broadcast_in_dim3A_21 = vector.broadcast %broadcast_in_dim3A_20 : i32 to vector<256x128xi32>
    %add3A_22 = arith.constant 0 : i32
    %add3A_23 = vector.broadcast %add3A_22 : i32 to vector<256x128xi32>
    %add3A_24 = arith.addi %broadcast_in_dim3A_21, %add3A_23 : vector<256x128xi32>
    %add3A_25 = arith.constant 42 : i32
    %add3A_26 = vector.broadcast %add3A_25 : i32 to vector<256x128xi32>
    %add3A_27 = arith.addi %add3A_15, %add3A_26 : vector<256x128xi32>
    %add3A_28 = arith.addi %add3A_24, %add3A_27 : vector<256x128xi32>
    %shift_left3A = arith.constant 13 : i32
    %shift_left3A_29 = vector.broadcast %shift_left3A : i32 to vector<256x128xi32>
    %shift_left3A_30 = arith.shli %add3A_27, %shift_left3A_29 : vector<256x128xi32>
    %shift_right_logical3A = arith.constant 19 : i32
    %shift_right_logical3A_31 = vector.broadcast %shift_right_logical3A : i32 to vector<256x128xi32>
    %shift_right_logical3A_32 = arith.shrui %add3A_27, %shift_right_logical3A_31 : vector<256x128xi32>
    %or3A = arith.ori %shift_left3A_30, %shift_right_logical3A_32 : vector<256x128xi32>
    %xor3A_33 = arith.xori %or3A, %add3A_28 : vector<256x128xi32>
    %add3A_34 = arith.addi %add3A_28, %xor3A_33 : vector<256x128xi32>
    %shift_left3A_35 = arith.constant 15 : i32
    %shift_left3A_36 = vector.broadcast %shift_left3A_35 : i32 to vector<256x128xi32>
    %shift_left3A_37 = arith.shli %xor3A_33, %shift_left3A_36 : vector<256x128xi32>
    %shift_right_logical3A_38 = arith.constant 17 : i32
    %shift_right_logical3A_39 = vector.broadcast %shift_right_logical3A_38 : i32 to vector<256x128xi32>
    %shift_right_logical3A_40 = arith.shrui %xor3A_33, %shift_right_logical3A_39 : vector<256x128xi32>
    %or3A_41 = arith.ori %shift_left3A_37, %shift_right_logical3A_40 : vector<256x128xi32>
    %xor3A_42 = arith.xori %or3A_41, %add3A_34 : vector<256x128xi32>
    %add3A_43 = arith.addi %add3A_34, %xor3A_42 : vector<256x128xi32>
    %shift_left3A_44 = arith.constant 26 : i32
    %shift_left3A_45 = vector.broadcast %shift_left3A_44 : i32 to vector<256x128xi32>
    %shift_left3A_46 = arith.shli %xor3A_42, %shift_left3A_45 : vector<256x128xi32>
    %shift_right_logical3A_47 = arith.constant 6 : i32
    %shift_right_logical3A_48 = vector.broadcast %shift_right_logical3A_47 : i32 to vector<256x128xi32>
    %shift_right_logical3A_49 = arith.shrui %xor3A_42, %shift_right_logical3A_48 : vector<256x128xi32>
    %or3A_50 = arith.ori %shift_left3A_46, %shift_right_logical3A_49 : vector<256x128xi32>
    %xor3A_51 = arith.xori %or3A_50, %add3A_43 : vector<256x128xi32>
    %add3A_52 = arith.addi %add3A_43, %xor3A_51 : vector<256x128xi32>
    %shift_left3A_53 = arith.constant 6 : i32
    %shift_left3A_54 = vector.broadcast %shift_left3A_53 : i32 to vector<256x128xi32>
    %shift_left3A_55 = arith.shli %xor3A_51, %shift_left3A_54 : vector<256x128xi32>
    %shift_right_logical3A_56 = arith.constant 26 : i32
    %shift_right_logical3A_57 = vector.broadcast %shift_right_logical3A_56 : i32 to vector<256x128xi32>
    %shift_right_logical3A_58 = arith.shrui %xor3A_51, %shift_right_logical3A_57 : vector<256x128xi32>
    %or3A_59 = arith.ori %shift_left3A_55, %shift_right_logical3A_58 : vector<256x128xi32>
    %xor3A_60 = arith.xori %or3A_59, %add3A_52 : vector<256x128xi32>
    %add3A_61 = arith.constant 42 : i32
    %add3A_62 = vector.broadcast %add3A_61 : i32 to vector<256x128xi32>
    %add3A_63 = arith.addi %add3A_52, %add3A_62 : vector<256x128xi32>
    %add3A_64 = vector.broadcast %xor3A_19 : i32 to vector<256x128xi32>
    %add3A_65 = arith.addi %xor3A_60, %add3A_64 : vector<256x128xi32>
    %add3A_66 = arith.constant 1 : i32
    %add3A_67 = vector.broadcast %add3A_66 : i32 to vector<256x128xi32>
    %add3A_68 = arith.addi %add3A_65, %add3A_67 : vector<256x128xi32>
    %add3A_69 = arith.addi %add3A_63, %add3A_68 : vector<256x128xi32>
    %shift_left3A_70 = arith.constant 17 : i32
    %shift_left3A_71 = vector.broadcast %shift_left3A_70 : i32 to vector<256x128xi32>
    %shift_left3A_72 = arith.shli %add3A_68, %shift_left3A_71 : vector<256x128xi32>
    %shift_right_logical3A_73 = arith.constant 15 : i32
    %shift_right_logical3A_74 = vector.broadcast %shift_right_logical3A_73 : i32 to vector<256x128xi32>
    %shift_right_logical3A_75 = arith.shrui %add3A_68, %shift_right_logical3A_74 : vector<256x128xi32>
    %or3A_76 = arith.ori %shift_left3A_72, %shift_right_logical3A_75 : vector<256x128xi32>
    %xor3A_77 = arith.xori %or3A_76, %add3A_69 : vector<256x128xi32>
    %add3A_78 = arith.addi %add3A_69, %xor3A_77 : vector<256x128xi32>
    %shift_left3A_79 = arith.constant 29 : i32
    %shift_left3A_80 = vector.broadcast %shift_left3A_79 : i32 to vector<256x128xi32>
    %shift_left3A_81 = arith.shli %xor3A_77, %shift_left3A_80 : vector<256x128xi32>
    %shift_right_logical3A_82 = arith.constant 3 : i32
    %shift_right_logical3A_83 = vector.broadcast %shift_right_logical3A_82 : i32 to vector<256x128xi32>
    %shift_right_logical3A_84 = arith.shrui %xor3A_77, %shift_right_logical3A_83 : vector<256x128xi32>
    %or3A_85 = arith.ori %shift_left3A_81, %shift_right_logical3A_84 : vector<256x128xi32>
    %xor3A_86 = arith.xori %or3A_85, %add3A_78 : vector<256x128xi32>
    %add3A_87 = arith.addi %add3A_78, %xor3A_86 : vector<256x128xi32>
    %shift_left3A_88 = arith.constant 16 : i32
    %shift_left3A_89 = vector.broadcast %shift_left3A_88 : i32 to vector<256x128xi32>
    %shift_left3A_90 = arith.shli %xor3A_86, %shift_left3A_89 : vector<256x128xi32>
    %shift_right_logical3A_91 = arith.constant 16 : i32
    %shift_right_logical3A_92 = vector.broadcast %shift_right_logical3A_91 : i32 to vector<256x128xi32>
    %shift_right_logical3A_93 = arith.shrui %xor3A_86, %shift_right_logical3A_92 : vector<256x128xi32>
    %or3A_94 = arith.ori %shift_left3A_90, %shift_right_logical3A_93 : vector<256x128xi32>
    %xor3A_95 = arith.xori %or3A_94, %add3A_87 : vector<256x128xi32>
    %add3A_96 = arith.addi %add3A_87, %xor3A_95 : vector<256x128xi32>
    %shift_left3A_97 = arith.constant 24 : i32
    %shift_left3A_98 = vector.broadcast %shift_left3A_97 : i32 to vector<256x128xi32>
    %shift_left3A_99 = arith.shli %xor3A_95, %shift_left3A_98 : vector<256x128xi32>
    %shift_right_logical3A_100 = arith.constant 8 : i32
    %shift_right_logical3A_101 = vector.broadcast %shift_right_logical3A_100 : i32 to vector<256x128xi32>
    %shift_right_logical3A_102 = arith.shrui %xor3A_95, %shift_right_logical3A_101 : vector<256x128xi32>
    %or3A_103 = arith.ori %shift_left3A_99, %shift_right_logical3A_102 : vector<256x128xi32>
    %xor3A_104 = arith.xori %or3A_103, %add3A_96 : vector<256x128xi32>
    %add3A_105 = vector.broadcast %xor3A_19 : i32 to vector<256x128xi32>
    %add3A_106 = arith.addi %add3A_96, %add3A_105 : vector<256x128xi32>
    %add3A_107 = arith.constant 0 : i32
    %add3A_108 = vector.broadcast %add3A_107 : i32 to vector<256x128xi32>
    %add3A_109 = arith.addi %xor3A_104, %add3A_108 : vector<256x128xi32>
    %add3A_110 = arith.constant 2 : i32
    %add3A_111 = vector.broadcast %add3A_110 : i32 to vector<256x128xi32>
    %add3A_112 = arith.addi %add3A_109, %add3A_111 : vector<256x128xi32>
    %add3A_113 = arith.addi %add3A_106, %add3A_112 : vector<256x128xi32>
    %shift_left3A_114 = arith.constant 13 : i32
    %shift_left3A_115 = vector.broadcast %shift_left3A_114 : i32 to vector<256x128xi32>
    %shift_left3A_116 = arith.shli %add3A_112, %shift_left3A_115 : vector<256x128xi32>
    %shift_right_logical3A_117 = arith.constant 19 : i32
    %shift_right_logical3A_118 = vector.broadcast %shift_right_logical3A_117 : i32 to vector<256x128xi32>
    %shift_right_logical3A_119 = arith.shrui %add3A_112, %shift_right_logical3A_118 : vector<256x128xi32>
    %or3A_120 = arith.ori %shift_left3A_116, %shift_right_logical3A_119 : vector<256x128xi32>
    %xor3A_121 = arith.xori %or3A_120, %add3A_113 : vector<256x128xi32>
    %add3A_122 = arith.addi %add3A_113, %xor3A_121 : vector<256x128xi32>
    %shift_left3A_123 = arith.constant 15 : i32
    %shift_left3A_124 = vector.broadcast %shift_left3A_123 : i32 to vector<256x128xi32>
    %shift_left3A_125 = arith.shli %xor3A_121, %shift_left3A_124 : vector<256x128xi32>
    %shift_right_logical3A_126 = arith.constant 17 : i32
    %shift_right_logical3A_127 = vector.broadcast %shift_right_logical3A_126 : i32 to vector<256x128xi32>
    %shift_right_logical3A_128 = arith.shrui %xor3A_121, %shift_right_logical3A_127 : vector<256x128xi32>
    %or3A_129 = arith.ori %shift_left3A_125, %shift_right_logical3A_128 : vector<256x128xi32>
    %xor3A_130 = arith.xori %or3A_129, %add3A_122 : vector<256x128xi32>
    %add3A_131 = arith.addi %add3A_122, %xor3A_130 : vector<256x128xi32>
    %shift_left3A_132 = arith.constant 26 : i32
    %shift_left3A_133 = vector.broadcast %shift_left3A_132 : i32 to vector<256x128xi32>
    %shift_left3A_134 = arith.shli %xor3A_130, %shift_left3A_133 : vector<256x128xi32>
    %shift_right_logical3A_135 = arith.constant 6 : i32
    %shift_right_logical3A_136 = vector.broadcast %shift_right_logical3A_135 : i32 to vector<256x128xi32>
    %shift_right_logical3A_137 = arith.shrui %xor3A_130, %shift_right_logical3A_136 : vector<256x128xi32>
    %or3A_138 = arith.ori %shift_left3A_134, %shift_right_logical3A_137 : vector<256x128xi32>
    %xor3A_139 = arith.xori %or3A_138, %add3A_131 : vector<256x128xi32>
    %add3A_140 = arith.addi %add3A_131, %xor3A_139 : vector<256x128xi32>
    %shift_left3A_141 = arith.constant 6 : i32
    %shift_left3A_142 = vector.broadcast %shift_left3A_141 : i32 to vector<256x128xi32>
    %shift_left3A_143 = arith.shli %xor3A_139, %shift_left3A_142 : vector<256x128xi32>
    %shift_right_logical3A_144 = arith.constant 26 : i32
    %shift_right_logical3A_145 = vector.broadcast %shift_right_logical3A_144 : i32 to vector<256x128xi32>
    %shift_right_logical3A_146 = arith.shrui %xor3A_139, %shift_right_logical3A_145 : vector<256x128xi32>
    %or3A_147 = arith.ori %shift_left3A_143, %shift_right_logical3A_146 : vector<256x128xi32>
    %xor3A_148 = arith.xori %or3A_147, %add3A_140 : vector<256x128xi32>
    %add3A_149 = arith.constant 0 : i32
    %add3A_150 = vector.broadcast %add3A_149 : i32 to vector<256x128xi32>
    %add3A_151 = arith.addi %add3A_140, %add3A_150 : vector<256x128xi32>
    %add3A_152 = arith.constant 42 : i32
    %add3A_153 = vector.broadcast %add3A_152 : i32 to vector<256x128xi32>
    %add3A_154 = arith.addi %xor3A_148, %add3A_153 : vector<256x128xi32>
    %add3A_155 = arith.constant 3 : i32
    %add3A_156 = vector.broadcast %add3A_155 : i32 to vector<256x128xi32>
    %add3A_157 = arith.addi %add3A_154, %add3A_156 : vector<256x128xi32>
    %add3A_158 = arith.addi %add3A_151, %add3A_157 : vector<256x128xi32>
    %shift_left3A_159 = arith.constant 17 : i32
    %shift_left3A_160 = vector.broadcast %shift_left3A_159 : i32 to vector<256x128xi32>
    %shift_left3A_161 = arith.shli %add3A_157, %shift_left3A_160 : vector<256x128xi32>
    %shift_right_logical3A_162 = arith.constant 15 : i32
    %shift_right_logical3A_163 = vector.broadcast %shift_right_logical3A_162 : i32 to vector<256x128xi32>
    %shift_right_logical3A_164 = arith.shrui %add3A_157, %shift_right_logical3A_163 : vector<256x128xi32>
    %or3A_165 = arith.ori %shift_left3A_161, %shift_right_logical3A_164 : vector<256x128xi32>
    %xor3A_166 = arith.xori %or3A_165, %add3A_158 : vector<256x128xi32>
    %add3A_167 = arith.addi %add3A_158, %xor3A_166 : vector<256x128xi32>
    %shift_left3A_168 = arith.constant 29 : i32
    %shift_left3A_169 = vector.broadcast %shift_left3A_168 : i32 to vector<256x128xi32>
    %shift_left3A_170 = arith.shli %xor3A_166, %shift_left3A_169 : vector<256x128xi32>
    %shift_right_logical3A_171 = arith.constant 3 : i32
    %shift_right_logical3A_172 = vector.broadcast %shift_right_logical3A_171 : i32 to vector<256x128xi32>
    %shift_right_logical3A_173 = arith.shrui %xor3A_166, %shift_right_logical3A_172 : vector<256x128xi32>
    %or3A_174 = arith.ori %shift_left3A_170, %shift_right_logical3A_173 : vector<256x128xi32>
    %xor3A_175 = arith.xori %or3A_174, %add3A_167 : vector<256x128xi32>
    %add3A_176 = arith.addi %add3A_167, %xor3A_175 : vector<256x128xi32>
    %shift_left3A_177 = arith.constant 16 : i32
    %shift_left3A_178 = vector.broadcast %shift_left3A_177 : i32 to vector<256x128xi32>
    %shift_left3A_179 = arith.shli %xor3A_175, %shift_left3A_178 : vector<256x128xi32>
    %shift_right_logical3A_180 = arith.constant 16 : i32
    %shift_right_logical3A_181 = vector.broadcast %shift_right_logical3A_180 : i32 to vector<256x128xi32>
    %shift_right_logical3A_182 = arith.shrui %xor3A_175, %shift_right_logical3A_181 : vector<256x128xi32>
    %or3A_183 = arith.ori %shift_left3A_179, %shift_right_logical3A_182 : vector<256x128xi32>
    %xor3A_184 = arith.xori %or3A_183, %add3A_176 : vector<256x128xi32>
    %add3A_185 = arith.addi %add3A_176, %xor3A_184 : vector<256x128xi32>
    %shift_left3A_186 = arith.constant 24 : i32
    %shift_left3A_187 = vector.broadcast %shift_left3A_186 : i32 to vector<256x128xi32>
    %shift_left3A_188 = arith.shli %xor3A_184, %shift_left3A_187 : vector<256x128xi32>
    %shift_right_logical3A_189 = arith.constant 8 : i32
    %shift_right_logical3A_190 = vector.broadcast %shift_right_logical3A_189 : i32 to vector<256x128xi32>
    %shift_right_logical3A_191 = arith.shrui %xor3A_184, %shift_right_logical3A_190 : vector<256x128xi32>
    %or3A_192 = arith.ori %shift_left3A_188, %shift_right_logical3A_191 : vector<256x128xi32>
    %xor3A_193 = arith.xori %or3A_192, %add3A_185 : vector<256x128xi32>
    %add3A_194 = arith.constant 42 : i32
    %add3A_195 = vector.broadcast %add3A_194 : i32 to vector<256x128xi32>
    %add3A_196 = arith.addi %add3A_185, %add3A_195 : vector<256x128xi32>
    %add3A_197 = vector.broadcast %xor3A_19 : i32 to vector<256x128xi32>
    %add3A_198 = arith.addi %xor3A_193, %add3A_197 : vector<256x128xi32>
    %add3A_199 = arith.constant 4 : i32
    %add3A_200 = vector.broadcast %add3A_199 : i32 to vector<256x128xi32>
    %add3A_201 = arith.addi %add3A_198, %add3A_200 : vector<256x128xi32>
    %add3A_202 = arith.addi %add3A_196, %add3A_201 : vector<256x128xi32>
    %shift_left3A_203 = arith.constant 13 : i32
    %shift_left3A_204 = vector.broadcast %shift_left3A_203 : i32 to vector<256x128xi32>
    %shift_left3A_205 = arith.shli %add3A_201, %shift_left3A_204 : vector<256x128xi32>
    %shift_right_logical3A_206 = arith.constant 19 : i32
    %shift_right_logical3A_207 = vector.broadcast %shift_right_logical3A_206 : i32 to vector<256x128xi32>
    %shift_right_logical3A_208 = arith.shrui %add3A_201, %shift_right_logical3A_207 : vector<256x128xi32>
    %or3A_209 = arith.ori %shift_left3A_205, %shift_right_logical3A_208 : vector<256x128xi32>
    %xor3A_210 = arith.xori %or3A_209, %add3A_202 : vector<256x128xi32>
    %add3A_211 = arith.addi %add3A_202, %xor3A_210 : vector<256x128xi32>
    %shift_left3A_212 = arith.constant 15 : i32
    %shift_left3A_213 = vector.broadcast %shift_left3A_212 : i32 to vector<256x128xi32>
    %shift_left3A_214 = arith.shli %xor3A_210, %shift_left3A_213 : vector<256x128xi32>
    %shift_right_logical3A_215 = arith.constant 17 : i32
    %shift_right_logical3A_216 = vector.broadcast %shift_right_logical3A_215 : i32 to vector<256x128xi32>
    %shift_right_logical3A_217 = arith.shrui %xor3A_210, %shift_right_logical3A_216 : vector<256x128xi32>
    %or3A_218 = arith.ori %shift_left3A_214, %shift_right_logical3A_217 : vector<256x128xi32>
    %xor3A_219 = arith.xori %or3A_218, %add3A_211 : vector<256x128xi32>
    %add3A_220 = arith.addi %add3A_211, %xor3A_219 : vector<256x128xi32>
    %shift_left3A_221 = arith.constant 26 : i32
    %shift_left3A_222 = vector.broadcast %shift_left3A_221 : i32 to vector<256x128xi32>
    %shift_left3A_223 = arith.shli %xor3A_219, %shift_left3A_222 : vector<256x128xi32>
    %shift_right_logical3A_224 = arith.constant 6 : i32
    %shift_right_logical3A_225 = vector.broadcast %shift_right_logical3A_224 : i32 to vector<256x128xi32>
    %shift_right_logical3A_226 = arith.shrui %xor3A_219, %shift_right_logical3A_225 : vector<256x128xi32>
    %or3A_227 = arith.ori %shift_left3A_223, %shift_right_logical3A_226 : vector<256x128xi32>
    %xor3A_228 = arith.xori %or3A_227, %add3A_220 : vector<256x128xi32>
    %add3A_229 = arith.addi %add3A_220, %xor3A_228 : vector<256x128xi32>
    %shift_left3A_230 = arith.constant 6 : i32
    %shift_left3A_231 = vector.broadcast %shift_left3A_230 : i32 to vector<256x128xi32>
    %shift_left3A_232 = arith.shli %xor3A_228, %shift_left3A_231 : vector<256x128xi32>
    %shift_right_logical3A_233 = arith.constant 26 : i32
    %shift_right_logical3A_234 = vector.broadcast %shift_right_logical3A_233 : i32 to vector<256x128xi32>
    %shift_right_logical3A_235 = arith.shrui %xor3A_228, %shift_right_logical3A_234 : vector<256x128xi32>
    %or3A_236 = arith.ori %shift_left3A_232, %shift_right_logical3A_235 : vector<256x128xi32>
    %xor3A_237 = arith.xori %or3A_236, %add3A_229 : vector<256x128xi32>
    %add3A_238 = vector.broadcast %xor3A_19 : i32 to vector<256x128xi32>
    %add3A_239 = arith.addi %add3A_229, %add3A_238 : vector<256x128xi32>
    %add3A_240 = arith.constant 0 : i32
    %add3A_241 = vector.broadcast %add3A_240 : i32 to vector<256x128xi32>
    %add3A_242 = arith.addi %xor3A_237, %add3A_241 : vector<256x128xi32>
    %add3A_243 = arith.constant 5 : i32
    %add3A_244 = vector.broadcast %add3A_243 : i32 to vector<256x128xi32>
    %add3A_245 = arith.addi %add3A_242, %add3A_244 : vector<256x128xi32>
    %xor3A_246 = arith.xori %add3A_239, %add3A_245 : vector<256x128xi32>
    %shift_right_logical3A_247 = arith.constant 9 : i32
    %shift_right_logical3A_248 = vector.broadcast %shift_right_logical3A_247 : i32 to vector<256x128xi32>
    %shift_right_logical3A_249 = arith.shrui %xor3A_246, %shift_right_logical3A_248 : vector<256x128xi32>
    %or3A_250 = arith.constant 1065353216 : i32
    %or3A_251 = vector.broadcast %or3A_250 : i32 to vector<256x128xi32>
    %or3A_252 = arith.ori %shift_right_logical3A_249, %or3A_251 : vector<256x128xi32>
    %bitcast3A = tpu.bitcast %or3A_252 : vector<256x128xi32> -> vector<256x128xf32>
    %sub3A_253 = arith.constant 1.000000e+00 : f32
    %sub3A_254 = vector.broadcast %sub3A_253 : f32 to vector<256x128xf32>
    %sub3A_255 = arith.subf %bitcast3A, %sub3A_254 : vector<256x128xf32>
    %sub3A_256 = arith.constant 1.000000e+00 : f32
    %sub3A_257 = arith.constant -0.99999994 : f32
    %sub3A_258 = arith.subf %sub3A_256, %sub3A_257 : f32
    %mul3A_259 = vector.broadcast %sub3A_258 : f32 to vector<256x128xf32>
    %mul3A_260 = arith.mulf %sub3A_255, %mul3A_259 : vector<256x128xf32>
    %add3A_261 = arith.constant -0.99999994 : f32
    %add3A_262 = vector.broadcast %add3A_261 : f32 to vector<256x128xf32>
    %add3A_263 = arith.addf %mul3A_260, %add3A_262 : vector<256x128xf32>
    %neg3A = arith.constant 0.000000e+00 : f32
    %neg3A_264 = vector.broadcast %neg3A : f32 to vector<256x128xf32>
    %neg3A_265 = arith.subf %neg3A_264, %add3A_263 : vector<256x128xf32>
    %mul3A_266 = arith.mulf %neg3A_265, %add3A_263 : vector<256x128xf32>
    %log1p3A = math.log1p %mul3A_266 : vector<256x128xf32>
    %neg3A_267 = arith.constant 0.000000e+00 : f32
    %neg3A_268 = vector.broadcast %neg3A_267 : f32 to vector<256x128xf32>
    %neg3A_269 = arith.subf %neg3A_268, %log1p3A : vector<256x128xf32>
    %lt3A = arith.constant 5.000000e+00 : f32
    %lt3A_270 = vector.broadcast %lt3A : f32 to vector<256x128xf32>
    %lt3A_271 = arith.cmpf olt, %neg3A_269, %lt3A_270 : vector<256x128xf32>
    %sub3A_272 = arith.constant 2.500000e+00 : f32
    %sub3A_273 = vector.broadcast %sub3A_272 : f32 to vector<256x128xf32>
    %sub3A_274 = arith.subf %neg3A_269, %sub3A_273 : vector<256x128xf32>
    %sqrt3A = math.sqrt %neg3A_269 : vector<256x128xf32>
    %sub3A_275 = arith.constant 3.000000e+00 : f32
    %sub3A_276 = vector.broadcast %sub3A_275 : f32 to vector<256x128xf32>
    %sub3A_277 = arith.subf %sqrt3A, %sub3A_276 : vector<256x128xf32>
    %broadcast_in_dim3A_278 = arith.constant 2.81022636E-8 : f32
    %broadcast_in_dim3A_279 = vector.broadcast %broadcast_in_dim3A_278 : f32 to vector<256x128xf32>
    %mul3A_280 = arith.mulf %broadcast_in_dim3A_279, %sub3A_274 : vector<256x128xf32>
    %add3A_281 = arith.constant 3.43273939E-7 : f32
    %add3A_282 = vector.broadcast %add3A_281 : f32 to vector<256x128xf32>
    %add3A_283 = arith.addf %mul3A_280, %add3A_282 : vector<256x128xf32>
    %mul3A_284 = arith.mulf %add3A_283, %sub3A_274 : vector<256x128xf32>
    %add3A_285 = arith.constant -3.5233877E-6 : f32
    %add3A_286 = vector.broadcast %add3A_285 : f32 to vector<256x128xf32>
    %add3A_287 = arith.addf %mul3A_284, %add3A_286 : vector<256x128xf32>
    %mul3A_288 = arith.mulf %add3A_287, %sub3A_274 : vector<256x128xf32>
    %add3A_289 = arith.constant -4.39150654E-6 : f32
    %add3A_290 = vector.broadcast %add3A_289 : f32 to vector<256x128xf32>
    %add3A_291 = arith.addf %mul3A_288, %add3A_290 : vector<256x128xf32>
    %mul3A_292 = arith.mulf %add3A_291, %sub3A_274 : vector<256x128xf32>
    %add3A_293 = arith.constant 2.1858087E-4 : f32
    %add3A_294 = vector.broadcast %add3A_293 : f32 to vector<256x128xf32>
    %add3A_295 = arith.addf %mul3A_292, %add3A_294 : vector<256x128xf32>
    %mul3A_296 = arith.mulf %add3A_295, %sub3A_274 : vector<256x128xf32>
    %add3A_297 = arith.constant -0.00125372503 : f32
    %add3A_298 = vector.broadcast %add3A_297 : f32 to vector<256x128xf32>
    %add3A_299 = arith.addf %mul3A_296, %add3A_298 : vector<256x128xf32>
    %mul3A_300 = arith.mulf %add3A_299, %sub3A_274 : vector<256x128xf32>
    %add3A_301 = arith.constant -0.00417768164 : f32
    %add3A_302 = vector.broadcast %add3A_301 : f32 to vector<256x128xf32>
    %add3A_303 = arith.addf %mul3A_300, %add3A_302 : vector<256x128xf32>
    %mul3A_304 = arith.mulf %add3A_303, %sub3A_274 : vector<256x128xf32>
    %add3A_305 = arith.constant 0.246640727 : f32
    %add3A_306 = vector.broadcast %add3A_305 : f32 to vector<256x128xf32>
    %add3A_307 = arith.addf %mul3A_304, %add3A_306 : vector<256x128xf32>
    %mul3A_308 = arith.mulf %add3A_307, %sub3A_274 : vector<256x128xf32>
    %add3A_309 = arith.constant 1.50140941 : f32
    %add3A_310 = vector.broadcast %add3A_309 : f32 to vector<256x128xf32>
    %add3A_311 = arith.addf %mul3A_308, %add3A_310 : vector<256x128xf32>
    %broadcast_in_dim3A_312 = arith.constant -2.00214257E-4 : f32
    %broadcast_in_dim3A_313 = vector.broadcast %broadcast_in_dim3A_312 : f32 to vector<256x128xf32>
    %mul3A_314 = arith.mulf %broadcast_in_dim3A_313, %sub3A_277 : vector<256x128xf32>
    %add3A_315 = arith.constant 1.00950558E-4 : f32
    %add3A_316 = vector.broadcast %add3A_315 : f32 to vector<256x128xf32>
    %add3A_317 = arith.addf %mul3A_314, %add3A_316 : vector<256x128xf32>
    %mul3A_318 = arith.mulf %add3A_317, %sub3A_277 : vector<256x128xf32>
    %add3A_319 = arith.constant 0.00134934322 : f32
    %add3A_320 = vector.broadcast %add3A_319 : f32 to vector<256x128xf32>
    %add3A_321 = arith.addf %mul3A_318, %add3A_320 : vector<256x128xf32>
    %mul3A_322 = arith.mulf %add3A_321, %sub3A_277 : vector<256x128xf32>
    %add3A_323 = arith.constant -0.00367342844 : f32
    %add3A_324 = vector.broadcast %add3A_323 : f32 to vector<256x128xf32>
    %add3A_325 = arith.addf %mul3A_322, %add3A_324 : vector<256x128xf32>
    %mul3A_326 = arith.mulf %add3A_325, %sub3A_277 : vector<256x128xf32>
    %add3A_327 = arith.constant 0.00573950773 : f32
    %add3A_328 = vector.broadcast %add3A_327 : f32 to vector<256x128xf32>
    %add3A_329 = arith.addf %mul3A_326, %add3A_328 : vector<256x128xf32>
    %mul3A_330 = arith.mulf %add3A_329, %sub3A_277 : vector<256x128xf32>
    %add3A_331 = arith.constant -0.0076224613 : f32
    %add3A_332 = vector.broadcast %add3A_331 : f32 to vector<256x128xf32>
    %add3A_333 = arith.addf %mul3A_330, %add3A_332 : vector<256x128xf32>
    %mul3A_334 = arith.mulf %add3A_333, %sub3A_277 : vector<256x128xf32>
    %add3A_335 = arith.constant 0.00943887047 : f32
    %add3A_336 = vector.broadcast %add3A_335 : f32 to vector<256x128xf32>
    %add3A_337 = arith.addf %mul3A_334, %add3A_336 : vector<256x128xf32>
    %mul3A_338 = arith.mulf %add3A_337, %sub3A_277 : vector<256x128xf32>
    %add3A_339 = arith.constant 1.00167406 : f32
    %add3A_340 = vector.broadcast %add3A_339 : f32 to vector<256x128xf32>
    %add3A_341 = arith.addf %mul3A_338, %add3A_340 : vector<256x128xf32>
    %mul3A_342 = arith.mulf %add3A_341, %sub3A_277 : vector<256x128xf32>
    %add3A_343 = arith.constant 2.83297682 : f32
    %add3A_344 = vector.broadcast %add3A_343 : f32 to vector<256x128xf32>
    %add3A_345 = arith.addf %mul3A_342, %add3A_344 : vector<256x128xf32>
    %select_n3A_346 = arith.select %lt3A_271, %add3A_311, %add3A_345 : vector<256x128xi1>, vector<256x128xf32>
    %mul3A_347 = arith.mulf %select_n3A_346, %add3A_263 : vector<256x128xf32>
    %mul3A_348 = arith.constant 1.41421354 : f32
    %mul3A_349 = vector.broadcast %mul3A_348 : f32 to vector<256x128xf32>
    %mul3A_350 = arith.mulf %mul3A_349, %mul3A_347 : vector<256x128xf32>
    %slice3A_351 = vector.extract_strided_slice %mul3A_350 {offsets = [0, 0], sizes = [256, 64], strides = [1, 1]} : vector<256x128xf32> to vector<256x64xf32>
    %slice3A_352 = vector.extract_strided_slice %mul3A_350 {offsets = [0, 64], sizes = [256, 64], strides = [1, 1]} : vector<256x128xf32> to vector<256x64xf32>
    %concatenate3A = tpu.concatenate %slice3A_351, %slice3A_352 in 0 : vector<256x64xf32>, vector<256x64xf32> -> vector<512x64xf32>
    %custom_jvp_call3A = arith.constant 0.000000e+00 : f32
    %max3A = vector.broadcast %custom_jvp_call3A : f32 to vector<512x64xf32>
    %max3A_353 = arith.maximumf %slice3A_2, %max3A : vector<512x64xf32>
    %sub3A_354 = vector.broadcast %custom_jvp_call3A : f32 to vector<512x64xf32>
    %sub3A_355 = arith.subf %slice3A_2, %sub3A_354 : vector<512x64xf32>
    %ne3A = arith.cmpf one, %sub3A_355, %sub3A_355 : vector<512x64xf32>
    %add3A_356 = vector.broadcast %custom_jvp_call3A : f32 to vector<512x64xf32>
    %add3A_357 = arith.addf %slice3A_2, %add3A_356 : vector<512x64xf32>
    %abs3A = math.absf %sub3A_355 : vector<512x64xf32>
    %neg3A_358 = arith.constant 0.000000e+00 : f32
    %neg3A_359 = vector.broadcast %neg3A_358 : f32 to vector<512x64xf32>
    %neg3A_360 = arith.subf %neg3A_359, %abs3A : vector<512x64xf32>
    %exp3A = math.exp %neg3A_360 : vector<512x64xf32>
    %log1p3A_361 = math.log1p %exp3A : vector<512x64xf32>
    %add3A_362 = arith.addf %max3A_353, %log1p3A_361 : vector<512x64xf32>
    %select_n3A_363 = arith.select %ne3A, %add3A_357, %add3A_362 : vector<512x64xi1>, vector<512x64xf32>
    %mul3A_364 = arith.mulf %concatenate3A, %select_n3A_363 : vector<512x64xf32>
    %add3A_365 = arith.addf %slice3A, %mul3A_364 : vector<512x64xf32>
    %slice3A_366 = vector.extract_strided_slice %add3A_365 {offsets = [0, 0], sizes = [64, 64], strides = [1, 1]} : vector<512x64xf32> to vector<64x64xf32>
    %iota3A_367 = tpu.iota {dimensions = array<i32: 1>} : vector<64x64xi32>
    %convert_element_type3A = arith.sitofp %iota3A_367 : vector<64x64xi32> to vector<64x64xf32>
    %iota3A_368 = tpu.iota {dimensions = array<i32: 1>} : vector<64x8xi32>
    %broadcast_in_dim3A_369 = arith.constant 0 : i32
    %broadcast_in_dim3A_370 = vector.broadcast %broadcast_in_dim3A_369 : i32 to vector<64x8xi32>
    %reduce_max3A = arith.constant dense<0xFF800000> : vector<64xf32>
    %reduce_max3A_371 = vector.multi_reduction <maximumf>, %slice3A_366, %reduce_max3A [1] : vector<64x64xf32> to vector<64xf32>
    %broadcast_in_dim3A_372 = vector.shape_cast %reduce_max3A_371 : vector<64xf32> to vector<64x1xf32>
    %eq3A = vector.broadcast %broadcast_in_dim3A_372 : vector<64x1xf32> to vector<64x64xf32>
    %eq3A_373 = arith.cmpf oeq, %slice3A_366, %eq3A : vector<64x64xf32>
    %jit3A_374 = arith.constant 1.280000e+02 : f32
    %broadcast_in_dim3A_375 = vector.broadcast %jit3A_374 : f32 to vector<64x64xf32>
    %select_n3A_376 = arith.select %eq3A_373, %convert_element_type3A, %broadcast_in_dim3A_375 : vector<64x64xi1>, vector<64x64xf32>
    %reduce_min3A = arith.constant dense<0x7F800000> : vector<64xf32>
    %reduce_min3A_377 = vector.multi_reduction <minimumf>, %select_n3A_376, %reduce_min3A [1] : vector<64x64xf32> to vector<64xf32>
    %broadcast_in_dim3A_378 = vector.shape_cast %reduce_min3A_377 : vector<64xf32> to vector<64x1xf32>
    %eq3A_379 = arith.constant 0 : i32
    %eq3A_380 = vector.broadcast %eq3A_379 : i32 to vector<64x8xi32>
    %eq3A_381 = arith.cmpi eq, %iota3A_368, %eq3A_380 : vector<64x8xi32>
    %convert_element_type3A_382 = arith.fptosi %broadcast_in_dim3A_378 : vector<64x1xf32> to vector<64x1xi32>
    %broadcast_in_dim3A_383 = vector.shape_cast %convert_element_type3A_382 : vector<64x1xi32> to vector<64x1xi32>
    %broadcast_in_dim3A_384 = vector.broadcast %broadcast_in_dim3A_383 : vector<64x1xi32> to vector<64x8xi32>
    %select_n3A_385 = arith.select %eq3A_381, %broadcast_in_dim3A_384, %broadcast_in_dim3A_370 : vector<64x8xi1>, vector<64x8xi32>
    %eq3A_386 = vector.broadcast %broadcast_in_dim3A_378 : vector<64x1xf32> to vector<64x64xf32>
    %eq3A_387 = arith.cmpf oeq, %convert_element_type3A, %eq3A_386 : vector<64x64xf32>
    %jit3A_388 = arith.constant 0xFF800000 : f32
    %broadcast_in_dim3A_389 = vector.broadcast %jit3A_388 : f32 to vector<64x64xf32>
    %select_n3A_390 = arith.select %eq3A_387, %broadcast_in_dim3A_389, %slice3A_366 : vector<64x64xi1>, vector<64x64xf32>
    %reduce_max3A_391 = arith.constant dense<0xFF800000> : vector<64xf32>
    %reduce_max3A_392 = vector.multi_reduction <maximumf>, %select_n3A_390, %reduce_max3A_391 [1] : vector<64x64xf32> to vector<64xf32>
    %broadcast_in_dim3A_393 = vector.shape_cast %reduce_max3A_392 : vector<64xf32> to vector<64x1xf32>
    %eq3A_394 = vector.broadcast %broadcast_in_dim3A_393 : vector<64x1xf32> to vector<64x64xf32>
    %eq3A_395 = arith.cmpf oeq, %select_n3A_390, %eq3A_394 : vector<64x64xf32>
    %jit3A_396 = arith.constant 1.280000e+02 : f32
    %broadcast_in_dim3A_397 = vector.broadcast %jit3A_396 : f32 to vector<64x64xf32>
    %select_n3A_398 = arith.select %eq3A_395, %convert_element_type3A, %broadcast_in_dim3A_397 : vector<64x64xi1>, vector<64x64xf32>
    %reduce_min3A_399 = arith.constant dense<0x7F800000> : vector<64xf32>
    %reduce_min3A_400 = vector.multi_reduction <minimumf>, %select_n3A_398, %reduce_min3A_399 [1] : vector<64x64xf32> to vector<64xf32>
    %broadcast_in_dim3A_401 = vector.shape_cast %reduce_min3A_400 : vector<64xf32> to vector<64x1xf32>
    %eq3A_402 = arith.constant 1 : i32
    %eq3A_403 = vector.broadcast %eq3A_402 : i32 to vector<64x8xi32>
    %eq3A_404 = arith.cmpi eq, %iota3A_368, %eq3A_403 : vector<64x8xi32>
    %convert_element_type3A_405 = arith.fptosi %broadcast_in_dim3A_401 : vector<64x1xf32> to vector<64x1xi32>
    %broadcast_in_dim3A_406 = vector.shape_cast %convert_element_type3A_405 : vector<64x1xi32> to vector<64x1xi32>
    %broadcast_in_dim3A_407 = vector.broadcast %broadcast_in_dim3A_406 : vector<64x1xi32> to vector<64x8xi32>
    %select_n3A_408 = arith.select %eq3A_404, %broadcast_in_dim3A_407, %select_n3A_385 : vector<64x8xi1>, vector<64x8xi32>
    %eq3A_409 = vector.broadcast %broadcast_in_dim3A_401 : vector<64x1xf32> to vector<64x64xf32>
    %eq3A_410 = arith.cmpf oeq, %convert_element_type3A, %eq3A_409 : vector<64x64xf32>
    %jit3A_411 = arith.constant 0xFF800000 : f32
    %broadcast_in_dim3A_412 = vector.broadcast %jit3A_411 : f32 to vector<64x64xf32>
    %select_n3A_413 = arith.select %eq3A_410, %broadcast_in_dim3A_412, %select_n3A_390 : vector<64x64xi1>, vector<64x64xf32>
    %reduce_max3A_414 = arith.constant dense<0xFF800000> : vector<64xf32>
    %reduce_max3A_415 = vector.multi_reduction <maximumf>, %select_n3A_413, %reduce_max3A_414 [1] : vector<64x64xf32> to vector<64xf32>
    %broadcast_in_dim3A_416 = vector.shape_cast %reduce_max3A_415 : vector<64xf32> to vector<64x1xf32>
    %eq3A_417 = vector.broadcast %broadcast_in_dim3A_416 : vector<64x1xf32> to vector<64x64xf32>
    %eq3A_418 = arith.cmpf oeq, %select_n3A_413, %eq3A_417 : vector<64x64xf32>
    %jit3A_419 = arith.constant 1.280000e+02 : f32
    %broadcast_in_dim3A_420 = vector.broadcast %jit3A_419 : f32 to vector<64x64xf32>
    %select_n3A_421 = arith.select %eq3A_418, %convert_element_type3A, %broadcast_in_dim3A_420 : vector<64x64xi1>, vector<64x64xf32>
    %reduce_min3A_422 = arith.constant dense<0x7F800000> : vector<64xf32>
    %reduce_min3A_423 = vector.multi_reduction <minimumf>, %select_n3A_421, %reduce_min3A_422 [1] : vector<64x64xf32> to vector<64xf32>
    %broadcast_in_dim3A_424 = vector.shape_cast %reduce_min3A_423 : vector<64xf32> to vector<64x1xf32>
    %eq3A_425 = arith.constant 2 : i32
    %eq3A_426 = vector.broadcast %eq3A_425 : i32 to vector<64x8xi32>
    %eq3A_427 = arith.cmpi eq, %iota3A_368, %eq3A_426 : vector<64x8xi32>
    %convert_element_type3A_428 = arith.fptosi %broadcast_in_dim3A_424 : vector<64x1xf32> to vector<64x1xi32>
    %broadcast_in_dim3A_429 = vector.shape_cast %convert_element_type3A_428 : vector<64x1xi32> to vector<64x1xi32>
    %broadcast_in_dim3A_430 = vector.broadcast %broadcast_in_dim3A_429 : vector<64x1xi32> to vector<64x8xi32>
    %select_n3A_431 = arith.select %eq3A_427, %broadcast_in_dim3A_430, %select_n3A_408 : vector<64x8xi1>, vector<64x8xi32>
    %eq3A_432 = vector.broadcast %broadcast_in_dim3A_424 : vector<64x1xf32> to vector<64x64xf32>
    %eq3A_433 = arith.cmpf oeq, %convert_element_type3A, %eq3A_432 : vector<64x64xf32>
    %jit3A_434 = arith.constant 0xFF800000 : f32
    %broadcast_in_dim3A_435 = vector.broadcast %jit3A_434 : f32 to vector<64x64xf32>
    %select_n3A_436 = arith.select %eq3A_433, %broadcast_in_dim3A_435, %select_n3A_413 : vector<64x64xi1>, vector<64x64xf32>
    %reduce_max3A_437 = arith.constant dense<0xFF800000> : vector<64xf32>
    %reduce_max3A_438 = vector.multi_reduction <maximumf>, %select_n3A_436, %reduce_max3A_437 [1] : vector<64x64xf32> to vector<64xf32>
    %broadcast_in_dim3A_439 = vector.shape_cast %reduce_max3A_438 : vector<64xf32> to vector<64x1xf32>
    %eq3A_440 = vector.broadcast %broadcast_in_dim3A_439 : vector<64x1xf32> to vector<64x64xf32>
    %eq3A_441 = arith.cmpf oeq, %select_n3A_436, %eq3A_440 : vector<64x64xf32>
    %jit3A_442 = arith.constant 1.280000e+02 : f32
    %broadcast_in_dim3A_443 = vector.broadcast %jit3A_442 : f32 to vector<64x64xf32>
    %select_n3A_444 = arith.select %eq3A_441, %convert_element_type3A, %broadcast_in_dim3A_443 : vector<64x64xi1>, vector<64x64xf32>
    %reduce_min3A_445 = arith.constant dense<0x7F800000> : vector<64xf32>
    %reduce_min3A_446 = vector.multi_reduction <minimumf>, %select_n3A_444, %reduce_min3A_445 [1] : vector<64x64xf32> to vector<64xf32>
    %broadcast_in_dim3A_447 = vector.shape_cast %reduce_min3A_446 : vector<64xf32> to vector<64x1xf32>
    %eq3A_448 = arith.constant 3 : i32
    %eq3A_449 = vector.broadcast %eq3A_448 : i32 to vector<64x8xi32>
    %eq3A_450 = arith.cmpi eq, %iota3A_368, %eq3A_449 : vector<64x8xi32>
    %convert_element_type3A_451 = arith.fptosi %broadcast_in_dim3A_447 : vector<64x1xf32> to vector<64x1xi32>
    %broadcast_in_dim3A_452 = vector.shape_cast %convert_element_type3A_451 : vector<64x1xi32> to vector<64x1xi32>
    %broadcast_in_dim3A_453 = vector.broadcast %broadcast_in_dim3A_452 : vector<64x1xi32> to vector<64x8xi32>
    %select_n3A_454 = arith.select %eq3A_450, %broadcast_in_dim3A_453, %select_n3A_431 : vector<64x8xi1>, vector<64x8xi32>
    %eq3A_455 = vector.broadcast %broadcast_in_dim3A_447 : vector<64x1xf32> to vector<64x64xf32>
    %eq3A_456 = arith.cmpf oeq, %convert_element_type3A, %eq3A_455 : vector<64x64xf32>
    %jit3A_457 = arith.constant 0xFF800000 : f32
    %broadcast_in_dim3A_458 = vector.broadcast %jit3A_457 : f32 to vector<64x64xf32>
    %select_n3A_459 = arith.select %eq3A_456, %broadcast_in_dim3A_458, %select_n3A_436 : vector<64x64xi1>, vector<64x64xf32>
    %reduce_max3A_460 = arith.constant dense<0xFF800000> : vector<64xf32>
    %reduce_max3A_461 = vector.multi_reduction <maximumf>, %select_n3A_459, %reduce_max3A_460 [1] : vector<64x64xf32> to vector<64xf32>
    %broadcast_in_dim3A_462 = vector.shape_cast %reduce_max3A_461 : vector<64xf32> to vector<64x1xf32>
    %eq3A_463 = vector.broadcast %broadcast_in_dim3A_462 : vector<64x1xf32> to vector<64x64xf32>
    %eq3A_464 = arith.cmpf oeq, %select_n3A_459, %eq3A_463 : vector<64x64xf32>
    %jit3A_465 = arith.constant 1.280000e+02 : f32
    %broadcast_in_dim3A_466 = vector.broadcast %jit3A_465 : f32 to vector<64x64xf32>
    %select_n3A_467 = arith.select %eq3A_464, %convert_element_type3A, %broadcast_in_dim3A_466 : vector<64x64xi1>, vector<64x64xf32>
    %reduce_min3A_468 = arith.constant dense<0x7F800000> : vector<64xf32>
    %reduce_min3A_469 = vector.multi_reduction <minimumf>, %select_n3A_467, %reduce_min3A_468 [1] : vector<64x64xf32> to vector<64xf32>
    %broadcast_in_dim3A_470 = vector.shape_cast %reduce_min3A_469 : vector<64xf32> to vector<64x1xf32>
    %eq3A_471 = arith.constant 4 : i32
    %eq3A_472 = vector.broadcast %eq3A_471 : i32 to vector<64x8xi32>
    %eq3A_473 = arith.cmpi eq, %iota3A_368, %eq3A_472 : vector<64x8xi32>
    %convert_element_type3A_474 = arith.fptosi %broadcast_in_dim3A_470 : vector<64x1xf32> to vector<64x1xi32>
    %broadcast_in_dim3A_475 = vector.shape_cast %convert_element_type3A_474 : vector<64x1xi32> to vector<64x1xi32>
    %broadcast_in_dim3A_476 = vector.broadcast %broadcast_in_dim3A_475 : vector<64x1xi32> to vector<64x8xi32>
    %select_n3A_477 = arith.select %eq3A_473, %broadcast_in_dim3A_476, %select_n3A_454 : vector<64x8xi1>, vector<64x8xi32>
    %eq3A_478 = vector.broadcast %broadcast_in_dim3A_470 : vector<64x1xf32> to vector<64x64xf32>
    %eq3A_479 = arith.cmpf oeq, %convert_element_type3A, %eq3A_478 : vector<64x64xf32>
    %jit3A_480 = arith.constant 0xFF800000 : f32
    %broadcast_in_dim3A_481 = vector.broadcast %jit3A_480 : f32 to vector<64x64xf32>
    %select_n3A_482 = arith.select %eq3A_479, %broadcast_in_dim3A_481, %select_n3A_459 : vector<64x64xi1>, vector<64x64xf32>
    %reduce_max3A_483 = arith.constant dense<0xFF800000> : vector<64xf32>
    %reduce_max3A_484 = vector.multi_reduction <maximumf>, %select_n3A_482, %reduce_max3A_483 [1] : vector<64x64xf32> to vector<64xf32>
    %broadcast_in_dim3A_485 = vector.shape_cast %reduce_max3A_484 : vector<64xf32> to vector<64x1xf32>
    %eq3A_486 = vector.broadcast %broadcast_in_dim3A_485 : vector<64x1xf32> to vector<64x64xf32>
    %eq3A_487 = arith.cmpf oeq, %select_n3A_482, %eq3A_486 : vector<64x64xf32>
    %jit3A_488 = arith.constant 1.280000e+02 : f32
    %broadcast_in_dim3A_489 = vector.broadcast %jit3A_488 : f32 to vector<64x64xf32>
    %select_n3A_490 = arith.select %eq3A_487, %convert_element_type3A, %broadcast_in_dim3A_489 : vector<64x64xi1>, vector<64x64xf32>
    %reduce_min3A_491 = arith.constant dense<0x7F800000> : vector<64xf32>
    %reduce_min3A_492 = vector.multi_reduction <minimumf>, %select_n3A_490, %reduce_min3A_491 [1] : vector<64x64xf32> to vector<64xf32>
    %broadcast_in_dim3A_493 = vector.shape_cast %reduce_min3A_492 : vector<64xf32> to vector<64x1xf32>
    %eq3A_494 = arith.constant 5 : i32
    %eq3A_495 = vector.broadcast %eq3A_494 : i32 to vector<64x8xi32>
    %eq3A_496 = arith.cmpi eq, %iota3A_368, %eq3A_495 : vector<64x8xi32>
    %convert_element_type3A_497 = arith.fptosi %broadcast_in_dim3A_493 : vector<64x1xf32> to vector<64x1xi32>
    %broadcast_in_dim3A_498 = vector.shape_cast %convert_element_type3A_497 : vector<64x1xi32> to vector<64x1xi32>
    %broadcast_in_dim3A_499 = vector.broadcast %broadcast_in_dim3A_498 : vector<64x1xi32> to vector<64x8xi32>
    %select_n3A_500 = arith.select %eq3A_496, %broadcast_in_dim3A_499, %select_n3A_477 : vector<64x8xi1>, vector<64x8xi32>
    %eq3A_501 = vector.broadcast %broadcast_in_dim3A_493 : vector<64x1xf32> to vector<64x64xf32>
    %eq3A_502 = arith.cmpf oeq, %convert_element_type3A, %eq3A_501 : vector<64x64xf32>
    %jit3A_503 = arith.constant 0xFF800000 : f32
    %broadcast_in_dim3A_504 = vector.broadcast %jit3A_503 : f32 to vector<64x64xf32>
    %select_n3A_505 = arith.select %eq3A_502, %broadcast_in_dim3A_504, %select_n3A_482 : vector<64x64xi1>, vector<64x64xf32>
    %reduce_max3A_506 = arith.constant dense<0xFF800000> : vector<64xf32>
    %reduce_max3A_507 = vector.multi_reduction <maximumf>, %select_n3A_505, %reduce_max3A_506 [1] : vector<64x64xf32> to vector<64xf32>
    %broadcast_in_dim3A_508 = vector.shape_cast %reduce_max3A_507 : vector<64xf32> to vector<64x1xf32>
    %eq3A_509 = vector.broadcast %broadcast_in_dim3A_508 : vector<64x1xf32> to vector<64x64xf32>
    %eq3A_510 = arith.cmpf oeq, %select_n3A_505, %eq3A_509 : vector<64x64xf32>
    %jit3A_511 = arith.constant 1.280000e+02 : f32
    %broadcast_in_dim3A_512 = vector.broadcast %jit3A_511 : f32 to vector<64x64xf32>
    %select_n3A_513 = arith.select %eq3A_510, %convert_element_type3A, %broadcast_in_dim3A_512 : vector<64x64xi1>, vector<64x64xf32>
    %reduce_min3A_514 = arith.constant dense<0x7F800000> : vector<64xf32>
    %reduce_min3A_515 = vector.multi_reduction <minimumf>, %select_n3A_513, %reduce_min3A_514 [1] : vector<64x64xf32> to vector<64xf32>
    %broadcast_in_dim3A_516 = vector.shape_cast %reduce_min3A_515 : vector<64xf32> to vector<64x1xf32>
    %eq3A_517 = arith.constant 6 : i32
    %eq3A_518 = vector.broadcast %eq3A_517 : i32 to vector<64x8xi32>
    %eq3A_519 = arith.cmpi eq, %iota3A_368, %eq3A_518 : vector<64x8xi32>
    %convert_element_type3A_520 = arith.fptosi %broadcast_in_dim3A_516 : vector<64x1xf32> to vector<64x1xi32>
    %broadcast_in_dim3A_521 = vector.shape_cast %convert_element_type3A_520 : vector<64x1xi32> to vector<64x1xi32>
    %broadcast_in_dim3A_522 = vector.broadcast %broadcast_in_dim3A_521 : vector<64x1xi32> to vector<64x8xi32>
    %select_n3A_523 = arith.select %eq3A_519, %broadcast_in_dim3A_522, %select_n3A_500 : vector<64x8xi1>, vector<64x8xi32>
    %eq3A_524 = vector.broadcast %broadcast_in_dim3A_516 : vector<64x1xf32> to vector<64x64xf32>
    %eq3A_525 = arith.cmpf oeq, %convert_element_type3A, %eq3A_524 : vector<64x64xf32>
    %jit3A_526 = arith.constant 0xFF800000 : f32
    %broadcast_in_dim3A_527 = vector.broadcast %jit3A_526 : f32 to vector<64x64xf32>
    %select_n3A_528 = arith.select %eq3A_525, %broadcast_in_dim3A_527, %select_n3A_505 : vector<64x64xi1>, vector<64x64xf32>
    %reduce_max3A_529 = arith.constant dense<0xFF800000> : vector<64xf32>
    %reduce_max3A_530 = vector.multi_reduction <maximumf>, %select_n3A_528, %reduce_max3A_529 [1] : vector<64x64xf32> to vector<64xf32>
    %broadcast_in_dim3A_531 = vector.shape_cast %reduce_max3A_530 : vector<64xf32> to vector<64x1xf32>
    %eq3A_532 = vector.broadcast %broadcast_in_dim3A_531 : vector<64x1xf32> to vector<64x64xf32>
    %eq3A_533 = arith.cmpf oeq, %select_n3A_528, %eq3A_532 : vector<64x64xf32>
    %jit3A_534 = arith.constant 1.280000e+02 : f32
    %broadcast_in_dim3A_535 = vector.broadcast %jit3A_534 : f32 to vector<64x64xf32>
    %select_n3A_536 = arith.select %eq3A_533, %convert_element_type3A, %broadcast_in_dim3A_535 : vector<64x64xi1>, vector<64x64xf32>
    %reduce_min3A_537 = arith.constant dense<0x7F800000> : vector<64xf32>
    %reduce_min3A_538 = vector.multi_reduction <minimumf>, %select_n3A_536, %reduce_min3A_537 [1] : vector<64x64xf32> to vector<64xf32>
    %broadcast_in_dim3A_539 = vector.shape_cast %reduce_min3A_538 : vector<64xf32> to vector<64x1xf32>
    %eq3A_540 = arith.constant 7 : i32
    %eq3A_541 = vector.broadcast %eq3A_540 : i32 to vector<64x8xi32>
    %eq3A_542 = arith.cmpi eq, %iota3A_368, %eq3A_541 : vector<64x8xi32>
    %convert_element_type3A_543 = arith.fptosi %broadcast_in_dim3A_539 : vector<64x1xf32> to vector<64x1xi32>
    %broadcast_in_dim3A_544 = vector.shape_cast %convert_element_type3A_543 : vector<64x1xi32> to vector<64x1xi32>
    %broadcast_in_dim3A_545 = vector.broadcast %broadcast_in_dim3A_544 : vector<64x1xi32> to vector<64x8xi32>
    %select_n3A_546 = arith.select %eq3A_542, %broadcast_in_dim3A_545, %select_n3A_523 : vector<64x8xi1>, vector<64x8xi32>
    %eq3A_547 = vector.broadcast %broadcast_in_dim3A_539 : vector<64x1xf32> to vector<64x64xf32>
    %eq3A_548 = arith.cmpf oeq, %convert_element_type3A, %eq3A_547 : vector<64x64xf32>
    %jit3A_549 = arith.constant 0xFF800000 : f32
    %broadcast_in_dim3A_550 = vector.broadcast %jit3A_549 : f32 to vector<64x64xf32>
    %select_n3A_551 = arith.select %eq3A_548, %broadcast_in_dim3A_550, %select_n3A_528 : vector<64x64xi1>, vector<64x64xf32>
    %swap3A = arith.constant 0 : index
    %swap3A_552 = arith.constant 0 : index
    %swap3A_553 = vector.load %arg5[%swap3A, %swap3A_552] : memref<512x8xi32, #tpu.memory_space<vmem>>, vector<64x8xi32>
    tpu.vector_store %arg5[%swap3A, %swap3A_552], %select_n3A_546 {strides = array<i32>} : memref<512x8xi32, #tpu.memory_space<vmem>>, vector<64x8xi32>,
    %eq3A_554 = arith.constant 0xFF800000 : f32
    %eq3A_555 = vector.broadcast %eq3A_554 : f32 to vector<64x64xf32>
    %eq3A_556 = arith.cmpf oeq, %select_n3A_551, %eq3A_555 : vector<64x64xf32>
    %sub3A_557 = vector.broadcast %broadcast_in_dim3A_372 : vector<64x1xf32> to vector<64x64xf32>
    %sub3A_558 = arith.subf %slice3A_366, %sub3A_557 : vector<64x64xf32>
    %exp3A_559 = math.exp %sub3A_558 : vector<64x64xf32>
    %jit3A_560 = arith.constant 0.000000e+00 : f32
    %broadcast_in_dim3A_561 = vector.broadcast %jit3A_560 : f32 to vector<64x64xf32>
    %select_n3A_562 = arith.select %eq3A_556, %exp3A_559, %broadcast_in_dim3A_561 : vector<64x64xi1>, vector<64x64xf32>
    %reduce_sum3A = arith.constant dense<0.000000e+00> : vector<64xf32>
    %reduce_sum3A_563 = vector.multi_reduction <add>, %select_n3A_562, %reduce_sum3A [1] : vector<64x64xf32> to vector<64xf32>
    %broadcast_in_dim3A_564 = vector.shape_cast %reduce_sum3A_563 : vector<64xf32> to vector<64x1xf32>
    %div3A = arith.constant 1.000000e+00 : f32
    %div3A_565 = vector.broadcast %div3A : f32 to vector<64x1xf32>
    %div3A_566 = arith.divf %div3A_565, %broadcast_in_dim3A_564 : vector<64x1xf32>
    %mul3A_567 = vector.broadcast %div3A_566 : vector<64x1xf32> to vector<64x64xf32>
    %mul3A_568 = arith.mulf %select_n3A_562, %mul3A_567 : vector<64x64xf32>
    %swap3A_569 = arith.constant 0 : index
    %swap3A_570 = arith.constant 0 : index
    %swap3A_571 = vector.load %arg4[%swap3A_569, %swap3A_570] : memref<512x64xf32, #tpu.memory_space<vmem>>, vector<64x64xf32>
    tpu.vector_store %arg4[%swap3A_569, %swap3A_570], %mul3A_568 {strides = array<i32>} : memref<512x64xf32, #tpu.memory_space<vmem>>, vector<64x64xf32>,
    %slice3A_572 = vector.extract_strided_slice %add3A_365 {offsets = [64, 0], sizes = [64, 64], strides = [1, 1]} : vector<512x64xf32> to vector<64x64xf32>
    %iota3A_573 = tpu.iota {dimensions = array<i32: 1>} : vector<64x64xi32>
    %convert_element_type3A_574 = arith.sitofp %iota3A_573 : vector<64x64xi32> to vector<64x64xf32>
    %iota3A_575 = tpu.iota {dimensions = array<i32: 1>} : vector<64x8xi32>
    %broadcast_in_dim3A_576 = arith.constant 0 : i32
    %broadcast_in_dim3A_577 = vector.broadcast %broadcast_in_dim3A_576 : i32 to vector<64x8xi32>
    %reduce_max3A_578 = arith.constant dense<0xFF800000> : vector<64xf32>
    %reduce_max3A_579 = vector.multi_reduction <maximumf>, %slice3A_572, %reduce_max3A_578 [1] : vector<64x64xf32> to vector<64xf32>
    %broadcast_in_dim3A_580 = vector.shape_cast %reduce_max3A_579 : vector<64xf32> to vector<64x1xf32>
    %eq3A_581 = vector.broadcast %broadcast_in_dim3A_580 : vector<64x1xf32> to vector<64x64xf32>
    %eq3A_582 = arith.cmpf oeq, %slice3A_572, %eq3A_581 : vector<64x64xf32>
    %jit3A_583 = arith.constant 1.280000e+02 : f32
    %broadcast_in_dim3A_584 = vector.broadcast %jit3A_583 : f32 to vector<64x64xf32>
    %select_n3A_585 = arith.select %eq3A_582, %convert_element_type3A_574, %broadcast_in_dim3A_584 : vector<64x64xi1>, vector<64x64xf32>
    %reduce_min3A_586 = arith.constant dense<0x7F800000> : vector<64xf32>
    %reduce_min3A_587 = vector.multi_reduction <minimumf>, %select_n3A_585, %reduce_min3A_586 [1] : vector<64x64xf32> to vector<64xf32>
    %broadcast_in_dim3A_588 = vector.shape_cast %reduce_min3A_587 : vector<64xf32> to vector<64x1xf32>
    %eq3A_589 = arith.constant 0 : i32
    %eq3A_590 = vector.broadcast %eq3A_589 : i32 to vector<64x8xi32>
    %eq3A_591 = arith.cmpi eq, %iota3A_575, %eq3A_590 : vector<64x8xi32>
    %convert_element_type3A_592 = arith.fptosi %broadcast_in_dim3A_588 : vector<64x1xf32> to vector<64x1xi32>
    %broadcast_in_dim3A_593 = vector.shape_cast %convert_element_type3A_592 : vector<64x1xi32> to vector<64x1xi32>
    %broadcast_in_dim3A_594 = vector.broadcast %broadcast_in_dim3A_593 : vector<64x1xi32> to vector<64x8xi32>
    %select_n3A_595 = arith.select %eq3A_591, %broadcast_in_dim3A_594, %broadcast_in_dim3A_577 : vector<64x8xi1>, vector<64x8xi32>
    %eq3A_596 = vector.broadcast %broadcast_in_dim3A_588 : vector<64x1xf32> to vector<64x64xf32>
    %eq3A_597 = arith.cmpf oeq, %convert_element_type3A_574, %eq3A_596 : vector<64x64xf32>
    %jit3A_598 = arith.constant 0xFF800000 : f32
    %broadcast_in_dim3A_599 = vector.broadcast %jit3A_598 : f32 to vector<64x64xf32>
    %select_n3A_600 = arith.select %eq3A_597, %broadcast_in_dim3A_599, %slice3A_572 : vector<64x64xi1>, vector<64x64xf32>
    %reduce_max3A_601 = arith.constant dense<0xFF800000> : vector<64xf32>
    %reduce_max3A_602 = vector.multi_reduction <maximumf>, %select_n3A_600, %reduce_max3A_601 [1] : vector<64x64xf32> to vector<64xf32>
    %broadcast_in_dim3A_603 = vector.shape_cast %reduce_max3A_602 : vector<64xf32> to vector<64x1xf32>
    %eq3A_604 = vector.broadcast %broadcast_in_dim3A_603 : vector<64x1xf32> to vector<64x64xf32>
    %eq3A_605 = arith.cmpf oeq, %select_n3A_600, %eq3A_604 : vector<64x64xf32>
    %jit3A_606 = arith.constant 1.280000e+02 : f32
    %broadcast_in_dim3A_607 = vector.broadcast %jit3A_606 : f32 to vector<64x64xf32>
    %select_n3A_608 = arith.select %eq3A_605, %convert_element_type3A_574, %broadcast_in_dim3A_607 : vector<64x64xi1>, vector<64x64xf32>
    %reduce_min3A_609 = arith.constant dense<0x7F800000> : vector<64xf32>
    %reduce_min3A_610 = vector.multi_reduction <minimumf>, %select_n3A_608, %reduce_min3A_609 [1] : vector<64x64xf32> to vector<64xf32>
    %broadcast_in_dim3A_611 = vector.shape_cast %reduce_min3A_610 : vector<64xf32> to vector<64x1xf32>
    %eq3A_612 = arith.constant 1 : i32
    %eq3A_613 = vector.broadcast %eq3A_612 : i32 to vector<64x8xi32>
    %eq3A_614 = arith.cmpi eq, %iota3A_575, %eq3A_613 : vector<64x8xi32>
    %convert_element_type3A_615 = arith.fptosi %broadcast_in_dim3A_611 : vector<64x1xf32> to vector<64x1xi32>
    %broadcast_in_dim3A_616 = vector.shape_cast %convert_element_type3A_615 : vector<64x1xi32> to vector<64x1xi32>
    %broadcast_in_dim3A_617 = vector.broadcast %broadcast_in_dim3A_616 : vector<64x1xi32> to vector<64x8xi32>
    %select_n3A_618 = arith.select %eq3A_614, %broadcast_in_dim3A_617, %select_n3A_595 : vector<64x8xi1>, vector<64x8xi32>
    %eq3A_619 = vector.broadcast %broadcast_in_dim3A_611 : vector<64x1xf32> to vector<64x64xf32>
    %eq3A_620 = arith.cmpf oeq, %convert_element_type3A_574, %eq3A_619 : vector<64x64xf32>
    %jit3A_621 = arith.constant 0xFF800000 : f32
    %broadcast_in_dim3A_622 = vector.broadcast %jit3A_621 : f32 to vector<64x64xf32>
    %select_n3A_623 = arith.select %eq3A_620, %broadcast_in_dim3A_622, %select_n3A_600 : vector<64x64xi1>, vector<64x64xf32>
    %reduce_max3A_624 = arith.constant dense<0xFF800000> : vector<64xf32>
    %reduce_max3A_625 = vector.multi_reduction <maximumf>, %select_n3A_623, %reduce_max3A_624 [1] : vector<64x64xf32> to vector<64xf32>
    %broadcast_in_dim3A_626 = vector.shape_cast %reduce_max3A_625 : vector<64xf32> to vector<64x1xf32>
    %eq3A_627 = vector.broadcast %broadcast_in_dim3A_626 : vector<64x1xf32> to vector<64x64xf32>
    %eq3A_628 = arith.cmpf oeq, %select_n3A_623, %eq3A_627 : vector<64x64xf32>
    %jit3A_629 = arith.constant 1.280000e+02 : f32
    %broadcast_in_dim3A_630 = vector.broadcast %jit3A_629 : f32 to vector<64x64xf32>
    %select_n3A_631 = arith.select %eq3A_628, %convert_element_type3A_574, %broadcast_in_dim3A_630 : vector<64x64xi1>, vector<64x64xf32>
    %reduce_min3A_632 = arith.constant dense<0x7F800000> : vector<64xf32>
    %reduce_min3A_633 = vector.multi_reduction <minimumf>, %select_n3A_631, %reduce_min3A_632 [1] : vector<64x64xf32> to vector<64xf32>
    %broadcast_in_dim3A_634 = vector.shape_cast %reduce_min3A_633 : vector<64xf32> to vector<64x1xf32>
    %eq3A_635 = arith.constant 2 : i32
    %eq3A_636 = vector.broadcast %eq3A_635 : i32 to vector<64x8xi32>
    %eq3A_637 = arith.cmpi eq, %iota3A_575, %eq3A_636 : vector<64x8xi32>
    %convert_element_type3A_638 = arith.fptosi %broadcast_in_dim3A_634 : vector<64x1xf32> to vector<64x1xi32>
    %broadcast_in_dim3A_639 = vector.shape_cast %convert_element_type3A_638 : vector<64x1xi32> to vector<64x1xi32>
    %broadcast_in_dim3A_640 = vector.broadcast %broadcast_in_dim3A_639 : vector<64x1xi32> to vector<64x8xi32>
    %select_n3A_641 = arith.select %eq3A_637, %broadcast_in_dim3A_640, %select_n3A_618 : vector<64x8xi1>, vector<64x8xi32>
    %eq3A_642 = vector.broadcast %broadcast_in_dim3A_634 : vector<64x1xf32> to vector<64x64xf32>
    %eq3A_643 = arith.cmpf oeq, %convert_element_type3A_574, %eq3A_642 : vector<64x64xf32>
    %jit3A_644 = arith.constant 0xFF800000 : f32
    %broadcast_in_dim3A_645 = vector.broadcast %jit3A_644 : f32 to vector<64x64xf32>
    %select_n3A_646 = arith.select %eq3A_643, %broadcast_in_dim3A_645, %select_n3A_623 : vector<64x64xi1>, vector<64x64xf32>
    %reduce_max3A_647 = arith.constant dense<0xFF800000> : vector<64xf32>
    %reduce_max3A_648 = vector.multi_reduction <maximumf>, %select_n3A_646, %reduce_max3A_647 [1] : vector<64x64xf32> to vector<64xf32>
    %broadcast_in_dim3A_649 = vector.shape_cast %reduce_max3A_648 : vector<64xf32> to vector<64x1xf32>
    %eq3A_650 = vector.broadcast %broadcast_in_dim3A_649 : vector<64x1xf32> to vector<64x64xf32>
    %eq3A_651 = arith.cmpf oeq, %select_n3A_646, %eq3A_650 : vector<64x64xf32>
    %jit3A_652 = arith.constant 1.280000e+02 : f32
    %broadcast_in_dim3A_653 = vector.broadcast %jit3A_652 : f32 to vector<64x64xf32>
    %select_n3A_654 = arith.select %eq3A_651, %convert_element_type3A_574, %broadcast_in_dim3A_653 : vector<64x64xi1>, vector<64x64xf32>
    %reduce_min3A_655 = arith.constant dense<0x7F800000> : vector<64xf32>
    %reduce_min3A_656 = vector.multi_reduction <minimumf>, %select_n3A_654, %reduce_min3A_655 [1] : vector<64x64xf32> to vector<64xf32>
    %broadcast_in_dim3A_657 = vector.shape_cast %reduce_min3A_656 : vector<64xf32> to vector<64x1xf32>
    %eq3A_658 = arith.constant 3 : i32
    %eq3A_659 = vector.broadcast %eq3A_658 : i32 to vector<64x8xi32>
    %eq3A_660 = arith.cmpi eq, %iota3A_575, %eq3A_659 : vector<64x8xi32>
    %convert_element_type3A_661 = arith.fptosi %broadcast_in_dim3A_657 : vector<64x1xf32> to vector<64x1xi32>
    %broadcast_in_dim3A_662 = vector.shape_cast %convert_element_type3A_661 : vector<64x1xi32> to vector<64x1xi32>
    %broadcast_in_dim3A_663 = vector.broadcast %broadcast_in_dim3A_662 : vector<64x1xi32> to vector<64x8xi32>
    %select_n3A_664 = arith.select %eq3A_660, %broadcast_in_dim3A_663, %select_n3A_641 : vector<64x8xi1>, vector<64x8xi32>
    %eq3A_665 = vector.broadcast %broadcast_in_dim3A_657 : vector<64x1xf32> to vector<64x64xf32>
    %eq3A_666 = arith.cmpf oeq, %convert_element_type3A_574, %eq3A_665 : vector<64x64xf32>
    %jit3A_667 = arith.constant 0xFF800000 : f32
    %broadcast_in_dim3A_668 = vector.broadcast %jit3A_667 : f32 to vector<64x64xf32>
    %select_n3A_669 = arith.select %eq3A_666, %broadcast_in_dim3A_668, %select_n3A_646 : vector<64x64xi1>, vector<64x64xf32>
    %reduce_max3A_670 = arith.constant dense<0xFF800000> : vector<64xf32>
    %reduce_max3A_671 = vector.multi_reduction <maximumf>, %select_n3A_669, %reduce_max3A_670 [1] : vector<64x64xf32> to vector<64xf32>
    %broadcast_in_dim3A_672 = vector.shape_cast %reduce_max3A_671 : vector<64xf32> to vector<64x1xf32>
    %eq3A_673 = vector.broadcast %broadcast_in_dim3A_672 : vector<64x1xf32> to vector<64x64xf32>
    %eq3A_674 = arith.cmpf oeq, %select_n3A_669, %eq3A_673 : vector<64x64xf32>
    %jit3A_675 = arith.constant 1.280000e+02 : f32
    %broadcast_in_dim3A_676 = vector.broadcast %jit3A_675 : f32 to vector<64x64xf32>
    %select_n3A_677 = arith.select %eq3A_674, %convert_element_type3A_574, %broadcast_in_dim3A_676 : vector<64x64xi1>, vector<64x64xf32>
    %reduce_min3A_678 = arith.constant dense<0x7F800000> : vector<64xf32>
    %reduce_min3A_679 = vector.multi_reduction <minimumf>, %select_n3A_677, %reduce_min3A_678 [1] : vector<64x64xf32> to vector<64xf32>
    %broadcast_in_dim3A_680 = vector.shape_cast %reduce_min3A_679 : vector<64xf32> to vector<64x1xf32>
    %eq3A_681 = arith.constant 4 : i32
    %eq3A_682 = vector.broadcast %eq3A_681 : i32 to vector<64x8xi32>
    %eq3A_683 = arith.cmpi eq, %iota3A_575, %eq3A_682 : vector<64x8xi32>
    %convert_element_type3A_684 = arith.fptosi %broadcast_in_dim3A_680 : vector<64x1xf32> to vector<64x1xi32>
    %broadcast_in_dim3A_685 = vector.shape_cast %convert_element_type3A_684 : vector<64x1xi32> to vector<64x1xi32>
    %broadcast_in_dim3A_686 = vector.broadcast %broadcast_in_dim3A_685 : vector<64x1xi32> to vector<64x8xi32>
    %select_n3A_687 = arith.select %eq3A_683, %broadcast_in_dim3A_686, %select_n3A_664 : vector<64x8xi1>, vector<64x8xi32>
    %eq3A_688 = vector.broadcast %broadcast_in_dim3A_680 : vector<64x1xf32> to vector<64x64xf32>
    %eq3A_689 = arith.cmpf oeq, %convert_element_type3A_574, %eq3A_688 : vector<64x64xf32>
    %jit3A_690 = arith.constant 0xFF800000 : f32
    %broadcast_in_dim3A_691 = vector.broadcast %jit3A_690 : f32 to vector<64x64xf32>
    %select_n3A_692 = arith.select %eq3A_689, %broadcast_in_dim3A_691, %select_n3A_669 : vector<64x64xi1>, vector<64x64xf32>
    %reduce_max3A_693 = arith.constant dense<0xFF800000> : vector<64xf32>
    %reduce_max3A_694 = vector.multi_reduction <maximumf>, %select_n3A_692, %reduce_max3A_693 [1] : vector<64x64xf32> to vector<64xf32>
    %broadcast_in_dim3A_695 = vector.shape_cast %reduce_max3A_694 : vector<64xf32> to vector<64x1xf32>
    %eq3A_696 = vector.broadcast %broadcast_in_dim3A_695 : vector<64x1xf32> to vector<64x64xf32>
    %eq3A_697 = arith.cmpf oeq, %select_n3A_692, %eq3A_696 : vector<64x64xf32>
    %jit3A_698 = arith.constant 1.280000e+02 : f32
    %broadcast_in_dim3A_699 = vector.broadcast %jit3A_698 : f32 to vector<64x64xf32>
    %select_n3A_700 = arith.select %eq3A_697, %convert_element_type3A_574, %broadcast_in_dim3A_699 : vector<64x64xi1>, vector<64x64xf32>
    %reduce_min3A_701 = arith.constant dense<0x7F800000> : vector<64xf32>
    %reduce_min3A_702 = vector.multi_reduction <minimumf>, %select_n3A_700, %reduce_min3A_701 [1] : vector<64x64xf32> to vector<64xf32>
    %broadcast_in_dim3A_703 = vector.shape_cast %reduce_min3A_702 : vector<64xf32> to vector<64x1xf32>
    %eq3A_704 = arith.constant 5 : i32
    %eq3A_705 = vector.broadcast %eq3A_704 : i32 to vector<64x8xi32>
    %eq3A_706 = arith.cmpi eq, %iota3A_575, %eq3A_705 : vector<64x8xi32>
    %convert_element_type3A_707 = arith.fptosi %broadcast_in_dim3A_703 : vector<64x1xf32> to vector<64x1xi32>
    %broadcast_in_dim3A_708 = vector.shape_cast %convert_element_type3A_707 : vector<64x1xi32> to vector<64x1xi32>
    %broadcast_in_dim3A_709 = vector.broadcast %broadcast_in_dim3A_708 : vector<64x1xi32> to vector<64x8xi32>
    %select_n3A_710 = arith.select %eq3A_706, %broadcast_in_dim3A_709, %select_n3A_687 : vector<64x8xi1>, vector<64x8xi32>
    %eq3A_711 = vector.broadcast %broadcast_in_dim3A_703 : vector<64x1xf32> to vector<64x64xf32>
    %eq3A_712 = arith.cmpf oeq, %convert_element_type3A_574, %eq3A_711 : vector<64x64xf32>
    %jit3A_713 = arith.constant 0xFF800000 : f32
    %broadcast_in_dim3A_714 = vector.broadcast %jit3A_713 : f32 to vector<64x64xf32>
    %select_n3A_715 = arith.select %eq3A_712, %broadcast_in_dim3A_714, %select_n3A_692 : vector<64x64xi1>, vector<64x64xf32>
    %reduce_max3A_716 = arith.constant dense<0xFF800000> : vector<64xf32>
    %reduce_max3A_717 = vector.multi_reduction <maximumf>, %select_n3A_715, %reduce_max3A_716 [1] : vector<64x64xf32> to vector<64xf32>
    %broadcast_in_dim3A_718 = vector.shape_cast %reduce_max3A_717 : vector<64xf32> to vector<64x1xf32>
    %eq3A_719 = vector.broadcast %broadcast_in_dim3A_718 : vector<64x1xf32> to vector<64x64xf32>
    %eq3A_720 = arith.cmpf oeq, %select_n3A_715, %eq3A_719 : vector<64x64xf32>
    %jit3A_721 = arith.constant 1.280000e+02 : f32
    %broadcast_in_dim3A_722 = vector.broadcast %jit3A_721 : f32 to vector<64x64xf32>
    %select_n3A_723 = arith.select %eq3A_720, %convert_element_type3A_574, %broadcast_in_dim3A_722 : vector<64x64xi1>, vector<64x64xf32>
    %reduce_min3A_724 = arith.constant dense<0x7F800000> : vector<64xf32>
    %reduce_min3A_725 = vector.multi_reduction <minimumf>, %select_n3A_723, %reduce_min3A_724 [1] : vector<64x64xf32> to vector<64xf32>
    %broadcast_in_dim3A_726 = vector.shape_cast %reduce_min3A_725 : vector<64xf32> to vector<64x1xf32>
    %eq3A_727 = arith.constant 6 : i32
    %eq3A_728 = vector.broadcast %eq3A_727 : i32 to vector<64x8xi32>
    %eq3A_729 = arith.cmpi eq, %iota3A_575, %eq3A_728 : vector<64x8xi32>
    %convert_element_type3A_730 = arith.fptosi %broadcast_in_dim3A_726 : vector<64x1xf32> to vector<64x1xi32>
    %broadcast_in_dim3A_731 = vector.shape_cast %convert_element_type3A_730 : vector<64x1xi32> to vector<64x1xi32>
    %broadcast_in_dim3A_732 = vector.broadcast %broadcast_in_dim3A_731 : vector<64x1xi32> to vector<64x8xi32>
    %select_n3A_733 = arith.select %eq3A_729, %broadcast_in_dim3A_732, %select_n3A_710 : vector<64x8xi1>, vector<64x8xi32>
    %eq3A_734 = vector.broadcast %broadcast_in_dim3A_726 : vector<64x1xf32> to vector<64x64xf32>
    %eq3A_735 = arith.cmpf oeq, %convert_element_type3A_574, %eq3A_734 : vector<64x64xf32>
    %jit3A_736 = arith.constant 0xFF800000 : f32
    %broadcast_in_dim3A_737 = vector.broadcast %jit3A_736 : f32 to vector<64x64xf32>
    %select_n3A_738 = arith.select %eq3A_735, %broadcast_in_dim3A_737, %select_n3A_715 : vector<64x64xi1>, vector<64x64xf32>
    %reduce_max3A_739 = arith.constant dense<0xFF800000> : vector<64xf32>
    %reduce_max3A_740 = vector.multi_reduction <maximumf>, %select_n3A_738, %reduce_max3A_739 [1] : vector<64x64xf32> to vector<64xf32>
    %broadcast_in_dim3A_741 = vector.shape_cast %reduce_max3A_740 : vector<64xf32> to vector<64x1xf32>
    %eq3A_742 = vector.broadcast %broadcast_in_dim3A_741 : vector<64x1xf32> to vector<64x64xf32>
    %eq3A_743 = arith.cmpf oeq, %select_n3A_738, %eq3A_742 : vector<64x64xf32>
    %jit3A_744 = arith.constant 1.280000e+02 : f32
    %broadcast_in_dim3A_745 = vector.broadcast %jit3A_744 : f32 to vector<64x64xf32>
    %select_n3A_746 = arith.select %eq3A_743, %convert_element_type3A_574, %broadcast_in_dim3A_745 : vector<64x64xi1>, vector<64x64xf32>
    %reduce_min3A_747 = arith.constant dense<0x7F800000> : vector<64xf32>
    %reduce_min3A_748 = vector.multi_reduction <minimumf>, %select_n3A_746, %reduce_min3A_747 [1] : vector<64x64xf32> to vector<64xf32>
    %broadcast_in_dim3A_749 = vector.shape_cast %reduce_min3A_748 : vector<64xf32> to vector<64x1xf32>
    %eq3A_750 = arith.constant 7 : i32
    %eq3A_751 = vector.broadcast %eq3A_750 : i32 to vector<64x8xi32>
    %eq3A_752 = arith.cmpi eq, %iota3A_575, %eq3A_751 : vector<64x8xi32>
    %convert_element_type3A_753 = arith.fptosi %broadcast_in_dim3A_749 : vector<64x1xf32> to vector<64x1xi32>
    %broadcast_in_dim3A_754 = vector.shape_cast %convert_element_type3A_753 : vector<64x1xi32> to vector<64x1xi32>
    %broadcast_in_dim3A_755 = vector.broadcast %broadcast_in_dim3A_754 : vector<64x1xi32> to vector<64x8xi32>
    %select_n3A_756 = arith.select %eq3A_752, %broadcast_in_dim3A_755, %select_n3A_733 : vector<64x8xi1>, vector<64x8xi32>
    %eq3A_757 = vector.broadcast %broadcast_in_dim3A_749 : vector<64x1xf32> to vector<64x64xf32>
    %eq3A_758 = arith.cmpf oeq, %convert_element_type3A_574, %eq3A_757 : vector<64x64xf32>
    %jit3A_759 = arith.constant 0xFF800000 : f32
    %broadcast_in_dim3A_760 = vector.broadcast %jit3A_759 : f32 to vector<64x64xf32>
    %select_n3A_761 = arith.select %eq3A_758, %broadcast_in_dim3A_760, %select_n3A_738 : vector<64x64xi1>, vector<64x64xf32>
    %swap3A_762 = arith.constant 64 : index
    %swap3A_763 = arith.constant 0 : index
    %swap3A_764 = vector.load %arg5[%swap3A_762, %swap3A_763] : memref<512x8xi32, #tpu.memory_space<vmem>>, vector<64x8xi32>
    tpu.vector_store %arg5[%swap3A_762, %swap3A_763], %select_n3A_756 {strides = array<i32>} : memref<512x8xi32, #tpu.memory_space<vmem>>, vector<64x8xi32>,
    %eq3A_765 = arith.constant 0xFF800000 : f32
    %eq3A_766 = vector.broadcast %eq3A_765 : f32 to vector<64x64xf32>
    %eq3A_767 = arith.cmpf oeq, %select_n3A_761, %eq3A_766 : vector<64x64xf32>
    %sub3A_768 = vector.broadcast %broadcast_in_dim3A_580 : vector<64x1xf32> to vector<64x64xf32>
    %sub3A_769 = arith.subf %slice3A_572, %sub3A_768 : vector<64x64xf32>
    %exp3A_770 = math.exp %sub3A_769 : vector<64x64xf32>
    %jit3A_771 = arith.constant 0.000000e+00 : f32
    %broadcast_in_dim3A_772 = vector.broadcast %jit3A_771 : f32 to vector<64x64xf32>
    %select_n3A_773 = arith.select %eq3A_767, %exp3A_770, %broadcast_in_dim3A_772 : vector<64x64xi1>, vector<64x64xf32>
    %reduce_sum3A_774 = arith.constant dense<0.000000e+00> : vector<64xf32>
    %reduce_sum3A_775 = vector.multi_reduction <add>, %select_n3A_773, %reduce_sum3A_774 [1] : vector<64x64xf32> to vector<64xf32>
    %broadcast_in_dim3A_776 = vector.shape_cast %reduce_sum3A_775 : vector<64xf32> to vector<64x1xf32>
    %div3A_777 = arith.constant 1.000000e+00 : f32
    %div3A_778 = vector.broadcast %div3A_777 : f32 to vector<64x1xf32>
    %div3A_779 = arith.divf %div3A_778, %broadcast_in_dim3A_776 : vector<64x1xf32>
    %mul3A_780 = vector.broadcast %div3A_779 : vector<64x1xf32> to vector<64x64xf32>
    %mul3A_781 = arith.mulf %select_n3A_773, %mul3A_780 : vector<64x64xf32>
    %swap3A_782 = arith.constant 64 : index
    %swap3A_783 = arith.constant 0 : index
    %swap3A_784 = vector.load %arg4[%swap3A_782, %swap3A_783] : memref<512x64xf32, #tpu.memory_space<vmem>>, vector<64x64xf32>
    tpu.vector_store %arg4[%swap3A_782, %swap3A_783], %mul3A_781 {strides = array<i32>} : memref<512x64xf32, #tpu.memory_space<vmem>>, vector<64x64xf32>,
    %slice3A_785 = vector.extract_strided_slice %add3A_365 {offsets = [128, 0], sizes = [64, 64], strides = [1, 1]} : vector<512x64xf32> to vector<64x64xf32>
    %iota3A_786 = tpu.iota {dimensions = array<i32: 1>} : vector<64x64xi32>
    %convert_element_type3A_787 = arith.sitofp %iota3A_786 : vector<64x64xi32> to vector<64x64xf32>
    %iota3A_788 = tpu.iota {dimensions = array<i32: 1>} : vector<64x8xi32>
    %broadcast_in_dim3A_789 = arith.constant 0 : i32
    %broadcast_in_dim3A_790 = vector.broadcast %broadcast_in_dim3A_789 : i32 to vector<64x8xi32>
    %reduce_max3A_791 = arith.constant dense<0xFF800000> : vector<64xf32>
    %reduce_max3A_792 = vector.multi_reduction <maximumf>, %slice3A_785, %reduce_max3A_791 [1] : vector<64x64xf32> to vector<64xf32>
    %broadcast_in_dim3A_793 = vector.shape_cast %reduce_max3A_792 : vector<64xf32> to vector<64x1xf32>
    %eq3A_794 = vector.broadcast %broadcast_in_dim3A_793 : vector<64x1xf32> to vector<64x64xf32>
    %eq3A_795 = arith.cmpf oeq, %slice3A_785, %eq3A_794 : vector<64x64xf32>
    %jit3A_796 = arith.constant 1.280000e+02 : f32
    %broadcast_in_dim3A_797 = vector.broadcast %jit3A_796 : f32 to vector<64x64xf32>
    %select_n3A_798 = arith.select %eq3A_795, %convert_element_type3A_787, %broadcast_in_dim3A_797 : vector<64x64xi1>, vector<64x64xf32>
    %reduce_min3A_799 = arith.constant dense<0x7F800000> : vector<64xf32>
    %reduce_min3A_800 = vector.multi_reduction <minimumf>, %select_n3A_798, %reduce_min3A_799 [1] : vector<64x64xf32> to vector<64xf32>
    %broadcast_in_dim3A_801 = vector.shape_cast %reduce_min3A_800 : vector<64xf32> to vector<64x1xf32>
    %eq3A_802 = arith.constant 0 : i32
    %eq3A_803 = vector.broadcast %eq3A_802 : i32 to vector<64x8xi32>
    %eq3A_804 = arith.cmpi eq, %iota3A_788, %eq3A_803 : vector<64x8xi32>
    %convert_element_type3A_805 = arith.fptosi %broadcast_in_dim3A_801 : vector<64x1xf32> to vector<64x1xi32>
    %broadcast_in_dim3A_806 = vector.shape_cast %convert_element_type3A_805 : vector<64x1xi32> to vector<64x1xi32>
    %broadcast_in_dim3A_807 = vector.broadcast %broadcast_in_dim3A_806 : vector<64x1xi32> to vector<64x8xi32>
    %select_n3A_808 = arith.select %eq3A_804, %broadcast_in_dim3A_807, %broadcast_in_dim3A_790 : vector<64x8xi1>, vector<64x8xi32>
    %eq3A_809 = vector.broadcast %broadcast_in_dim3A_801 : vector<64x1xf32> to vector<64x64xf32>
    %eq3A_810 = arith.cmpf oeq, %convert_element_type3A_787, %eq3A_809 : vector<64x64xf32>
    %jit3A_811 = arith.constant 0xFF800000 : f32
    %broadcast_in_dim3A_812 = vector.broadcast %jit3A_811 : f32 to vector<64x64xf32>
    %select_n3A_813 = arith.select %eq3A_810, %broadcast_in_dim3A_812, %slice3A_785 : vector<64x64xi1>, vector<64x64xf32>
    %reduce_max3A_814 = arith.constant dense<0xFF800000> : vector<64xf32>
    %reduce_max3A_815 = vector.multi_reduction <maximumf>, %select_n3A_813, %reduce_max3A_814 [1] : vector<64x64xf32> to vector<64xf32>
    %broadcast_in_dim3A_816 = vector.shape_cast %reduce_max3A_815 : vector<64xf32> to vector<64x1xf32>
    %eq3A_817 = vector.broadcast %broadcast_in_dim3A_816 : vector<64x1xf32> to vector<64x64xf32>
    %eq3A_818 = arith.cmpf oeq, %select_n3A_813, %eq3A_817 : vector<64x64xf32>
    %jit3A_819 = arith.constant 1.280000e+02 : f32
    %broadcast_in_dim3A_820 = vector.broadcast %jit3A_819 : f32 to vector<64x64xf32>
    %select_n3A_821 = arith.select %eq3A_818, %convert_element_type3A_787, %broadcast_in_dim3A_820 : vector<64x64xi1>, vector<64x64xf32>
    %reduce_min3A_822 = arith.constant dense<0x7F800000> : vector<64xf32>
    %reduce_min3A_823 = vector.multi_reduction <minimumf>, %select_n3A_821, %reduce_min3A_822 [1] : vector<64x64xf32> to vector<64xf32>
    %broadcast_in_dim3A_824 = vector.shape_cast %reduce_min3A_823 : vector<64xf32> to vector<64x1xf32>
    %eq3A_825 = arith.constant 1 : i32
    %eq3A_826 = vector.broadcast %eq3A_825 : i32 to vector<64x8xi32>
    %eq3A_827 = arith.cmpi eq, %iota3A_788, %eq3A_826 : vector<64x8xi32>
    %convert_element_type3A_828 = arith.fptosi %broadcast_in_dim3A_824 : vector<64x1xf32> to vector<64x1xi32>
    %broadcast_in_dim3A_829 = vector.shape_cast %convert_element_type3A_828 : vector<64x1xi32> to vector<64x1xi32>
    %broadcast_in_dim3A_830 = vector.broadcast %broadcast_in_dim3A_829 : vector<64x1xi32> to vector<64x8xi32>
    %select_n3A_831 = arith.select %eq3A_827, %broadcast_in_dim3A_830, %select_n3A_808 : vector<64x8xi1>, vector<64x8xi32>
    %eq3A_832 = vector.broadcast %broadcast_in_dim3A_824 : vector<64x1xf32> to vector<64x64xf32>
    %eq3A_833 = arith.cmpf oeq, %convert_element_type3A_787, %eq3A_832 : vector<64x64xf32>
    %jit3A_834 = arith.constant 0xFF800000 : f32
    %broadcast_in_dim3A_835 = vector.broadcast %jit3A_834 : f32 to vector<64x64xf32>
    %select_n3A_836 = arith.select %eq3A_833, %broadcast_in_dim3A_835, %select_n3A_813 : vector<64x64xi1>, vector<64x64xf32>
    %reduce_max3A_837 = arith.constant dense<0xFF800000> : vector<64xf32>
    %reduce_max3A_838 = vector.multi_reduction <maximumf>, %select_n3A_836, %reduce_max3A_837 [1] : vector<64x64xf32> to vector<64xf32>
    %broadcast_in_dim3A_839 = vector.shape_cast %reduce_max3A_838 : vector<64xf32> to vector<64x1xf32>
    %eq3A_840 = vector.broadcast %broadcast_in_dim3A_839 : vector<64x1xf32> to vector<64x64xf32>
    %eq3A_841 = arith.cmpf oeq, %select_n3A_836, %eq3A_840 : vector<64x64xf32>
    %jit3A_842 = arith.constant 1.280000e+02 : f32
    %broadcast_in_dim3A_843 = vector.broadcast %jit3A_842 : f32 to vector<64x64xf32>
    %select_n3A_844 = arith.select %eq3A_841, %convert_element_type3A_787, %broadcast_in_dim3A_843 : vector<64x64xi1>, vector<64x64xf32>
    %reduce_min3A_845 = arith.constant dense<0x7F800000> : vector<64xf32>
    %reduce_min3A_846 = vector.multi_reduction <minimumf>, %select_n3A_844, %reduce_min3A_845 [1] : vector<64x64xf32> to vector<64xf32>
    %broadcast_in_dim3A_847 = vector.shape_cast %reduce_min3A_846 : vector<64xf32> to vector<64x1xf32>
    %eq3A_848 = arith.constant 2 : i32
    %eq3A_849 = vector.broadcast %eq3A_848 : i32 to vector<64x8xi32>
    %eq3A_850 = arith.cmpi eq, %iota3A_788, %eq3A_849 : vector<64x8xi32>
    %convert_element_type3A_851 = arith.fptosi %broadcast_in_dim3A_847 : vector<64x1xf32> to vector<64x1xi32>
    %broadcast_in_dim3A_852 = vector.shape_cast %convert_element_type3A_851 : vector<64x1xi32> to vector<64x1xi32>
    %broadcast_in_dim3A_853 = vector.broadcast %broadcast_in_dim3A_852 : vector<64x1xi32> to vector<64x8xi32>
    %select_n3A_854 = arith.select %eq3A_850, %broadcast_in_dim3A_853, %select_n3A_831 : vector<64x8xi1>, vector<64x8xi32>
    %eq3A_855 = vector.broadcast %broadcast_in_dim3A_847 : vector<64x1xf32> to vector<64x64xf32>
    %eq3A_856 = arith.cmpf oeq, %convert_element_type3A_787, %eq3A_855 : vector<64x64xf32>
    %jit3A_857 = arith.constant 0xFF800000 : f32
    %broadcast_in_dim3A_858 = vector.broadcast %jit3A_857 : f32 to vector<64x64xf32>
    %select_n3A_859 = arith.select %eq3A_856, %broadcast_in_dim3A_858, %select_n3A_836 : vector<64x64xi1>, vector<64x64xf32>
    %reduce_max3A_860 = arith.constant dense<0xFF800000> : vector<64xf32>
    %reduce_max3A_861 = vector.multi_reduction <maximumf>, %select_n3A_859, %reduce_max3A_860 [1] : vector<64x64xf32> to vector<64xf32>
    %broadcast_in_dim3A_862 = vector.shape_cast %reduce_max3A_861 : vector<64xf32> to vector<64x1xf32>
    %eq3A_863 = vector.broadcast %broadcast_in_dim3A_862 : vector<64x1xf32> to vector<64x64xf32>
    %eq3A_864 = arith.cmpf oeq, %select_n3A_859, %eq3A_863 : vector<64x64xf32>
    %jit3A_865 = arith.constant 1.280000e+02 : f32
    %broadcast_in_dim3A_866 = vector.broadcast %jit3A_865 : f32 to vector<64x64xf32>
    %select_n3A_867 = arith.select %eq3A_864, %convert_element_type3A_787, %broadcast_in_dim3A_866 : vector<64x64xi1>, vector<64x64xf32>
    %reduce_min3A_868 = arith.constant dense<0x7F800000> : vector<64xf32>
    %reduce_min3A_869 = vector.multi_reduction <minimumf>, %select_n3A_867, %reduce_min3A_868 [1] : vector<64x64xf32> to vector<64xf32>
    %broadcast_in_dim3A_870 = vector.shape_cast %reduce_min3A_869 : vector<64xf32> to vector<64x1xf32>
    %eq3A_871 = arith.constant 3 : i32
    %eq3A_872 = vector.broadcast %eq3A_871 : i32 to vector<64x8xi32>
    %eq3A_873 = arith.cmpi eq, %iota3A_788, %eq3A_872 : vector<64x8xi32>
    %convert_element_type3A_874 = arith.fptosi %broadcast_in_dim3A_870 : vector<64x1xf32> to vector<64x1xi32>
    %broadcast_in_dim3A_875 = vector.shape_cast %convert_element_type3A_874 : vector<64x1xi32> to vector<64x1xi32>
    %broadcast_in_dim3A_876 = vector.broadcast %broadcast_in_dim3A_875 : vector<64x1xi32> to vector<64x8xi32>
    %select_n3A_877 = arith.select %eq3A_873, %broadcast_in_dim3A_876, %select_n3A_854 : vector<64x8xi1>, vector<64x8xi32>
    %eq3A_878 = vector.broadcast %broadcast_in_dim3A_870 : vector<64x1xf32> to vector<64x64xf32>
    %eq3A_879 = arith.cmpf oeq, %convert_element_type3A_787, %eq3A_878 : vector<64x64xf32>
    %jit3A_880 = arith.constant 0xFF800000 : f32
    %broadcast_in_dim3A_881 = vector.broadcast %jit3A_880 : f32 to vector<64x64xf32>
    %select_n3A_882 = arith.select %eq3A_879, %broadcast_in_dim3A_881, %select_n3A_859 : vector<64x64xi1>, vector<64x64xf32>
    %reduce_max3A_883 = arith.constant dense<0xFF800000> : vector<64xf32>
    %reduce_max3A_884 = vector.multi_reduction <maximumf>, %select_n3A_882, %reduce_max3A_883 [1] : vector<64x64xf32> to vector<64xf32>
    %broadcast_in_dim3A_885 = vector.shape_cast %reduce_max3A_884 : vector<64xf32> to vector<64x1xf32>
    %eq3A_886 = vector.broadcast %broadcast_in_dim3A_885 : vector<64x1xf32> to vector<64x64xf32>
    %eq3A_887 = arith.cmpf oeq, %select_n3A_882, %eq3A_886 : vector<64x64xf32>
    %jit3A_888 = arith.constant 1.280000e+02 : f32
    %broadcast_in_dim3A_889 = vector.broadcast %jit3A_888 : f32 to vector<64x64xf32>
    %select_n3A_890 = arith.select %eq3A_887, %convert_element_type3A_787, %broadcast_in_dim3A_889 : vector<64x64xi1>, vector<64x64xf32>
    %reduce_min3A_891 = arith.constant dense<0x7F800000> : vector<64xf32>
    %reduce_min3A_892 = vector.multi_reduction <minimumf>, %select_n3A_890, %reduce_min3A_891 [1] : vector<64x64xf32> to vector<64xf32>
    %broadcast_in_dim3A_893 = vector.shape_cast %reduce_min3A_892 : vector<64xf32> to vector<64x1xf32>
    %eq3A_894 = arith.constant 4 : i32
    %eq3A_895 = vector.broadcast %eq3A_894 : i32 to vector<64x8xi32>
    %eq3A_896 = arith.cmpi eq, %iota3A_788, %eq3A_895 : vector<64x8xi32>
    %convert_element_type3A_897 = arith.fptosi %broadcast_in_dim3A_893 : vector<64x1xf32> to vector<64x1xi32>
    %broadcast_in_dim3A_898 = vector.shape_cast %convert_element_type3A_897 : vector<64x1xi32> to vector<64x1xi32>
    %broadcast_in_dim3A_899 = vector.broadcast %broadcast_in_dim3A_898 : vector<64x1xi32> to vector<64x8xi32>
    %select_n3A_900 = arith.select %eq3A_896, %broadcast_in_dim3A_899, %select_n3A_877 : vector<64x8xi1>, vector<64x8xi32>
    %eq3A_901 = vector.broadcast %broadcast_in_dim3A_893 : vector<64x1xf32> to vector<64x64xf32>
    %eq3A_902 = arith.cmpf oeq, %convert_element_type3A_787, %eq3A_901 : vector<64x64xf32>
    %jit3A_903 = arith.constant 0xFF800000 : f32
    %broadcast_in_dim3A_904 = vector.broadcast %jit3A_903 : f32 to vector<64x64xf32>
    %select_n3A_905 = arith.select %eq3A_902, %broadcast_in_dim3A_904, %select_n3A_882 : vector<64x64xi1>, vector<64x64xf32>
    %reduce_max3A_906 = arith.constant dense<0xFF800000> : vector<64xf32>
    %reduce_max3A_907 = vector.multi_reduction <maximumf>, %select_n3A_905, %reduce_max3A_906 [1] : vector<64x64xf32> to vector<64xf32>
    %broadcast_in_dim3A_908 = vector.shape_cast %reduce_max3A_907 : vector<64xf32> to vector<64x1xf32>
    %eq3A_909 = vector.broadcast %broadcast_in_dim3A_908 : vector<64x1xf32> to vector<64x64xf32>
    %eq3A_910 = arith.cmpf oeq, %select_n3A_905, %eq3A_909 : vector<64x64xf32>
    %jit3A_911 = arith.constant 1.280000e+02 : f32
    %broadcast_in_dim3A_912 = vector.broadcast %jit3A_911 : f32 to vector<64x64xf32>
    %select_n3A_913 = arith.select %eq3A_910, %convert_element_type3A_787, %broadcast_in_dim3A_912 : vector<64x64xi1>, vector<64x64xf32>
    %reduce_min3A_914 = arith.constant dense<0x7F800000> : vector<64xf32>
    %reduce_min3A_915 = vector.multi_reduction <minimumf>, %select_n3A_913, %reduce_min3A_914 [1] : vector<64x64xf32> to vector<64xf32>
    %broadcast_in_dim3A_916 = vector.shape_cast %reduce_min3A_915 : vector<64xf32> to vector<64x1xf32>
    %eq3A_917 = arith.constant 5 : i32
    %eq3A_918 = vector.broadcast %eq3A_917 : i32 to vector<64x8xi32>
    %eq3A_919 = arith.cmpi eq, %iota3A_788, %eq3A_918 : vector<64x8xi32>
    %convert_element_type3A_920 = arith.fptosi %broadcast_in_dim3A_916 : vector<64x1xf32> to vector<64x1xi32>
    %broadcast_in_dim3A_921 = vector.shape_cast %convert_element_type3A_920 : vector<64x1xi32> to vector<64x1xi32>
    %broadcast_in_dim3A_922 = vector.broadcast %broadcast_in_dim3A_921 : vector<64x1xi32> to vector<64x8xi32>
    %select_n3A_923 = arith.select %eq3A_919, %broadcast_in_dim3A_922, %select_n3A_900 : vector<64x8xi1>, vector<64x8xi32>
    %eq3A_924 = vector.broadcast %broadcast_in_dim3A_916 : vector<64x1xf32> to vector<64x64xf32>
    %eq3A_925 = arith.cmpf oeq, %convert_element_type3A_787, %eq3A_924 : vector<64x64xf32>
    %jit3A_926 = arith.constant 0xFF800000 : f32
    %broadcast_in_dim3A_927 = vector.broadcast %jit3A_926 : f32 to vector<64x64xf32>
    %select_n3A_928 = arith.select %eq3A_925, %broadcast_in_dim3A_927, %select_n3A_905 : vector<64x64xi1>, vector<64x64xf32>
    %reduce_max3A_929 = arith.constant dense<0xFF800000> : vector<64xf32>
    %reduce_max3A_930 = vector.multi_reduction <maximumf>, %select_n3A_928, %reduce_max3A_929 [1] : vector<64x64xf32> to vector<64xf32>
    %broadcast_in_dim3A_931 = vector.shape_cast %reduce_max3A_930 : vector<64xf32> to vector<64x1xf32>
    %eq3A_932 = vector.broadcast %broadcast_in_dim3A_931 : vector<64x1xf32> to vector<64x64xf32>
    %eq3A_933 = arith.cmpf oeq, %select_n3A_928, %eq3A_932 : vector<64x64xf32>
    %jit3A_934 = arith.constant 1.280000e+02 : f32
    %broadcast_in_dim3A_935 = vector.broadcast %jit3A_934 : f32 to vector<64x64xf32>
    %select_n3A_936 = arith.select %eq3A_933, %convert_element_type3A_787, %broadcast_in_dim3A_935 : vector<64x64xi1>, vector<64x64xf32>
    %reduce_min3A_937 = arith.constant dense<0x7F800000> : vector<64xf32>
    %reduce_min3A_938 = vector.multi_reduction <minimumf>, %select_n3A_936, %reduce_min3A_937 [1] : vector<64x64xf32> to vector<64xf32>
    %broadcast_in_dim3A_939 = vector.shape_cast %reduce_min3A_938 : vector<64xf32> to vector<64x1xf32>
    %eq3A_940 = arith.constant 6 : i32
    %eq3A_941 = vector.broadcast %eq3A_940 : i32 to vector<64x8xi32>
    %eq3A_942 = arith.cmpi eq, %iota3A_788, %eq3A_941 : vector<64x8xi32>
    %convert_element_type3A_943 = arith.fptosi %broadcast_in_dim3A_939 : vector<64x1xf32> to vector<64x1xi32>
    %broadcast_in_dim3A_944 = vector.shape_cast %convert_element_type3A_943 : vector<64x1xi32> to vector<64x1xi32>
    %broadcast_in_dim3A_945 = vector.broadcast %broadcast_in_dim3A_944 : vector<64x1xi32> to vector<64x8xi32>
    %select_n3A_946 = arith.select %eq3A_942, %broadcast_in_dim3A_945, %select_n3A_923 : vector<64x8xi1>, vector<64x8xi32>
    %eq3A_947 = vector.broadcast %broadcast_in_dim3A_939 : vector<64x1xf32> to vector<64x64xf32>
    %eq3A_948 = arith.cmpf oeq, %convert_element_type3A_787, %eq3A_947 : vector<64x64xf32>
    %jit3A_949 = arith.constant 0xFF800000 : f32
    %broadcast_in_dim3A_950 = vector.broadcast %jit3A_949 : f32 to vector<64x64xf32>
    %select_n3A_951 = arith.select %eq3A_948, %broadcast_in_dim3A_950, %select_n3A_928 : vector<64x64xi1>, vector<64x64xf32>
    %reduce_max3A_952 = arith.constant dense<0xFF800000> : vector<64xf32>
    %reduce_max3A_953 = vector.multi_reduction <maximumf>, %select_n3A_951, %reduce_max3A_952 [1] : vector<64x64xf32> to vector<64xf32>
    %broadcast_in_dim3A_954 = vector.shape_cast %reduce_max3A_953 : vector<64xf32> to vector<64x1xf32>
    %eq3A_955 = vector.broadcast %broadcast_in_dim3A_954 : vector<64x1xf32> to vector<64x64xf32>
    %eq3A_956 = arith.cmpf oeq, %select_n3A_951, %eq3A_955 : vector<64x64xf32>
    %jit3A_957 = arith.constant 1.280000e+02 : f32
    %broadcast_in_dim3A_958 = vector.broadcast %jit3A_957 : f32 to vector<64x64xf32>
    %select_n3A_959 = arith.select %eq3A_956, %convert_element_type3A_787, %broadcast_in_dim3A_958 : vector<64x64xi1>, vector<64x64xf32>
    %reduce_min3A_960 = arith.constant dense<0x7F800000> : vector<64xf32>
    %reduce_min3A_961 = vector.multi_reduction <minimumf>, %select_n3A_959, %reduce_min3A_960 [1] : vector<64x64xf32> to vector<64xf32>
    %broadcast_in_dim3A_962 = vector.shape_cast %reduce_min3A_961 : vector<64xf32> to vector<64x1xf32>
    %eq3A_963 = arith.constant 7 : i32
    %eq3A_964 = vector.broadcast %eq3A_963 : i32 to vector<64x8xi32>
    %eq3A_965 = arith.cmpi eq, %iota3A_788, %eq3A_964 : vector<64x8xi32>
    %convert_element_type3A_966 = arith.fptosi %broadcast_in_dim3A_962 : vector<64x1xf32> to vector<64x1xi32>
    %broadcast_in_dim3A_967 = vector.shape_cast %convert_element_type3A_966 : vector<64x1xi32> to vector<64x1xi32>
    %broadcast_in_dim3A_968 = vector.broadcast %broadcast_in_dim3A_967 : vector<64x1xi32> to vector<64x8xi32>
    %select_n3A_969 = arith.select %eq3A_965, %broadcast_in_dim3A_968, %select_n3A_946 : vector<64x8xi1>, vector<64x8xi32>
    %eq3A_970 = vector.broadcast %broadcast_in_dim3A_962 : vector<64x1xf32> to vector<64x64xf32>
    %eq3A_971 = arith.cmpf oeq, %convert_element_type3A_787, %eq3A_970 : vector<64x64xf32>
    %jit3A_972 = arith.constant 0xFF800000 : f32
    %broadcast_in_dim3A_973 = vector.broadcast %jit3A_972 : f32 to vector<64x64xf32>
    %select_n3A_974 = arith.select %eq3A_971, %broadcast_in_dim3A_973, %select_n3A_951 : vector<64x64xi1>, vector<64x64xf32>
    %swap3A_975 = arith.constant 128 : index
    %swap3A_976 = arith.constant 0 : index
    %swap3A_977 = vector.load %arg5[%swap3A_975, %swap3A_976] : memref<512x8xi32, #tpu.memory_space<vmem>>, vector<64x8xi32>
    tpu.vector_store %arg5[%swap3A_975, %swap3A_976], %select_n3A_969 {strides = array<i32>} : memref<512x8xi32, #tpu.memory_space<vmem>>, vector<64x8xi32>,
    %eq3A_978 = arith.constant 0xFF800000 : f32
    %eq3A_979 = vector.broadcast %eq3A_978 : f32 to vector<64x64xf32>
    %eq3A_980 = arith.cmpf oeq, %select_n3A_974, %eq3A_979 : vector<64x64xf32>
    %sub3A_981 = vector.broadcast %broadcast_in_dim3A_793 : vector<64x1xf32> to vector<64x64xf32>
    %sub3A_982 = arith.subf %slice3A_785, %sub3A_981 : vector<64x64xf32>
    %exp3A_983 = math.exp %sub3A_982 : vector<64x64xf32>
    %jit3A_984 = arith.constant 0.000000e+00 : f32
    %broadcast_in_dim3A_985 = vector.broadcast %jit3A_984 : f32 to vector<64x64xf32>
    %select_n3A_986 = arith.select %eq3A_980, %exp3A_983, %broadcast_in_dim3A_985 : vector<64x64xi1>, vector<64x64xf32>
    %reduce_sum3A_987 = arith.constant dense<0.000000e+00> : vector<64xf32>
    %reduce_sum3A_988 = vector.multi_reduction <add>, %select_n3A_986, %reduce_sum3A_987 [1] : vector<64x64xf32> to vector<64xf32>
    %broadcast_in_dim3A_989 = vector.shape_cast %reduce_sum3A_988 : vector<64xf32> to vector<64x1xf32>
    %div3A_990 = arith.constant 1.000000e+00 : f32
    %div3A_991 = vector.broadcast %div3A_990 : f32 to vector<64x1xf32>
    %div3A_992 = arith.divf %div3A_991, %broadcast_in_dim3A_989 : vector<64x1xf32>
    %mul3A_993 = vector.broadcast %div3A_992 : vector<64x1xf32> to vector<64x64xf32>
    %mul3A_994 = arith.mulf %select_n3A_986, %mul3A_993 : vector<64x64xf32>
    %swap3A_995 = arith.constant 128 : index
    %swap3A_996 = arith.constant 0 : index
    %swap3A_997 = vector.load %arg4[%swap3A_995, %swap3A_996] : memref<512x64xf32, #tpu.memory_space<vmem>>, vector<64x64xf32>
    tpu.vector_store %arg4[%swap3A_995, %swap3A_996], %mul3A_994 {strides = array<i32>} : memref<512x64xf32, #tpu.memory_space<vmem>>, vector<64x64xf32>,
    %slice3A_998 = vector.extract_strided_slice %add3A_365 {offsets = [192, 0], sizes = [64, 64], strides = [1, 1]} : vector<512x64xf32> to vector<64x64xf32>
    %iota3A_999 = tpu.iota {dimensions = array<i32: 1>} : vector<64x64xi32>
    %convert_element_type3A_1000 = arith.sitofp %iota3A_999 : vector<64x64xi32> to vector<64x64xf32>
    %iota3A_1001 = tpu.iota {dimensions = array<i32: 1>} : vector<64x8xi32>
    %broadcast_in_dim3A_1002 = arith.constant 0 : i32
    %broadcast_in_dim3A_1003 = vector.broadcast %broadcast_in_dim3A_1002 : i32 to vector<64x8xi32>
    %reduce_max3A_1004 = arith.constant dense<0xFF800000> : vector<64xf32>
    %reduce_max3A_1005 = vector.multi_reduction <maximumf>, %slice3A_998, %reduce_max3A_1004 [1] : vector<64x64xf32> to vector<64xf32>
    %broadcast_in_dim3A_1006 = vector.shape_cast %reduce_max3A_1005 : vector<64xf32> to vector<64x1xf32>
    %eq3A_1007 = vector.broadcast %broadcast_in_dim3A_1006 : vector<64x1xf32> to vector<64x64xf32>
    %eq3A_1008 = arith.cmpf oeq, %slice3A_998, %eq3A_1007 : vector<64x64xf32>
    %jit3A_1009 = arith.constant 1.280000e+02 : f32
    %broadcast_in_dim3A_1010 = vector.broadcast %jit3A_1009 : f32 to vector<64x64xf32>
    %select_n3A_1011 = arith.select %eq3A_1008, %convert_element_type3A_1000, %broadcast_in_dim3A_1010 : vector<64x64xi1>, vector<64x64xf32>
    %reduce_min3A_1012 = arith.constant dense<0x7F800000> : vector<64xf32>
    %reduce_min3A_1013 = vector.multi_reduction <minimumf>, %select_n3A_1011, %reduce_min3A_1012 [1] : vector<64x64xf32> to vector<64xf32>
    %broadcast_in_dim3A_1014 = vector.shape_cast %reduce_min3A_1013 : vector<64xf32> to vector<64x1xf32>
    %eq3A_1015 = arith.constant 0 : i32
    %eq3A_1016 = vector.broadcast %eq3A_1015 : i32 to vector<64x8xi32>
    %eq3A_1017 = arith.cmpi eq, %iota3A_1001, %eq3A_1016 : vector<64x8xi32>
    %convert_element_type3A_1018 = arith.fptosi %broadcast_in_dim3A_1014 : vector<64x1xf32> to vector<64x1xi32>
    %broadcast_in_dim3A_1019 = vector.shape_cast %convert_element_type3A_1018 : vector<64x1xi32> to vector<64x1xi32>
    %broadcast_in_dim3A_1020 = vector.broadcast %broadcast_in_dim3A_1019 : vector<64x1xi32> to vector<64x8xi32>
    %select_n3A_1021 = arith.select %eq3A_1017, %broadcast_in_dim3A_1020, %broadcast_in_dim3A_1003 : vector<64x8xi1>, vector<64x8xi32>
    %eq3A_1022 = vector.broadcast %broadcast_in_dim3A_1014 : vector<64x1xf32> to vector<64x64xf32>
    %eq3A_1023 = arith.cmpf oeq, %convert_element_type3A_1000, %eq3A_1022 : vector<64x64xf32>
    %jit3A_1024 = arith.constant 0xFF800000 : f32
    %broadcast_in_dim3A_1025 = vector.broadcast %jit3A_1024 : f32 to vector<64x64xf32>
    %select_n3A_1026 = arith.select %eq3A_1023, %broadcast_in_dim3A_1025, %slice3A_998 : vector<64x64xi1>, vector<64x64xf32>
    %reduce_max3A_1027 = arith.constant dense<0xFF800000> : vector<64xf32>
    %reduce_max3A_1028 = vector.multi_reduction <maximumf>, %select_n3A_1026, %reduce_max3A_1027 [1] : vector<64x64xf32> to vector<64xf32>
    %broadcast_in_dim3A_1029 = vector.shape_cast %reduce_max3A_1028 : vector<64xf32> to vector<64x1xf32>
    %eq3A_1030 = vector.broadcast %broadcast_in_dim3A_1029 : vector<64x1xf32> to vector<64x64xf32>
    %eq3A_1031 = arith.cmpf oeq, %select_n3A_1026, %eq3A_1030 : vector<64x64xf32>
    %jit3A_1032 = arith.constant 1.280000e+02 : f32
    %broadcast_in_dim3A_1033 = vector.broadcast %jit3A_1032 : f32 to vector<64x64xf32>
    %select_n3A_1034 = arith.select %eq3A_1031, %convert_element_type3A_1000, %broadcast_in_dim3A_1033 : vector<64x64xi1>, vector<64x64xf32>
    %reduce_min3A_1035 = arith.constant dense<0x7F800000> : vector<64xf32>
    %reduce_min3A_1036 = vector.multi_reduction <minimumf>, %select_n3A_1034, %reduce_min3A_1035 [1] : vector<64x64xf32> to vector<64xf32>
    %broadcast_in_dim3A_1037 = vector.shape_cast %reduce_min3A_1036 : vector<64xf32> to vector<64x1xf32>
    %eq3A_1038 = arith.constant 1 : i32
    %eq3A_1039 = vector.broadcast %eq3A_1038 : i32 to vector<64x8xi32>
    %eq3A_1040 = arith.cmpi eq, %iota3A_1001, %eq3A_1039 : vector<64x8xi32>
    %convert_element_type3A_1041 = arith.fptosi %broadcast_in_dim3A_1037 : vector<64x1xf32> to vector<64x1xi32>
    %broadcast_in_dim3A_1042 = vector.shape_cast %convert_element_type3A_1041 : vector<64x1xi32> to vector<64x1xi32>
    %broadcast_in_dim3A_1043 = vector.broadcast %broadcast_in_dim3A_1042 : vector<64x1xi32> to vector<64x8xi32>
    %select_n3A_1044 = arith.select %eq3A_1040, %broadcast_in_dim3A_1043, %select_n3A_1021 : vector<64x8xi1>, vector<64x8xi32>
    %eq3A_1045 = vector.broadcast %broadcast_in_dim3A_1037 : vector<64x1xf32> to vector<64x64xf32>
    %eq3A_1046 = arith.cmpf oeq, %convert_element_type3A_1000, %eq3A_1045 : vector<64x64xf32>
    %jit3A_1047 = arith.constant 0xFF800000 : f32
    %broadcast_in_dim3A_1048 = vector.broadcast %jit3A_1047 : f32 to vector<64x64xf32>
    %select_n3A_1049 = arith.select %eq3A_1046, %broadcast_in_dim3A_1048, %select_n3A_1026 : vector<64x64xi1>, vector<64x64xf32>
    %reduce_max3A_1050 = arith.constant dense<0xFF800000> : vector<64xf32>
    %reduce_max3A_1051 = vector.multi_reduction <maximumf>, %select_n3A_1049, %reduce_max3A_1050 [1] : vector<64x64xf32> to vector<64xf32>
    %broadcast_in_dim3A_1052 = vector.shape_cast %reduce_max3A_1051 : vector<64xf32> to vector<64x1xf32>
    %eq3A_1053 = vector.broadcast %broadcast_in_dim3A_1052 : vector<64x1xf32> to vector<64x64xf32>
    %eq3A_1054 = arith.cmpf oeq, %select_n3A_1049, %eq3A_1053 : vector<64x64xf32>
    %jit3A_1055 = arith.constant 1.280000e+02 : f32
    %broadcast_in_dim3A_1056 = vector.broadcast %jit3A_1055 : f32 to vector<64x64xf32>
    %select_n3A_1057 = arith.select %eq3A_1054, %convert_element_type3A_1000, %broadcast_in_dim3A_1056 : vector<64x64xi1>, vector<64x64xf32>
    %reduce_min3A_1058 = arith.constant dense<0x7F800000> : vector<64xf32>
    %reduce_min3A_1059 = vector.multi_reduction <minimumf>, %select_n3A_1057, %reduce_min3A_1058 [1] : vector<64x64xf32> to vector<64xf32>
    %broadcast_in_dim3A_1060 = vector.shape_cast %reduce_min3A_1059 : vector<64xf32> to vector<64x1xf32>
    %eq3A_1061 = arith.constant 2 : i32
    %eq3A_1062 = vector.broadcast %eq3A_1061 : i32 to vector<64x8xi32>
    %eq3A_1063 = arith.cmpi eq, %iota3A_1001, %eq3A_1062 : vector<64x8xi32>
    %convert_element_type3A_1064 = arith.fptosi %broadcast_in_dim3A_1060 : vector<64x1xf32> to vector<64x1xi32>
    %broadcast_in_dim3A_1065 = vector.shape_cast %convert_element_type3A_1064 : vector<64x1xi32> to vector<64x1xi32>
    %broadcast_in_dim3A_1066 = vector.broadcast %broadcast_in_dim3A_1065 : vector<64x1xi32> to vector<64x8xi32>
    %select_n3A_1067 = arith.select %eq3A_1063, %broadcast_in_dim3A_1066, %select_n3A_1044 : vector<64x8xi1>, vector<64x8xi32>
    %eq3A_1068 = vector.broadcast %broadcast_in_dim3A_1060 : vector<64x1xf32> to vector<64x64xf32>
    %eq3A_1069 = arith.cmpf oeq, %convert_element_type3A_1000, %eq3A_1068 : vector<64x64xf32>
    %jit3A_1070 = arith.constant 0xFF800000 : f32
    %broadcast_in_dim3A_1071 = vector.broadcast %jit3A_1070 : f32 to vector<64x64xf32>
    %select_n3A_1072 = arith.select %eq3A_1069, %broadcast_in_dim3A_1071, %select_n3A_1049 : vector<64x64xi1>, vector<64x64xf32>
    %reduce_max3A_1073 = arith.constant dense<0xFF800000> : vector<64xf32>
    %reduce_max3A_1074 = vector.multi_reduction <maximumf>, %select_n3A_1072, %reduce_max3A_1073 [1] : vector<64x64xf32> to vector<64xf32>
    %broadcast_in_dim3A_1075 = vector.shape_cast %reduce_max3A_1074 : vector<64xf32> to vector<64x1xf32>
    %eq3A_1076 = vector.broadcast %broadcast_in_dim3A_1075 : vector<64x1xf32> to vector<64x64xf32>
    %eq3A_1077 = arith.cmpf oeq, %select_n3A_1072, %eq3A_1076 : vector<64x64xf32>
    %jit3A_1078 = arith.constant 1.280000e+02 : f32
    %broadcast_in_dim3A_1079 = vector.broadcast %jit3A_1078 : f32 to vector<64x64xf32>
    %select_n3A_1080 = arith.select %eq3A_1077, %convert_element_type3A_1000, %broadcast_in_dim3A_1079 : vector<64x64xi1>, vector<64x64xf32>
    %reduce_min3A_1081 = arith.constant dense<0x7F800000> : vector<64xf32>
    %reduce_min3A_1082 = vector.multi_reduction <minimumf>, %select_n3A_1080, %reduce_min3A_1081 [1] : vector<64x64xf32> to vector<64xf32>
    %broadcast_in_dim3A_1083 = vector.shape_cast %reduce_min3A_1082 : vector<64xf32> to vector<64x1xf32>
    %eq3A_1084 = arith.constant 3 : i32
    %eq3A_1085 = vector.broadcast %eq3A_1084 : i32 to vector<64x8xi32>
    %eq3A_1086 = arith.cmpi eq, %iota3A_1001, %eq3A_1085 : vector<64x8xi32>
    %convert_element_type3A_1087 = arith.fptosi %broadcast_in_dim3A_1083 : vector<64x1xf32> to vector<64x1xi32>
    %broadcast_in_dim3A_1088 = vector.shape_cast %convert_element_type3A_1087 : vector<64x1xi32> to vector<64x1xi32>
    %broadcast_in_dim3A_1089 = vector.broadcast %broadcast_in_dim3A_1088 : vector<64x1xi32> to vector<64x8xi32>
    %select_n3A_1090 = arith.select %eq3A_1086, %broadcast_in_dim3A_1089, %select_n3A_1067 : vector<64x8xi1>, vector<64x8xi32>
    %eq3A_1091 = vector.broadcast %broadcast_in_dim3A_1083 : vector<64x1xf32> to vector<64x64xf32>
    %eq3A_1092 = arith.cmpf oeq, %convert_element_type3A_1000, %eq3A_1091 : vector<64x64xf32>
    %jit3A_1093 = arith.constant 0xFF800000 : f32
    %broadcast_in_dim3A_1094 = vector.broadcast %jit3A_1093 : f32 to vector<64x64xf32>
    %select_n3A_1095 = arith.select %eq3A_1092, %broadcast_in_dim3A_1094, %select_n3A_1072 : vector<64x64xi1>, vector<64x64xf32>
    %reduce_max3A_1096 = arith.constant dense<0xFF800000> : vector<64xf32>
    %reduce_max3A_1097 = vector.multi_reduction <maximumf>, %select_n3A_1095, %reduce_max3A_1096 [1] : vector<64x64xf32> to vector<64xf32>
    %broadcast_in_dim3A_1098 = vector.shape_cast %reduce_max3A_1097 : vector<64xf32> to vector<64x1xf32>
    %eq3A_1099 = vector.broadcast %broadcast_in_dim3A_1098 : vector<64x1xf32> to vector<64x64xf32>
    %eq3A_1100 = arith.cmpf oeq, %select_n3A_1095, %eq3A_1099 : vector<64x64xf32>
    %jit3A_1101 = arith.constant 1.280000e+02 : f32
    %broadcast_in_dim3A_1102 = vector.broadcast %jit3A_1101 : f32 to vector<64x64xf32>
    %select_n3A_1103 = arith.select %eq3A_1100, %convert_element_type3A_1000, %broadcast_in_dim3A_1102 : vector<64x64xi1>, vector<64x64xf32>
    %reduce_min3A_1104 = arith.constant dense<0x7F800000> : vector<64xf32>
    %reduce_min3A_1105 = vector.multi_reduction <minimumf>, %select_n3A_1103, %reduce_min3A_1104 [1] : vector<64x64xf32> to vector<64xf32>
    %broadcast_in_dim3A_1106 = vector.shape_cast %reduce_min3A_1105 : vector<64xf32> to vector<64x1xf32>
    %eq3A_1107 = arith.constant 4 : i32
    %eq3A_1108 = vector.broadcast %eq3A_1107 : i32 to vector<64x8xi32>
    %eq3A_1109 = arith.cmpi eq, %iota3A_1001, %eq3A_1108 : vector<64x8xi32>
    %convert_element_type3A_1110 = arith.fptosi %broadcast_in_dim3A_1106 : vector<64x1xf32> to vector<64x1xi32>
    %broadcast_in_dim3A_1111 = vector.shape_cast %convert_element_type3A_1110 : vector<64x1xi32> to vector<64x1xi32>
    %broadcast_in_dim3A_1112 = vector.broadcast %broadcast_in_dim3A_1111 : vector<64x1xi32> to vector<64x8xi32>
    %select_n3A_1113 = arith.select %eq3A_1109, %broadcast_in_dim3A_1112, %select_n3A_1090 : vector<64x8xi1>, vector<64x8xi32>
    %eq3A_1114 = vector.broadcast %broadcast_in_dim3A_1106 : vector<64x1xf32> to vector<64x64xf32>
    %eq3A_1115 = arith.cmpf oeq, %convert_element_type3A_1000, %eq3A_1114 : vector<64x64xf32>
    %jit3A_1116 = arith.constant 0xFF800000 : f32
    %broadcast_in_dim3A_1117 = vector.broadcast %jit3A_1116 : f32 to vector<64x64xf32>
    %select_n3A_1118 = arith.select %eq3A_1115, %broadcast_in_dim3A_1117, %select_n3A_1095 : vector<64x64xi1>, vector<64x64xf32>
    %reduce_max3A_1119 = arith.constant dense<0xFF800000> : vector<64xf32>
    %reduce_max3A_1120 = vector.multi_reduction <maximumf>, %select_n3A_1118, %reduce_max3A_1119 [1] : vector<64x64xf32> to vector<64xf32>
    %broadcast_in_dim3A_1121 = vector.shape_cast %reduce_max3A_1120 : vector<64xf32> to vector<64x1xf32>
    %eq3A_1122 = vector.broadcast %broadcast_in_dim3A_1121 : vector<64x1xf32> to vector<64x64xf32>
    %eq3A_1123 = arith.cmpf oeq, %select_n3A_1118, %eq3A_1122 : vector<64x64xf32>
    %jit3A_1124 = arith.constant 1.280000e+02 : f32
    %broadcast_in_dim3A_1125 = vector.broadcast %jit3A_1124 : f32 to vector<64x64xf32>
    %select_n3A_1126 = arith.select %eq3A_1123, %convert_element_type3A_1000, %broadcast_in_dim3A_1125 : vector<64x64xi1>, vector<64x64xf32>
    %reduce_min3A_1127 = arith.constant dense<0x7F800000> : vector<64xf32>
    %reduce_min3A_1128 = vector.multi_reduction <minimumf>, %select_n3A_1126, %reduce_min3A_1127 [1] : vector<64x64xf32> to vector<64xf32>
    %broadcast_in_dim3A_1129 = vector.shape_cast %reduce_min3A_1128 : vector<64xf32> to vector<64x1xf32>
    %eq3A_1130 = arith.constant 5 : i32
    %eq3A_1131 = vector.broadcast %eq3A_1130 : i32 to vector<64x8xi32>
    %eq3A_1132 = arith.cmpi eq, %iota3A_1001, %eq3A_1131 : vector<64x8xi32>
    %convert_element_type3A_1133 = arith.fptosi %broadcast_in_dim3A_1129 : vector<64x1xf32> to vector<64x1xi32>
    %broadcast_in_dim3A_1134 = vector.shape_cast %convert_element_type3A_1133 : vector<64x1xi32> to vector<64x1xi32>
    %broadcast_in_dim3A_1135 = vector.broadcast %broadcast_in_dim3A_1134 : vector<64x1xi32> to vector<64x8xi32>
    %select_n3A_1136 = arith.select %eq3A_1132, %broadcast_in_dim3A_1135, %select_n3A_1113 : vector<64x8xi1>, vector<64x8xi32>
    %eq3A_1137 = vector.broadcast %broadcast_in_dim3A_1129 : vector<64x1xf32> to vector<64x64xf32>
    %eq3A_1138 = arith.cmpf oeq, %convert_element_type3A_1000, %eq3A_1137 : vector<64x64xf32>
    %jit3A_1139 = arith.constant 0xFF800000 : f32
    %broadcast_in_dim3A_1140 = vector.broadcast %jit3A_1139 : f32 to vector<64x64xf32>
    %select_n3A_1141 = arith.select %eq3A_1138, %broadcast_in_dim3A_1140, %select_n3A_1118 : vector<64x64xi1>, vector<64x64xf32>
    %reduce_max3A_1142 = arith.constant dense<0xFF800000> : vector<64xf32>
    %reduce_max3A_1143 = vector.multi_reduction <maximumf>, %select_n3A_1141, %reduce_max3A_1142 [1] : vector<64x64xf32> to vector<64xf32>
    %broadcast_in_dim3A_1144 = vector.shape_cast %reduce_max3A_1143 : vector<64xf32> to vector<64x1xf32>
    %eq3A_1145 = vector.broadcast %broadcast_in_dim3A_1144 : vector<64x1xf32> to vector<64x64xf32>
    %eq3A_1146 = arith.cmpf oeq, %select_n3A_1141, %eq3A_1145 : vector<64x64xf32>
    %jit3A_1147 = arith.constant 1.280000e+02 : f32
    %broadcast_in_dim3A_1148 = vector.broadcast %jit3A_1147 : f32 to vector<64x64xf32>
    %select_n3A_1149 = arith.select %eq3A_1146, %convert_element_type3A_1000, %broadcast_in_dim3A_1148 : vector<64x64xi1>, vector<64x64xf32>
    %reduce_min3A_1150 = arith.constant dense<0x7F800000> : vector<64xf32>
    %reduce_min3A_1151 = vector.multi_reduction <minimumf>, %select_n3A_1149, %reduce_min3A_1150 [1] : vector<64x64xf32> to vector<64xf32>
    %broadcast_in_dim3A_1152 = vector.shape_cast %reduce_min3A_1151 : vector<64xf32> to vector<64x1xf32>
    %eq3A_1153 = arith.constant 6 : i32
    %eq3A_1154 = vector.broadcast %eq3A_1153 : i32 to vector<64x8xi32>
    %eq3A_1155 = arith.cmpi eq, %iota3A_1001, %eq3A_1154 : vector<64x8xi32>
    %convert_element_type3A_1156 = arith.fptosi %broadcast_in_dim3A_1152 : vector<64x1xf32> to vector<64x1xi32>
    %broadcast_in_dim3A_1157 = vector.shape_cast %convert_element_type3A_1156 : vector<64x1xi32> to vector<64x1xi32>
    %broadcast_in_dim3A_1158 = vector.broadcast %broadcast_in_dim3A_1157 : vector<64x1xi32> to vector<64x8xi32>
    %select_n3A_1159 = arith.select %eq3A_1155, %broadcast_in_dim3A_1158, %select_n3A_1136 : vector<64x8xi1>, vector<64x8xi32>
    %eq3A_1160 = vector.broadcast %broadcast_in_dim3A_1152 : vector<64x1xf32> to vector<64x64xf32>
    %eq3A_1161 = arith.cmpf oeq, %convert_element_type3A_1000, %eq3A_1160 : vector<64x64xf32>
    %jit3A_1162 = arith.constant 0xFF800000 : f32
    %broadcast_in_dim3A_1163 = vector.broadcast %jit3A_1162 : f32 to vector<64x64xf32>
    %select_n3A_1164 = arith.select %eq3A_1161, %broadcast_in_dim3A_1163, %select_n3A_1141 : vector<64x64xi1>, vector<64x64xf32>
    %reduce_max3A_1165 = arith.constant dense<0xFF800000> : vector<64xf32>
    %reduce_max3A_1166 = vector.multi_reduction <maximumf>, %select_n3A_1164, %reduce_max3A_1165 [1] : vector<64x64xf32> to vector<64xf32>
    %broadcast_in_dim3A_1167 = vector.shape_cast %reduce_max3A_1166 : vector<64xf32> to vector<64x1xf32>
    %eq3A_1168 = vector.broadcast %broadcast_in_dim3A_1167 : vector<64x1xf32> to vector<64x64xf32>
    %eq3A_1169 = arith.cmpf oeq, %select_n3A_1164, %eq3A_1168 : vector<64x64xf32>
    %jit3A_1170 = arith.constant 1.280000e+02 : f32
    %broadcast_in_dim3A_1171 = vector.broadcast %jit3A_1170 : f32 to vector<64x64xf32>
    %select_n3A_1172 = arith.select %eq3A_1169, %convert_element_type3A_1000, %broadcast_in_dim3A_1171 : vector<64x64xi1>, vector<64x64xf32>
    %reduce_min3A_1173 = arith.constant dense<0x7F800000> : vector<64xf32>
    %reduce_min3A_1174 = vector.multi_reduction <minimumf>, %select_n3A_1172, %reduce_min3A_1173 [1] : vector<64x64xf32> to vector<64xf32>
    %broadcast_in_dim3A_1175 = vector.shape_cast %reduce_min3A_1174 : vector<64xf32> to vector<64x1xf32>
    %eq3A_1176 = arith.constant 7 : i32
    %eq3A_1177 = vector.broadcast %eq3A_1176 : i32 to vector<64x8xi32>
    %eq3A_1178 = arith.cmpi eq, %iota3A_1001, %eq3A_1177 : vector<64x8xi32>
    %convert_element_type3A_1179 = arith.fptosi %broadcast_in_dim3A_1175 : vector<64x1xf32> to vector<64x1xi32>
    %broadcast_in_dim3A_1180 = vector.shape_cast %convert_element_type3A_1179 : vector<64x1xi32> to vector<64x1xi32>
    %broadcast_in_dim3A_1181 = vector.broadcast %broadcast_in_dim3A_1180 : vector<64x1xi32> to vector<64x8xi32>
    %select_n3A_1182 = arith.select %eq3A_1178, %broadcast_in_dim3A_1181, %select_n3A_1159 : vector<64x8xi1>, vector<64x8xi32>
    %eq3A_1183 = vector.broadcast %broadcast_in_dim3A_1175 : vector<64x1xf32> to vector<64x64xf32>
    %eq3A_1184 = arith.cmpf oeq, %convert_element_type3A_1000, %eq3A_1183 : vector<64x64xf32>
    %jit3A_1185 = arith.constant 0xFF800000 : f32
    %broadcast_in_dim3A_1186 = vector.broadcast %jit3A_1185 : f32 to vector<64x64xf32>
    %select_n3A_1187 = arith.select %eq3A_1184, %broadcast_in_dim3A_1186, %select_n3A_1164 : vector<64x64xi1>, vector<64x64xf32>
    %swap3A_1188 = arith.constant 192 : index
    %swap3A_1189 = arith.constant 0 : index
    %swap3A_1190 = vector.load %arg5[%swap3A_1188, %swap3A_1189] : memref<512x8xi32, #tpu.memory_space<vmem>>, vector<64x8xi32>
    tpu.vector_store %arg5[%swap3A_1188, %swap3A_1189], %select_n3A_1182 {strides = array<i32>} : memref<512x8xi32, #tpu.memory_space<vmem>>, vector<64x8xi32>,
    %eq3A_1191 = arith.constant 0xFF800000 : f32
    %eq3A_1192 = vector.broadcast %eq3A_1191 : f32 to vector<64x64xf32>
    %eq3A_1193 = arith.cmpf oeq, %select_n3A_1187, %eq3A_1192 : vector<64x64xf32>
    %sub3A_1194 = vector.broadcast %broadcast_in_dim3A_1006 : vector<64x1xf32> to vector<64x64xf32>
    %sub3A_1195 = arith.subf %slice3A_998, %sub3A_1194 : vector<64x64xf32>
    %exp3A_1196 = math.exp %sub3A_1195 : vector<64x64xf32>
    %jit3A_1197 = arith.constant 0.000000e+00 : f32
    %broadcast_in_dim3A_1198 = vector.broadcast %jit3A_1197 : f32 to vector<64x64xf32>
    %select_n3A_1199 = arith.select %eq3A_1193, %exp3A_1196, %broadcast_in_dim3A_1198 : vector<64x64xi1>, vector<64x64xf32>
    %reduce_sum3A_1200 = arith.constant dense<0.000000e+00> : vector<64xf32>
    %reduce_sum3A_1201 = vector.multi_reduction <add>, %select_n3A_1199, %reduce_sum3A_1200 [1] : vector<64x64xf32> to vector<64xf32>
    %broadcast_in_dim3A_1202 = vector.shape_cast %reduce_sum3A_1201 : vector<64xf32> to vector<64x1xf32>
    %div3A_1203 = arith.constant 1.000000e+00 : f32
    %div3A_1204 = vector.broadcast %div3A_1203 : f32 to vector<64x1xf32>
    %div3A_1205 = arith.divf %div3A_1204, %broadcast_in_dim3A_1202 : vector<64x1xf32>
    %mul3A_1206 = vector.broadcast %div3A_1205 : vector<64x1xf32> to vector<64x64xf32>
    %mul3A_1207 = arith.mulf %select_n3A_1199, %mul3A_1206 : vector<64x64xf32>
    %swap3A_1208 = arith.constant 192 : index
    %swap3A_1209 = arith.constant 0 : index
    %swap3A_1210 = vector.load %arg4[%swap3A_1208, %swap3A_1209] : memref<512x64xf32, #tpu.memory_space<vmem>>, vector<64x64xf32>
    tpu.vector_store %arg4[%swap3A_1208, %swap3A_1209], %mul3A_1207 {strides = array<i32>} : memref<512x64xf32, #tpu.memory_space<vmem>>, vector<64x64xf32>,
    %slice3A_1211 = vector.extract_strided_slice %add3A_365 {offsets = [256, 0], sizes = [64, 64], strides = [1, 1]} : vector<512x64xf32> to vector<64x64xf32>
    %iota3A_1212 = tpu.iota {dimensions = array<i32: 1>} : vector<64x64xi32>
    %convert_element_type3A_1213 = arith.sitofp %iota3A_1212 : vector<64x64xi32> to vector<64x64xf32>
    %iota3A_1214 = tpu.iota {dimensions = array<i32: 1>} : vector<64x8xi32>
    %broadcast_in_dim3A_1215 = arith.constant 0 : i32
    %broadcast_in_dim3A_1216 = vector.broadcast %broadcast_in_dim3A_1215 : i32 to vector<64x8xi32>
    %reduce_max3A_1217 = arith.constant dense<0xFF800000> : vector<64xf32>
    %reduce_max3A_1218 = vector.multi_reduction <maximumf>, %slice3A_1211, %reduce_max3A_1217 [1] : vector<64x64xf32> to vector<64xf32>
    %broadcast_in_dim3A_1219 = vector.shape_cast %reduce_max3A_1218 : vector<64xf32> to vector<64x1xf32>
    %eq3A_1220 = vector.broadcast %broadcast_in_dim3A_1219 : vector<64x1xf32> to vector<64x64xf32>
    %eq3A_1221 = arith.cmpf oeq, %slice3A_1211, %eq3A_1220 : vector<64x64xf32>
    %jit3A_1222 = arith.constant 1.280000e+02 : f32
    %broadcast_in_dim3A_1223 = vector.broadcast %jit3A_1222 : f32 to vector<64x64xf32>
    %select_n3A_1224 = arith.select %eq3A_1221, %convert_element_type3A_1213, %broadcast_in_dim3A_1223 : vector<64x64xi1>, vector<64x64xf32>
    %reduce_min3A_1225 = arith.constant dense<0x7F800000> : vector<64xf32>
    %reduce_min3A_1226 = vector.multi_reduction <minimumf>, %select_n3A_1224, %reduce_min3A_1225 [1] : vector<64x64xf32> to vector<64xf32>
    %broadcast_in_dim3A_1227 = vector.shape_cast %reduce_min3A_1226 : vector<64xf32> to vector<64x1xf32>
    %eq3A_1228 = arith.constant 0 : i32
    %eq3A_1229 = vector.broadcast %eq3A_1228 : i32 to vector<64x8xi32>
    %eq3A_1230 = arith.cmpi eq, %iota3A_1214, %eq3A_1229 : vector<64x8xi32>
    %convert_element_type3A_1231 = arith.fptosi %broadcast_in_dim3A_1227 : vector<64x1xf32> to vector<64x1xi32>
    %broadcast_in_dim3A_1232 = vector.shape_cast %convert_element_type3A_1231 : vector<64x1xi32> to vector<64x1xi32>
    %broadcast_in_dim3A_1233 = vector.broadcast %broadcast_in_dim3A_1232 : vector<64x1xi32> to vector<64x8xi32>
    %select_n3A_1234 = arith.select %eq3A_1230, %broadcast_in_dim3A_1233, %broadcast_in_dim3A_1216 : vector<64x8xi1>, vector<64x8xi32>
    %eq3A_1235 = vector.broadcast %broadcast_in_dim3A_1227 : vector<64x1xf32> to vector<64x64xf32>
    %eq3A_1236 = arith.cmpf oeq, %convert_element_type3A_1213, %eq3A_1235 : vector<64x64xf32>
    %jit3A_1237 = arith.constant 0xFF800000 : f32
    %broadcast_in_dim3A_1238 = vector.broadcast %jit3A_1237 : f32 to vector<64x64xf32>
    %select_n3A_1239 = arith.select %eq3A_1236, %broadcast_in_dim3A_1238, %slice3A_1211 : vector<64x64xi1>, vector<64x64xf32>
    %reduce_max3A_1240 = arith.constant dense<0xFF800000> : vector<64xf32>
    %reduce_max3A_1241 = vector.multi_reduction <maximumf>, %select_n3A_1239, %reduce_max3A_1240 [1] : vector<64x64xf32> to vector<64xf32>
    %broadcast_in_dim3A_1242 = vector.shape_cast %reduce_max3A_1241 : vector<64xf32> to vector<64x1xf32>
    %eq3A_1243 = vector.broadcast %broadcast_in_dim3A_1242 : vector<64x1xf32> to vector<64x64xf32>
    %eq3A_1244 = arith.cmpf oeq, %select_n3A_1239, %eq3A_1243 : vector<64x64xf32>
    %jit3A_1245 = arith.constant 1.280000e+02 : f32
    %broadcast_in_dim3A_1246 = vector.broadcast %jit3A_1245 : f32 to vector<64x64xf32>
    %select_n3A_1247 = arith.select %eq3A_1244, %convert_element_type3A_1213, %broadcast_in_dim3A_1246 : vector<64x64xi1>, vector<64x64xf32>
    %reduce_min3A_1248 = arith.constant dense<0x7F800000> : vector<64xf32>
    %reduce_min3A_1249 = vector.multi_reduction <minimumf>, %select_n3A_1247, %reduce_min3A_1248 [1] : vector<64x64xf32> to vector<64xf32>
    %broadcast_in_dim3A_1250 = vector.shape_cast %reduce_min3A_1249 : vector<64xf32> to vector<64x1xf32>
    %eq3A_1251 = arith.constant 1 : i32
    %eq3A_1252 = vector.broadcast %eq3A_1251 : i32 to vector<64x8xi32>
    %eq3A_1253 = arith.cmpi eq, %iota3A_1214, %eq3A_1252 : vector<64x8xi32>
    %convert_element_type3A_1254 = arith.fptosi %broadcast_in_dim3A_1250 : vector<64x1xf32> to vector<64x1xi32>
    %broadcast_in_dim3A_1255 = vector.shape_cast %convert_element_type3A_1254 : vector<64x1xi32> to vector<64x1xi32>
    %broadcast_in_dim3A_1256 = vector.broadcast %broadcast_in_dim3A_1255 : vector<64x1xi32> to vector<64x8xi32>
    %select_n3A_1257 = arith.select %eq3A_1253, %broadcast_in_dim3A_1256, %select_n3A_1234 : vector<64x8xi1>, vector<64x8xi32>
    %eq3A_1258 = vector.broadcast %broadcast_in_dim3A_1250 : vector<64x1xf32> to vector<64x64xf32>
    %eq3A_1259 = arith.cmpf oeq, %convert_element_type3A_1213, %eq3A_1258 : vector<64x64xf32>
    %jit3A_1260 = arith.constant 0xFF800000 : f32
    %broadcast_in_dim3A_1261 = vector.broadcast %jit3A_1260 : f32 to vector<64x64xf32>
    %select_n3A_1262 = arith.select %eq3A_1259, %broadcast_in_dim3A_1261, %select_n3A_1239 : vector<64x64xi1>, vector<64x64xf32>
    %reduce_max3A_1263 = arith.constant dense<0xFF800000> : vector<64xf32>
    %reduce_max3A_1264 = vector.multi_reduction <maximumf>, %select_n3A_1262, %reduce_max3A_1263 [1] : vector<64x64xf32> to vector<64xf32>
    %broadcast_in_dim3A_1265 = vector.shape_cast %reduce_max3A_1264 : vector<64xf32> to vector<64x1xf32>
    %eq3A_1266 = vector.broadcast %broadcast_in_dim3A_1265 : vector<64x1xf32> to vector<64x64xf32>
    %eq3A_1267 = arith.cmpf oeq, %select_n3A_1262, %eq3A_1266 : vector<64x64xf32>
    %jit3A_1268 = arith.constant 1.280000e+02 : f32
    %broadcast_in_dim3A_1269 = vector.broadcast %jit3A_1268 : f32 to vector<64x64xf32>
    %select_n3A_1270 = arith.select %eq3A_1267, %convert_element_type3A_1213, %broadcast_in_dim3A_1269 : vector<64x64xi1>, vector<64x64xf32>
    %reduce_min3A_1271 = arith.constant dense<0x7F800000> : vector<64xf32>
    %reduce_min3A_1272 = vector.multi_reduction <minimumf>, %select_n3A_1270, %reduce_min3A_1271 [1] : vector<64x64xf32> to vector<64xf32>
    %broadcast_in_dim3A_1273 = vector.shape_cast %reduce_min3A_1272 : vector<64xf32> to vector<64x1xf32>
    %eq3A_1274 = arith.constant 2 : i32
    %eq3A_1275 = vector.broadcast %eq3A_1274 : i32 to vector<64x8xi32>
    %eq3A_1276 = arith.cmpi eq, %iota3A_1214, %eq3A_1275 : vector<64x8xi32>
    %convert_element_type3A_1277 = arith.fptosi %broadcast_in_dim3A_1273 : vector<64x1xf32> to vector<64x1xi32>
    %broadcast_in_dim3A_1278 = vector.shape_cast %convert_element_type3A_1277 : vector<64x1xi32> to vector<64x1xi32>
    %broadcast_in_dim3A_1279 = vector.broadcast %broadcast_in_dim3A_1278 : vector<64x1xi32> to vector<64x8xi32>
    %select_n3A_1280 = arith.select %eq3A_1276, %broadcast_in_dim3A_1279, %select_n3A_1257 : vector<64x8xi1>, vector<64x8xi32>
    %eq3A_1281 = vector.broadcast %broadcast_in_dim3A_1273 : vector<64x1xf32> to vector<64x64xf32>
    %eq3A_1282 = arith.cmpf oeq, %convert_element_type3A_1213, %eq3A_1281 : vector<64x64xf32>
    %jit3A_1283 = arith.constant 0xFF800000 : f32
    %broadcast_in_dim3A_1284 = vector.broadcast %jit3A_1283 : f32 to vector<64x64xf32>
    %select_n3A_1285 = arith.select %eq3A_1282, %broadcast_in_dim3A_1284, %select_n3A_1262 : vector<64x64xi1>, vector<64x64xf32>
    %reduce_max3A_1286 = arith.constant dense<0xFF800000> : vector<64xf32>
    %reduce_max3A_1287 = vector.multi_reduction <maximumf>, %select_n3A_1285, %reduce_max3A_1286 [1] : vector<64x64xf32> to vector<64xf32>
    %broadcast_in_dim3A_1288 = vector.shape_cast %reduce_max3A_1287 : vector<64xf32> to vector<64x1xf32>
    %eq3A_1289 = vector.broadcast %broadcast_in_dim3A_1288 : vector<64x1xf32> to vector<64x64xf32>
    %eq3A_1290 = arith.cmpf oeq, %select_n3A_1285, %eq3A_1289 : vector<64x64xf32>
    %jit3A_1291 = arith.constant 1.280000e+02 : f32
    %broadcast_in_dim3A_1292 = vector.broadcast %jit3A_1291 : f32 to vector<64x64xf32>
    %select_n3A_1293 = arith.select %eq3A_1290, %convert_element_type3A_1213, %broadcast_in_dim3A_1292 : vector<64x64xi1>, vector<64x64xf32>
    %reduce_min3A_1294 = arith.constant dense<0x7F800000> : vector<64xf32>
    %reduce_min3A_1295 = vector.multi_reduction <minimumf>, %select_n3A_1293, %reduce_min3A_1294 [1] : vector<64x64xf32> to vector<64xf32>
    %broadcast_in_dim3A_1296 = vector.shape_cast %reduce_min3A_1295 : vector<64xf32> to vector<64x1xf32>
    %eq3A_1297 = arith.constant 3 : i32
    %eq3A_1298 = vector.broadcast %eq3A_1297 : i32 to vector<64x8xi32>
    %eq3A_1299 = arith.cmpi eq, %iota3A_1214, %eq3A_1298 : vector<64x8xi32>
    %convert_element_type3A_1300 = arith.fptosi %broadcast_in_dim3A_1296 : vector<64x1xf32> to vector<64x1xi32>
    %broadcast_in_dim3A_1301 = vector.shape_cast %convert_element_type3A_1300 : vector<64x1xi32> to vector<64x1xi32>
    %broadcast_in_dim3A_1302 = vector.broadcast %broadcast_in_dim3A_1301 : vector<64x1xi32> to vector<64x8xi32>
    %select_n3A_1303 = arith.select %eq3A_1299, %broadcast_in_dim3A_1302, %select_n3A_1280 : vector<64x8xi1>, vector<64x8xi32>
    %eq3A_1304 = vector.broadcast %broadcast_in_dim3A_1296 : vector<64x1xf32> to vector<64x64xf32>
    %eq3A_1305 = arith.cmpf oeq, %convert_element_type3A_1213, %eq3A_1304 : vector<64x64xf32>
    %jit3A_1306 = arith.constant 0xFF800000 : f32
    %broadcast_in_dim3A_1307 = vector.broadcast %jit3A_1306 : f32 to vector<64x64xf32>
    %select_n3A_1308 = arith.select %eq3A_1305, %broadcast_in_dim3A_1307, %select_n3A_1285 : vector<64x64xi1>, vector<64x64xf32>
    %reduce_max3A_1309 = arith.constant dense<0xFF800000> : vector<64xf32>
    %reduce_max3A_1310 = vector.multi_reduction <maximumf>, %select_n3A_1308, %reduce_max3A_1309 [1] : vector<64x64xf32> to vector<64xf32>
    %broadcast_in_dim3A_1311 = vector.shape_cast %reduce_max3A_1310 : vector<64xf32> to vector<64x1xf32>
    %eq3A_1312 = vector.broadcast %broadcast_in_dim3A_1311 : vector<64x1xf32> to vector<64x64xf32>
    %eq3A_1313 = arith.cmpf oeq, %select_n3A_1308, %eq3A_1312 : vector<64x64xf32>
    %jit3A_1314 = arith.constant 1.280000e+02 : f32
    %broadcast_in_dim3A_1315 = vector.broadcast %jit3A_1314 : f32 to vector<64x64xf32>
    %select_n3A_1316 = arith.select %eq3A_1313, %convert_element_type3A_1213, %broadcast_in_dim3A_1315 : vector<64x64xi1>, vector<64x64xf32>
    %reduce_min3A_1317 = arith.constant dense<0x7F800000> : vector<64xf32>
    %reduce_min3A_1318 = vector.multi_reduction <minimumf>, %select_n3A_1316, %reduce_min3A_1317 [1] : vector<64x64xf32> to vector<64xf32>
    %broadcast_in_dim3A_1319 = vector.shape_cast %reduce_min3A_1318 : vector<64xf32> to vector<64x1xf32>
    %eq3A_1320 = arith.constant 4 : i32
    %eq3A_1321 = vector.broadcast %eq3A_1320 : i32 to vector<64x8xi32>
    %eq3A_1322 = arith.cmpi eq, %iota3A_1214, %eq3A_1321 : vector<64x8xi32>
    %convert_element_type3A_1323 = arith.fptosi %broadcast_in_dim3A_1319 : vector<64x1xf32> to vector<64x1xi32>
    %broadcast_in_dim3A_1324 = vector.shape_cast %convert_element_type3A_1323 : vector<64x1xi32> to vector<64x1xi32>
    %broadcast_in_dim3A_1325 = vector.broadcast %broadcast_in_dim3A_1324 : vector<64x1xi32> to vector<64x8xi32>
    %select_n3A_1326 = arith.select %eq3A_1322, %broadcast_in_dim3A_1325, %select_n3A_1303 : vector<64x8xi1>, vector<64x8xi32>
    %eq3A_1327 = vector.broadcast %broadcast_in_dim3A_1319 : vector<64x1xf32> to vector<64x64xf32>
    %eq3A_1328 = arith.cmpf oeq, %convert_element_type3A_1213, %eq3A_1327 : vector<64x64xf32>
    %jit3A_1329 = arith.constant 0xFF800000 : f32
    %broadcast_in_dim3A_1330 = vector.broadcast %jit3A_1329 : f32 to vector<64x64xf32>
    %select_n3A_1331 = arith.select %eq3A_1328, %broadcast_in_dim3A_1330, %select_n3A_1308 : vector<64x64xi1>, vector<64x64xf32>
    %reduce_max3A_1332 = arith.constant dense<0xFF800000> : vector<64xf32>
    %reduce_max3A_1333 = vector.multi_reduction <maximumf>, %select_n3A_1331, %reduce_max3A_1332 [1] : vector<64x64xf32> to vector<64xf32>
    %broadcast_in_dim3A_1334 = vector.shape_cast %reduce_max3A_1333 : vector<64xf32> to vector<64x1xf32>
    %eq3A_1335 = vector.broadcast %broadcast_in_dim3A_1334 : vector<64x1xf32> to vector<64x64xf32>
    %eq3A_1336 = arith.cmpf oeq, %select_n3A_1331, %eq3A_1335 : vector<64x64xf32>
    %jit3A_1337 = arith.constant 1.280000e+02 : f32
    %broadcast_in_dim3A_1338 = vector.broadcast %jit3A_1337 : f32 to vector<64x64xf32>
    %select_n3A_1339 = arith.select %eq3A_1336, %convert_element_type3A_1213, %broadcast_in_dim3A_1338 : vector<64x64xi1>, vector<64x64xf32>
    %reduce_min3A_1340 = arith.constant dense<0x7F800000> : vector<64xf32>
    %reduce_min3A_1341 = vector.multi_reduction <minimumf>, %select_n3A_1339, %reduce_min3A_1340 [1] : vector<64x64xf32> to vector<64xf32>
    %broadcast_in_dim3A_1342 = vector.shape_cast %reduce_min3A_1341 : vector<64xf32> to vector<64x1xf32>
    %eq3A_1343 = arith.constant 5 : i32
    %eq3A_1344 = vector.broadcast %eq3A_1343 : i32 to vector<64x8xi32>
    %eq3A_1345 = arith.cmpi eq, %iota3A_1214, %eq3A_1344 : vector<64x8xi32>
    %convert_element_type3A_1346 = arith.fptosi %broadcast_in_dim3A_1342 : vector<64x1xf32> to vector<64x1xi32>
    %broadcast_in_dim3A_1347 = vector.shape_cast %convert_element_type3A_1346 : vector<64x1xi32> to vector<64x1xi32>
    %broadcast_in_dim3A_1348 = vector.broadcast %broadcast_in_dim3A_1347 : vector<64x1xi32> to vector<64x8xi32>
    %select_n3A_1349 = arith.select %eq3A_1345, %broadcast_in_dim3A_1348, %select_n3A_1326 : vector<64x8xi1>, vector<64x8xi32>
    %eq3A_1350 = vector.broadcast %broadcast_in_dim3A_1342 : vector<64x1xf32> to vector<64x64xf32>
    %eq3A_1351 = arith.cmpf oeq, %convert_element_type3A_1213, %eq3A_1350 : vector<64x64xf32>
    %jit3A_1352 = arith.constant 0xFF800000 : f32
    %broadcast_in_dim3A_1353 = vector.broadcast %jit3A_1352 : f32 to vector<64x64xf32>
    %select_n3A_1354 = arith.select %eq3A_1351, %broadcast_in_dim3A_1353, %select_n3A_1331 : vector<64x64xi1>, vector<64x64xf32>
    %reduce_max3A_1355 = arith.constant dense<0xFF800000> : vector<64xf32>
    %reduce_max3A_1356 = vector.multi_reduction <maximumf>, %select_n3A_1354, %reduce_max3A_1355 [1] : vector<64x64xf32> to vector<64xf32>
    %broadcast_in_dim3A_1357 = vector.shape_cast %reduce_max3A_1356 : vector<64xf32> to vector<64x1xf32>
    %eq3A_1358 = vector.broadcast %broadcast_in_dim3A_1357 : vector<64x1xf32> to vector<64x64xf32>
    %eq3A_1359 = arith.cmpf oeq, %select_n3A_1354, %eq3A_1358 : vector<64x64xf32>
    %jit3A_1360 = arith.constant 1.280000e+02 : f32
    %broadcast_in_dim3A_1361 = vector.broadcast %jit3A_1360 : f32 to vector<64x64xf32>
    %select_n3A_1362 = arith.select %eq3A_1359, %convert_element_type3A_1213, %broadcast_in_dim3A_1361 : vector<64x64xi1>, vector<64x64xf32>
    %reduce_min3A_1363 = arith.constant dense<0x7F800000> : vector<64xf32>
    %reduce_min3A_1364 = vector.multi_reduction <minimumf>, %select_n3A_1362, %reduce_min3A_1363 [1] : vector<64x64xf32> to vector<64xf32>
    %broadcast_in_dim3A_1365 = vector.shape_cast %reduce_min3A_1364 : vector<64xf32> to vector<64x1xf32>
    %eq3A_1366 = arith.constant 6 : i32
    %eq3A_1367 = vector.broadcast %eq3A_1366 : i32 to vector<64x8xi32>
    %eq3A_1368 = arith.cmpi eq, %iota3A_1214, %eq3A_1367 : vector<64x8xi32>
    %convert_element_type3A_1369 = arith.fptosi %broadcast_in_dim3A_1365 : vector<64x1xf32> to vector<64x1xi32>
    %broadcast_in_dim3A_1370 = vector.shape_cast %convert_element_type3A_1369 : vector<64x1xi32> to vector<64x1xi32>
    %broadcast_in_dim3A_1371 = vector.broadcast %broadcast_in_dim3A_1370 : vector<64x1xi32> to vector<64x8xi32>
    %select_n3A_1372 = arith.select %eq3A_1368, %broadcast_in_dim3A_1371, %select_n3A_1349 : vector<64x8xi1>, vector<64x8xi32>
    %eq3A_1373 = vector.broadcast %broadcast_in_dim3A_1365 : vector<64x1xf32> to vector<64x64xf32>
    %eq3A_1374 = arith.cmpf oeq, %convert_element_type3A_1213, %eq3A_1373 : vector<64x64xf32>
    %jit3A_1375 = arith.constant 0xFF800000 : f32
    %broadcast_in_dim3A_1376 = vector.broadcast %jit3A_1375 : f32 to vector<64x64xf32>
    %select_n3A_1377 = arith.select %eq3A_1374, %broadcast_in_dim3A_1376, %select_n3A_1354 : vector<64x64xi1>, vector<64x64xf32>
    %reduce_max3A_1378 = arith.constant dense<0xFF800000> : vector<64xf32>
    %reduce_max3A_1379 = vector.multi_reduction <maximumf>, %select_n3A_1377, %reduce_max3A_1378 [1] : vector<64x64xf32> to vector<64xf32>
    %broadcast_in_dim3A_1380 = vector.shape_cast %reduce_max3A_1379 : vector<64xf32> to vector<64x1xf32>
    %eq3A_1381 = vector.broadcast %broadcast_in_dim3A_1380 : vector<64x1xf32> to vector<64x64xf32>
    %eq3A_1382 = arith.cmpf oeq, %select_n3A_1377, %eq3A_1381 : vector<64x64xf32>
    %jit3A_1383 = arith.constant 1.280000e+02 : f32
    %broadcast_in_dim3A_1384 = vector.broadcast %jit3A_1383 : f32 to vector<64x64xf32>
    %select_n3A_1385 = arith.select %eq3A_1382, %convert_element_type3A_1213, %broadcast_in_dim3A_1384 : vector<64x64xi1>, vector<64x64xf32>
    %reduce_min3A_1386 = arith.constant dense<0x7F800000> : vector<64xf32>
    %reduce_min3A_1387 = vector.multi_reduction <minimumf>, %select_n3A_1385, %reduce_min3A_1386 [1] : vector<64x64xf32> to vector<64xf32>
    %broadcast_in_dim3A_1388 = vector.shape_cast %reduce_min3A_1387 : vector<64xf32> to vector<64x1xf32>
    %eq3A_1389 = arith.constant 7 : i32
    %eq3A_1390 = vector.broadcast %eq3A_1389 : i32 to vector<64x8xi32>
    %eq3A_1391 = arith.cmpi eq, %iota3A_1214, %eq3A_1390 : vector<64x8xi32>
    %convert_element_type3A_1392 = arith.fptosi %broadcast_in_dim3A_1388 : vector<64x1xf32> to vector<64x1xi32>
    %broadcast_in_dim3A_1393 = vector.shape_cast %convert_element_type3A_1392 : vector<64x1xi32> to vector<64x1xi32>
    %broadcast_in_dim3A_1394 = vector.broadcast %broadcast_in_dim3A_1393 : vector<64x1xi32> to vector<64x8xi32>
    %select_n3A_1395 = arith.select %eq3A_1391, %broadcast_in_dim3A_1394, %select_n3A_1372 : vector<64x8xi1>, vector<64x8xi32>
    %eq3A_1396 = vector.broadcast %broadcast_in_dim3A_1388 : vector<64x1xf32> to vector<64x64xf32>
    %eq3A_1397 = arith.cmpf oeq, %convert_element_type3A_1213, %eq3A_1396 : vector<64x64xf32>
    %jit3A_1398 = arith.constant 0xFF800000 : f32
    %broadcast_in_dim3A_1399 = vector.broadcast %jit3A_1398 : f32 to vector<64x64xf32>
    %select_n3A_1400 = arith.select %eq3A_1397, %broadcast_in_dim3A_1399, %select_n3A_1377 : vector<64x64xi1>, vector<64x64xf32>
    %swap3A_1401 = arith.constant 256 : index
    %swap3A_1402 = arith.constant 0 : index
    %swap3A_1403 = vector.load %arg5[%swap3A_1401, %swap3A_1402] : memref<512x8xi32, #tpu.memory_space<vmem>>, vector<64x8xi32>
    tpu.vector_store %arg5[%swap3A_1401, %swap3A_1402], %select_n3A_1395 {strides = array<i32>} : memref<512x8xi32, #tpu.memory_space<vmem>>, vector<64x8xi32>,
    %eq3A_1404 = arith.constant 0xFF800000 : f32
    %eq3A_1405 = vector.broadcast %eq3A_1404 : f32 to vector<64x64xf32>
    %eq3A_1406 = arith.cmpf oeq, %select_n3A_1400, %eq3A_1405 : vector<64x64xf32>
    %sub3A_1407 = vector.broadcast %broadcast_in_dim3A_1219 : vector<64x1xf32> to vector<64x64xf32>
    %sub3A_1408 = arith.subf %slice3A_1211, %sub3A_1407 : vector<64x64xf32>
    %exp3A_1409 = math.exp %sub3A_1408 : vector<64x64xf32>
    %jit3A_1410 = arith.constant 0.000000e+00 : f32
    %broadcast_in_dim3A_1411 = vector.broadcast %jit3A_1410 : f32 to vector<64x64xf32>
    %select_n3A_1412 = arith.select %eq3A_1406, %exp3A_1409, %broadcast_in_dim3A_1411 : vector<64x64xi1>, vector<64x64xf32>
    %reduce_sum3A_1413 = arith.constant dense<0.000000e+00> : vector<64xf32>
    %reduce_sum3A_1414 = vector.multi_reduction <add>, %select_n3A_1412, %reduce_sum3A_1413 [1] : vector<64x64xf32> to vector<64xf32>
    %broadcast_in_dim3A_1415 = vector.shape_cast %reduce_sum3A_1414 : vector<64xf32> to vector<64x1xf32>
    %div3A_1416 = arith.constant 1.000000e+00 : f32
    %div3A_1417 = vector.broadcast %div3A_1416 : f32 to vector<64x1xf32>
    %div3A_1418 = arith.divf %div3A_1417, %broadcast_in_dim3A_1415 : vector<64x1xf32>
    %mul3A_1419 = vector.broadcast %div3A_1418 : vector<64x1xf32> to vector<64x64xf32>
    %mul3A_1420 = arith.mulf %select_n3A_1412, %mul3A_1419 : vector<64x64xf32>
    %swap3A_1421 = arith.constant 256 : index
    %swap3A_1422 = arith.constant 0 : index
    %swap3A_1423 = vector.load %arg4[%swap3A_1421, %swap3A_1422] : memref<512x64xf32, #tpu.memory_space<vmem>>, vector<64x64xf32>
    tpu.vector_store %arg4[%swap3A_1421, %swap3A_1422], %mul3A_1420 {strides = array<i32>} : memref<512x64xf32, #tpu.memory_space<vmem>>, vector<64x64xf32>,
    %slice3A_1424 = vector.extract_strided_slice %add3A_365 {offsets = [320, 0], sizes = [64, 64], strides = [1, 1]} : vector<512x64xf32> to vector<64x64xf32>
    %iota3A_1425 = tpu.iota {dimensions = array<i32: 1>} : vector<64x64xi32>
    %convert_element_type3A_1426 = arith.sitofp %iota3A_1425 : vector<64x64xi32> to vector<64x64xf32>
    %iota3A_1427 = tpu.iota {dimensions = array<i32: 1>} : vector<64x8xi32>
    %broadcast_in_dim3A_1428 = arith.constant 0 : i32
    %broadcast_in_dim3A_1429 = vector.broadcast %broadcast_in_dim3A_1428 : i32 to vector<64x8xi32>
    %reduce_max3A_1430 = arith.constant dense<0xFF800000> : vector<64xf32>
    %reduce_max3A_1431 = vector.multi_reduction <maximumf>, %slice3A_1424, %reduce_max3A_1430 [1] : vector<64x64xf32> to vector<64xf32>
    %broadcast_in_dim3A_1432 = vector.shape_cast %reduce_max3A_1431 : vector<64xf32> to vector<64x1xf32>
    %eq3A_1433 = vector.broadcast %broadcast_in_dim3A_1432 : vector<64x1xf32> to vector<64x64xf32>
    %eq3A_1434 = arith.cmpf oeq, %slice3A_1424, %eq3A_1433 : vector<64x64xf32>
    %jit3A_1435 = arith.constant 1.280000e+02 : f32
    %broadcast_in_dim3A_1436 = vector.broadcast %jit3A_1435 : f32 to vector<64x64xf32>
    %select_n3A_1437 = arith.select %eq3A_1434, %convert_element_type3A_1426, %broadcast_in_dim3A_1436 : vector<64x64xi1>, vector<64x64xf32>
    %reduce_min3A_1438 = arith.constant dense<0x7F800000> : vector<64xf32>
    %reduce_min3A_1439 = vector.multi_reduction <minimumf>, %select_n3A_1437, %reduce_min3A_1438 [1] : vector<64x64xf32> to vector<64xf32>
    %broadcast_in_dim3A_1440 = vector.shape_cast %reduce_min3A_1439 : vector<64xf32> to vector<64x1xf32>
    %eq3A_1441 = arith.constant 0 : i32
    %eq3A_1442 = vector.broadcast %eq3A_1441 : i32 to vector<64x8xi32>
    %eq3A_1443 = arith.cmpi eq, %iota3A_1427, %eq3A_1442 : vector<64x8xi32>
    %convert_element_type3A_1444 = arith.fptosi %broadcast_in_dim3A_1440 : vector<64x1xf32> to vector<64x1xi32>
    %broadcast_in_dim3A_1445 = vector.shape_cast %convert_element_type3A_1444 : vector<64x1xi32> to vector<64x1xi32>
    %broadcast_in_dim3A_1446 = vector.broadcast %broadcast_in_dim3A_1445 : vector<64x1xi32> to vector<64x8xi32>
    %select_n3A_1447 = arith.select %eq3A_1443, %broadcast_in_dim3A_1446, %broadcast_in_dim3A_1429 : vector<64x8xi1>, vector<64x8xi32>
    %eq3A_1448 = vector.broadcast %broadcast_in_dim3A_1440 : vector<64x1xf32> to vector<64x64xf32>
    %eq3A_1449 = arith.cmpf oeq, %convert_element_type3A_1426, %eq3A_1448 : vector<64x64xf32>
    %jit3A_1450 = arith.constant 0xFF800000 : f32
    %broadcast_in_dim3A_1451 = vector.broadcast %jit3A_1450 : f32 to vector<64x64xf32>
    %select_n3A_1452 = arith.select %eq3A_1449, %broadcast_in_dim3A_1451, %slice3A_1424 : vector<64x64xi1>, vector<64x64xf32>
    %reduce_max3A_1453 = arith.constant dense<0xFF800000> : vector<64xf32>
    %reduce_max3A_1454 = vector.multi_reduction <maximumf>, %select_n3A_1452, %reduce_max3A_1453 [1] : vector<64x64xf32> to vector<64xf32>
    %broadcast_in_dim3A_1455 = vector.shape_cast %reduce_max3A_1454 : vector<64xf32> to vector<64x1xf32>
    %eq3A_1456 = vector.broadcast %broadcast_in_dim3A_1455 : vector<64x1xf32> to vector<64x64xf32>
    %eq3A_1457 = arith.cmpf oeq, %select_n3A_1452, %eq3A_1456 : vector<64x64xf32>
    %jit3A_1458 = arith.constant 1.280000e+02 : f32
    %broadcast_in_dim3A_1459 = vector.broadcast %jit3A_1458 : f32 to vector<64x64xf32>
    %select_n3A_1460 = arith.select %eq3A_1457, %convert_element_type3A_1426, %broadcast_in_dim3A_1459 : vector<64x64xi1>, vector<64x64xf32>
    %reduce_min3A_1461 = arith.constant dense<0x7F800000> : vector<64xf32>
    %reduce_min3A_1462 = vector.multi_reduction <minimumf>, %select_n3A_1460, %reduce_min3A_1461 [1] : vector<64x64xf32> to vector<64xf32>
    %broadcast_in_dim3A_1463 = vector.shape_cast %reduce_min3A_1462 : vector<64xf32> to vector<64x1xf32>
    %eq3A_1464 = arith.constant 1 : i32
    %eq3A_1465 = vector.broadcast %eq3A_1464 : i32 to vector<64x8xi32>
    %eq3A_1466 = arith.cmpi eq, %iota3A_1427, %eq3A_1465 : vector<64x8xi32>
    %convert_element_type3A_1467 = arith.fptosi %broadcast_in_dim3A_1463 : vector<64x1xf32> to vector<64x1xi32>
    %broadcast_in_dim3A_1468 = vector.shape_cast %convert_element_type3A_1467 : vector<64x1xi32> to vector<64x1xi32>
    %broadcast_in_dim3A_1469 = vector.broadcast %broadcast_in_dim3A_1468 : vector<64x1xi32> to vector<64x8xi32>
    %select_n3A_1470 = arith.select %eq3A_1466, %broadcast_in_dim3A_1469, %select_n3A_1447 : vector<64x8xi1>, vector<64x8xi32>
    %eq3A_1471 = vector.broadcast %broadcast_in_dim3A_1463 : vector<64x1xf32> to vector<64x64xf32>
    %eq3A_1472 = arith.cmpf oeq, %convert_element_type3A_1426, %eq3A_1471 : vector<64x64xf32>
    %jit3A_1473 = arith.constant 0xFF800000 : f32
    %broadcast_in_dim3A_1474 = vector.broadcast %jit3A_1473 : f32 to vector<64x64xf32>
    %select_n3A_1475 = arith.select %eq3A_1472, %broadcast_in_dim3A_1474, %select_n3A_1452 : vector<64x64xi1>, vector<64x64xf32>
    %reduce_max3A_1476 = arith.constant dense<0xFF800000> : vector<64xf32>
    %reduce_max3A_1477 = vector.multi_reduction <maximumf>, %select_n3A_1475, %reduce_max3A_1476 [1] : vector<64x64xf32> to vector<64xf32>
    %broadcast_in_dim3A_1478 = vector.shape_cast %reduce_max3A_1477 : vector<64xf32> to vector<64x1xf32>
    %eq3A_1479 = vector.broadcast %broadcast_in_dim3A_1478 : vector<64x1xf32> to vector<64x64xf32>
    %eq3A_1480 = arith.cmpf oeq, %select_n3A_1475, %eq3A_1479 : vector<64x64xf32>
    %jit3A_1481 = arith.constant 1.280000e+02 : f32
    %broadcast_in_dim3A_1482 = vector.broadcast %jit3A_1481 : f32 to vector<64x64xf32>
    %select_n3A_1483 = arith.select %eq3A_1480, %convert_element_type3A_1426, %broadcast_in_dim3A_1482 : vector<64x64xi1>, vector<64x64xf32>
    %reduce_min3A_1484 = arith.constant dense<0x7F800000> : vector<64xf32>
    %reduce_min3A_1485 = vector.multi_reduction <minimumf>, %select_n3A_1483, %reduce_min3A_1484 [1] : vector<64x64xf32> to vector<64xf32>
    %broadcast_in_dim3A_1486 = vector.shape_cast %reduce_min3A_1485 : vector<64xf32> to vector<64x1xf32>
    %eq3A_1487 = arith.constant 2 : i32
    %eq3A_1488 = vector.broadcast %eq3A_1487 : i32 to vector<64x8xi32>
    %eq3A_1489 = arith.cmpi eq, %iota3A_1427, %eq3A_1488 : vector<64x8xi32>
    %convert_element_type3A_1490 = arith.fptosi %broadcast_in_dim3A_1486 : vector<64x1xf32> to vector<64x1xi32>
    %broadcast_in_dim3A_1491 = vector.shape_cast %convert_element_type3A_1490 : vector<64x1xi32> to vector<64x1xi32>
    %broadcast_in_dim3A_1492 = vector.broadcast %broadcast_in_dim3A_1491 : vector<64x1xi32> to vector<64x8xi32>
    %select_n3A_1493 = arith.select %eq3A_1489, %broadcast_in_dim3A_1492, %select_n3A_1470 : vector<64x8xi1>, vector<64x8xi32>
    %eq3A_1494 = vector.broadcast %broadcast_in_dim3A_1486 : vector<64x1xf32> to vector<64x64xf32>
    %eq3A_1495 = arith.cmpf oeq, %convert_element_type3A_1426, %eq3A_1494 : vector<64x64xf32>
    %jit3A_1496 = arith.constant 0xFF800000 : f32
    %broadcast_in_dim3A_1497 = vector.broadcast %jit3A_1496 : f32 to vector<64x64xf32>
    %select_n3A_1498 = arith.select %eq3A_1495, %broadcast_in_dim3A_1497, %select_n3A_1475 : vector<64x64xi1>, vector<64x64xf32>
    %reduce_max3A_1499 = arith.constant dense<0xFF800000> : vector<64xf32>
    %reduce_max3A_1500 = vector.multi_reduction <maximumf>, %select_n3A_1498, %reduce_max3A_1499 [1] : vector<64x64xf32> to vector<64xf32>
    %broadcast_in_dim3A_1501 = vector.shape_cast %reduce_max3A_1500 : vector<64xf32> to vector<64x1xf32>
    %eq3A_1502 = vector.broadcast %broadcast_in_dim3A_1501 : vector<64x1xf32> to vector<64x64xf32>
    %eq3A_1503 = arith.cmpf oeq, %select_n3A_1498, %eq3A_1502 : vector<64x64xf32>
    %jit3A_1504 = arith.constant 1.280000e+02 : f32
    %broadcast_in_dim3A_1505 = vector.broadcast %jit3A_1504 : f32 to vector<64x64xf32>
    %select_n3A_1506 = arith.select %eq3A_1503, %convert_element_type3A_1426, %broadcast_in_dim3A_1505 : vector<64x64xi1>, vector<64x64xf32>
    %reduce_min3A_1507 = arith.constant dense<0x7F800000> : vector<64xf32>
    %reduce_min3A_1508 = vector.multi_reduction <minimumf>, %select_n3A_1506, %reduce_min3A_1507 [1] : vector<64x64xf32> to vector<64xf32>
    %broadcast_in_dim3A_1509 = vector.shape_cast %reduce_min3A_1508 : vector<64xf32> to vector<64x1xf32>
    %eq3A_1510 = arith.constant 3 : i32
    %eq3A_1511 = vector.broadcast %eq3A_1510 : i32 to vector<64x8xi32>
    %eq3A_1512 = arith.cmpi eq, %iota3A_1427, %eq3A_1511 : vector<64x8xi32>
    %convert_element_type3A_1513 = arith.fptosi %broadcast_in_dim3A_1509 : vector<64x1xf32> to vector<64x1xi32>
    %broadcast_in_dim3A_1514 = vector.shape_cast %convert_element_type3A_1513 : vector<64x1xi32> to vector<64x1xi32>
    %broadcast_in_dim3A_1515 = vector.broadcast %broadcast_in_dim3A_1514 : vector<64x1xi32> to vector<64x8xi32>
    %select_n3A_1516 = arith.select %eq3A_1512, %broadcast_in_dim3A_1515, %select_n3A_1493 : vector<64x8xi1>, vector<64x8xi32>
    %eq3A_1517 = vector.broadcast %broadcast_in_dim3A_1509 : vector<64x1xf32> to vector<64x64xf32>
    %eq3A_1518 = arith.cmpf oeq, %convert_element_type3A_1426, %eq3A_1517 : vector<64x64xf32>
    %jit3A_1519 = arith.constant 0xFF800000 : f32
    %broadcast_in_dim3A_1520 = vector.broadcast %jit3A_1519 : f32 to vector<64x64xf32>
    %select_n3A_1521 = arith.select %eq3A_1518, %broadcast_in_dim3A_1520, %select_n3A_1498 : vector<64x64xi1>, vector<64x64xf32>
    %reduce_max3A_1522 = arith.constant dense<0xFF800000> : vector<64xf32>
    %reduce_max3A_1523 = vector.multi_reduction <maximumf>, %select_n3A_1521, %reduce_max3A_1522 [1] : vector<64x64xf32> to vector<64xf32>
    %broadcast_in_dim3A_1524 = vector.shape_cast %reduce_max3A_1523 : vector<64xf32> to vector<64x1xf32>
    %eq3A_1525 = vector.broadcast %broadcast_in_dim3A_1524 : vector<64x1xf32> to vector<64x64xf32>
    %eq3A_1526 = arith.cmpf oeq, %select_n3A_1521, %eq3A_1525 : vector<64x64xf32>
    %jit3A_1527 = arith.constant 1.280000e+02 : f32
    %broadcast_in_dim3A_1528 = vector.broadcast %jit3A_1527 : f32 to vector<64x64xf32>
    %select_n3A_1529 = arith.select %eq3A_1526, %convert_element_type3A_1426, %broadcast_in_dim3A_1528 : vector<64x64xi1>, vector<64x64xf32>
    %reduce_min3A_1530 = arith.constant dense<0x7F800000> : vector<64xf32>
    %reduce_min3A_1531 = vector.multi_reduction <minimumf>, %select_n3A_1529, %reduce_min3A_1530 [1] : vector<64x64xf32> to vector<64xf32>
    %broadcast_in_dim3A_1532 = vector.shape_cast %reduce_min3A_1531 : vector<64xf32> to vector<64x1xf32>
    %eq3A_1533 = arith.constant 4 : i32
    %eq3A_1534 = vector.broadcast %eq3A_1533 : i32 to vector<64x8xi32>
    %eq3A_1535 = arith.cmpi eq, %iota3A_1427, %eq3A_1534 : vector<64x8xi32>
    %convert_element_type3A_1536 = arith.fptosi %broadcast_in_dim3A_1532 : vector<64x1xf32> to vector<64x1xi32>
    %broadcast_in_dim3A_1537 = vector.shape_cast %convert_element_type3A_1536 : vector<64x1xi32> to vector<64x1xi32>
    %broadcast_in_dim3A_1538 = vector.broadcast %broadcast_in_dim3A_1537 : vector<64x1xi32> to vector<64x8xi32>
    %select_n3A_1539 = arith.select %eq3A_1535, %broadcast_in_dim3A_1538, %select_n3A_1516 : vector<64x8xi1>, vector<64x8xi32>
    %eq3A_1540 = vector.broadcast %broadcast_in_dim3A_1532 : vector<64x1xf32> to vector<64x64xf32>
    %eq3A_1541 = arith.cmpf oeq, %convert_element_type3A_1426, %eq3A_1540 : vector<64x64xf32>
    %jit3A_1542 = arith.constant 0xFF800000 : f32
    %broadcast_in_dim3A_1543 = vector.broadcast %jit3A_1542 : f32 to vector<64x64xf32>
    %select_n3A_1544 = arith.select %eq3A_1541, %broadcast_in_dim3A_1543, %select_n3A_1521 : vector<64x64xi1>, vector<64x64xf32>
    %reduce_max3A_1545 = arith.constant dense<0xFF800000> : vector<64xf32>
    %reduce_max3A_1546 = vector.multi_reduction <maximumf>, %select_n3A_1544, %reduce_max3A_1545 [1] : vector<64x64xf32> to vector<64xf32>
    %broadcast_in_dim3A_1547 = vector.shape_cast %reduce_max3A_1546 : vector<64xf32> to vector<64x1xf32>
    %eq3A_1548 = vector.broadcast %broadcast_in_dim3A_1547 : vector<64x1xf32> to vector<64x64xf32>
    %eq3A_1549 = arith.cmpf oeq, %select_n3A_1544, %eq3A_1548 : vector<64x64xf32>
    %jit3A_1550 = arith.constant 1.280000e+02 : f32
    %broadcast_in_dim3A_1551 = vector.broadcast %jit3A_1550 : f32 to vector<64x64xf32>
    %select_n3A_1552 = arith.select %eq3A_1549, %convert_element_type3A_1426, %broadcast_in_dim3A_1551 : vector<64x64xi1>, vector<64x64xf32>
    %reduce_min3A_1553 = arith.constant dense<0x7F800000> : vector<64xf32>
    %reduce_min3A_1554 = vector.multi_reduction <minimumf>, %select_n3A_1552, %reduce_min3A_1553 [1] : vector<64x64xf32> to vector<64xf32>
    %broadcast_in_dim3A_1555 = vector.shape_cast %reduce_min3A_1554 : vector<64xf32> to vector<64x1xf32>
    %eq3A_1556 = arith.constant 5 : i32
    %eq3A_1557 = vector.broadcast %eq3A_1556 : i32 to vector<64x8xi32>
    %eq3A_1558 = arith.cmpi eq, %iota3A_1427, %eq3A_1557 : vector<64x8xi32>
    %convert_element_type3A_1559 = arith.fptosi %broadcast_in_dim3A_1555 : vector<64x1xf32> to vector<64x1xi32>
    %broadcast_in_dim3A_1560 = vector.shape_cast %convert_element_type3A_1559 : vector<64x1xi32> to vector<64x1xi32>
    %broadcast_in_dim3A_1561 = vector.broadcast %broadcast_in_dim3A_1560 : vector<64x1xi32> to vector<64x8xi32>
    %select_n3A_1562 = arith.select %eq3A_1558, %broadcast_in_dim3A_1561, %select_n3A_1539 : vector<64x8xi1>, vector<64x8xi32>
    %eq3A_1563 = vector.broadcast %broadcast_in_dim3A_1555 : vector<64x1xf32> to vector<64x64xf32>
    %eq3A_1564 = arith.cmpf oeq, %convert_element_type3A_1426, %eq3A_1563 : vector<64x64xf32>
    %jit3A_1565 = arith.constant 0xFF800000 : f32
    %broadcast_in_dim3A_1566 = vector.broadcast %jit3A_1565 : f32 to vector<64x64xf32>
    %select_n3A_1567 = arith.select %eq3A_1564, %broadcast_in_dim3A_1566, %select_n3A_1544 : vector<64x64xi1>, vector<64x64xf32>
    %reduce_max3A_1568 = arith.constant dense<0xFF800000> : vector<64xf32>
    %reduce_max3A_1569 = vector.multi_reduction <maximumf>, %select_n3A_1567, %reduce_max3A_1568 [1] : vector<64x64xf32> to vector<64xf32>
    %broadcast_in_dim3A_1570 = vector.shape_cast %reduce_max3A_1569 : vector<64xf32> to vector<64x1xf32>
    %eq3A_1571 = vector.broadcast %broadcast_in_dim3A_1570 : vector<64x1xf32> to vector<64x64xf32>
    %eq3A_1572 = arith.cmpf oeq, %select_n3A_1567, %eq3A_1571 : vector<64x64xf32>
    %jit3A_1573 = arith.constant 1.280000e+02 : f32
    %broadcast_in_dim3A_1574 = vector.broadcast %jit3A_1573 : f32 to vector<64x64xf32>
    %select_n3A_1575 = arith.select %eq3A_1572, %convert_element_type3A_1426, %broadcast_in_dim3A_1574 : vector<64x64xi1>, vector<64x64xf32>
    %reduce_min3A_1576 = arith.constant dense<0x7F800000> : vector<64xf32>
    %reduce_min3A_1577 = vector.multi_reduction <minimumf>, %select_n3A_1575, %reduce_min3A_1576 [1] : vector<64x64xf32> to vector<64xf32>
    %broadcast_in_dim3A_1578 = vector.shape_cast %reduce_min3A_1577 : vector<64xf32> to vector<64x1xf32>
    %eq3A_1579 = arith.constant 6 : i32
    %eq3A_1580 = vector.broadcast %eq3A_1579 : i32 to vector<64x8xi32>
    %eq3A_1581 = arith.cmpi eq, %iota3A_1427, %eq3A_1580 : vector<64x8xi32>
    %convert_element_type3A_1582 = arith.fptosi %broadcast_in_dim3A_1578 : vector<64x1xf32> to vector<64x1xi32>
    %broadcast_in_dim3A_1583 = vector.shape_cast %convert_element_type3A_1582 : vector<64x1xi32> to vector<64x1xi32>
    %broadcast_in_dim3A_1584 = vector.broadcast %broadcast_in_dim3A_1583 : vector<64x1xi32> to vector<64x8xi32>
    %select_n3A_1585 = arith.select %eq3A_1581, %broadcast_in_dim3A_1584, %select_n3A_1562 : vector<64x8xi1>, vector<64x8xi32>
    %eq3A_1586 = vector.broadcast %broadcast_in_dim3A_1578 : vector<64x1xf32> to vector<64x64xf32>
    %eq3A_1587 = arith.cmpf oeq, %convert_element_type3A_1426, %eq3A_1586 : vector<64x64xf32>
    %jit3A_1588 = arith.constant 0xFF800000 : f32
    %broadcast_in_dim3A_1589 = vector.broadcast %jit3A_1588 : f32 to vector<64x64xf32>
    %select_n3A_1590 = arith.select %eq3A_1587, %broadcast_in_dim3A_1589, %select_n3A_1567 : vector<64x64xi1>, vector<64x64xf32>
    %reduce_max3A_1591 = arith.constant dense<0xFF800000> : vector<64xf32>
    %reduce_max3A_1592 = vector.multi_reduction <maximumf>, %select_n3A_1590, %reduce_max3A_1591 [1] : vector<64x64xf32> to vector<64xf32>
    %broadcast_in_dim3A_1593 = vector.shape_cast %reduce_max3A_1592 : vector<64xf32> to vector<64x1xf32>
    %eq3A_1594 = vector.broadcast %broadcast_in_dim3A_1593 : vector<64x1xf32> to vector<64x64xf32>
    %eq3A_1595 = arith.cmpf oeq, %select_n3A_1590, %eq3A_1594 : vector<64x64xf32>
    %jit3A_1596 = arith.constant 1.280000e+02 : f32
    %broadcast_in_dim3A_1597 = vector.broadcast %jit3A_1596 : f32 to vector<64x64xf32>
    %select_n3A_1598 = arith.select %eq3A_1595, %convert_element_type3A_1426, %broadcast_in_dim3A_1597 : vector<64x64xi1>, vector<64x64xf32>
    %reduce_min3A_1599 = arith.constant dense<0x7F800000> : vector<64xf32>
    %reduce_min3A_1600 = vector.multi_reduction <minimumf>, %select_n3A_1598, %reduce_min3A_1599 [1] : vector<64x64xf32> to vector<64xf32>
    %broadcast_in_dim3A_1601 = vector.shape_cast %reduce_min3A_1600 : vector<64xf32> to vector<64x1xf32>
    %eq3A_1602 = arith.constant 7 : i32
    %eq3A_1603 = vector.broadcast %eq3A_1602 : i32 to vector<64x8xi32>
    %eq3A_1604 = arith.cmpi eq, %iota3A_1427, %eq3A_1603 : vector<64x8xi32>
    %convert_element_type3A_1605 = arith.fptosi %broadcast_in_dim3A_1601 : vector<64x1xf32> to vector<64x1xi32>
    %broadcast_in_dim3A_1606 = vector.shape_cast %convert_element_type3A_1605 : vector<64x1xi32> to vector<64x1xi32>
    %broadcast_in_dim3A_1607 = vector.broadcast %broadcast_in_dim3A_1606 : vector<64x1xi32> to vector<64x8xi32>
    %select_n3A_1608 = arith.select %eq3A_1604, %broadcast_in_dim3A_1607, %select_n3A_1585 : vector<64x8xi1>, vector<64x8xi32>
    %eq3A_1609 = vector.broadcast %broadcast_in_dim3A_1601 : vector<64x1xf32> to vector<64x64xf32>
    %eq3A_1610 = arith.cmpf oeq, %convert_element_type3A_1426, %eq3A_1609 : vector<64x64xf32>
    %jit3A_1611 = arith.constant 0xFF800000 : f32
    %broadcast_in_dim3A_1612 = vector.broadcast %jit3A_1611 : f32 to vector<64x64xf32>
    %select_n3A_1613 = arith.select %eq3A_1610, %broadcast_in_dim3A_1612, %select_n3A_1590 : vector<64x64xi1>, vector<64x64xf32>
    %swap3A_1614 = arith.constant 320 : index
    %swap3A_1615 = arith.constant 0 : index
    %swap3A_1616 = vector.load %arg5[%swap3A_1614, %swap3A_1615] : memref<512x8xi32, #tpu.memory_space<vmem>>, vector<64x8xi32>
    tpu.vector_store %arg5[%swap3A_1614, %swap3A_1615], %select_n3A_1608 {strides = array<i32>} : memref<512x8xi32, #tpu.memory_space<vmem>>, vector<64x8xi32>,
    %eq3A_1617 = arith.constant 0xFF800000 : f32
    %eq3A_1618 = vector.broadcast %eq3A_1617 : f32 to vector<64x64xf32>
    %eq3A_1619 = arith.cmpf oeq, %select_n3A_1613, %eq3A_1618 : vector<64x64xf32>
    %sub3A_1620 = vector.broadcast %broadcast_in_dim3A_1432 : vector<64x1xf32> to vector<64x64xf32>
    %sub3A_1621 = arith.subf %slice3A_1424, %sub3A_1620 : vector<64x64xf32>
    %exp3A_1622 = math.exp %sub3A_1621 : vector<64x64xf32>
    %jit3A_1623 = arith.constant 0.000000e+00 : f32
    %broadcast_in_dim3A_1624 = vector.broadcast %jit3A_1623 : f32 to vector<64x64xf32>
    %select_n3A_1625 = arith.select %eq3A_1619, %exp3A_1622, %broadcast_in_dim3A_1624 : vector<64x64xi1>, vector<64x64xf32>
    %reduce_sum3A_1626 = arith.constant dense<0.000000e+00> : vector<64xf32>
    %reduce_sum3A_1627 = vector.multi_reduction <add>, %select_n3A_1625, %reduce_sum3A_1626 [1] : vector<64x64xf32> to vector<64xf32>
    %broadcast_in_dim3A_1628 = vector.shape_cast %reduce_sum3A_1627 : vector<64xf32> to vector<64x1xf32>
    %div3A_1629 = arith.constant 1.000000e+00 : f32
    %div3A_1630 = vector.broadcast %div3A_1629 : f32 to vector<64x1xf32>
    %div3A_1631 = arith.divf %div3A_1630, %broadcast_in_dim3A_1628 : vector<64x1xf32>
    %mul3A_1632 = vector.broadcast %div3A_1631 : vector<64x1xf32> to vector<64x64xf32>
    %mul3A_1633 = arith.mulf %select_n3A_1625, %mul3A_1632 : vector<64x64xf32>
    %swap3A_1634 = arith.constant 320 : index
    %swap3A_1635 = arith.constant 0 : index
    %swap3A_1636 = vector.load %arg4[%swap3A_1634, %swap3A_1635] : memref<512x64xf32, #tpu.memory_space<vmem>>, vector<64x64xf32>
    tpu.vector_store %arg4[%swap3A_1634, %swap3A_1635], %mul3A_1633 {strides = array<i32>} : memref<512x64xf32, #tpu.memory_space<vmem>>, vector<64x64xf32>,
    %slice3A_1637 = vector.extract_strided_slice %add3A_365 {offsets = [384, 0], sizes = [64, 64], strides = [1, 1]} : vector<512x64xf32> to vector<64x64xf32>
    %iota3A_1638 = tpu.iota {dimensions = array<i32: 1>} : vector<64x64xi32>
    %convert_element_type3A_1639 = arith.sitofp %iota3A_1638 : vector<64x64xi32> to vector<64x64xf32>
    %iota3A_1640 = tpu.iota {dimensions = array<i32: 1>} : vector<64x8xi32>
    %broadcast_in_dim3A_1641 = arith.constant 0 : i32
    %broadcast_in_dim3A_1642 = vector.broadcast %broadcast_in_dim3A_1641 : i32 to vector<64x8xi32>
    %reduce_max3A_1643 = arith.constant dense<0xFF800000> : vector<64xf32>
    %reduce_max3A_1644 = vector.multi_reduction <maximumf>, %slice3A_1637, %reduce_max3A_1643 [1] : vector<64x64xf32> to vector<64xf32>
    %broadcast_in_dim3A_1645 = vector.shape_cast %reduce_max3A_1644 : vector<64xf32> to vector<64x1xf32>
    %eq3A_1646 = vector.broadcast %broadcast_in_dim3A_1645 : vector<64x1xf32> to vector<64x64xf32>
    %eq3A_1647 = arith.cmpf oeq, %slice3A_1637, %eq3A_1646 : vector<64x64xf32>
    %jit3A_1648 = arith.constant 1.280000e+02 : f32
    %broadcast_in_dim3A_1649 = vector.broadcast %jit3A_1648 : f32 to vector<64x64xf32>
    %select_n3A_1650 = arith.select %eq3A_1647, %convert_element_type3A_1639, %broadcast_in_dim3A_1649 : vector<64x64xi1>, vector<64x64xf32>
    %reduce_min3A_1651 = arith.constant dense<0x7F800000> : vector<64xf32>
    %reduce_min3A_1652 = vector.multi_reduction <minimumf>, %select_n3A_1650, %reduce_min3A_1651 [1] : vector<64x64xf32> to vector<64xf32>
    %broadcast_in_dim3A_1653 = vector.shape_cast %reduce_min3A_1652 : vector<64xf32> to vector<64x1xf32>
    %eq3A_1654 = arith.constant 0 : i32
    %eq3A_1655 = vector.broadcast %eq3A_1654 : i32 to vector<64x8xi32>
    %eq3A_1656 = arith.cmpi eq, %iota3A_1640, %eq3A_1655 : vector<64x8xi32>
    %convert_element_type3A_1657 = arith.fptosi %broadcast_in_dim3A_1653 : vector<64x1xf32> to vector<64x1xi32>
    %broadcast_in_dim3A_1658 = vector.shape_cast %convert_element_type3A_1657 : vector<64x1xi32> to vector<64x1xi32>
    %broadcast_in_dim3A_1659 = vector.broadcast %broadcast_in_dim3A_1658 : vector<64x1xi32> to vector<64x8xi32>
    %select_n3A_1660 = arith.select %eq3A_1656, %broadcast_in_dim3A_1659, %broadcast_in_dim3A_1642 : vector<64x8xi1>, vector<64x8xi32>
    %eq3A_1661 = vector.broadcast %broadcast_in_dim3A_1653 : vector<64x1xf32> to vector<64x64xf32>
    %eq3A_1662 = arith.cmpf oeq, %convert_element_type3A_1639, %eq3A_1661 : vector<64x64xf32>
    %jit3A_1663 = arith.constant 0xFF800000 : f32
    %broadcast_in_dim3A_1664 = vector.broadcast %jit3A_1663 : f32 to vector<64x64xf32>
    %select_n3A_1665 = arith.select %eq3A_1662, %broadcast_in_dim3A_1664, %slice3A_1637 : vector<64x64xi1>, vector<64x64xf32>
    %reduce_max3A_1666 = arith.constant dense<0xFF800000> : vector<64xf32>
    %reduce_max3A_1667 = vector.multi_reduction <maximumf>, %select_n3A_1665, %reduce_max3A_1666 [1] : vector<64x64xf32> to vector<64xf32>
    %broadcast_in_dim3A_1668 = vector.shape_cast %reduce_max3A_1667 : vector<64xf32> to vector<64x1xf32>
    %eq3A_1669 = vector.broadcast %broadcast_in_dim3A_1668 : vector<64x1xf32> to vector<64x64xf32>
    %eq3A_1670 = arith.cmpf oeq, %select_n3A_1665, %eq3A_1669 : vector<64x64xf32>
    %jit3A_1671 = arith.constant 1.280000e+02 : f32
    %broadcast_in_dim3A_1672 = vector.broadcast %jit3A_1671 : f32 to vector<64x64xf32>
    %select_n3A_1673 = arith.select %eq3A_1670, %convert_element_type3A_1639, %broadcast_in_dim3A_1672 : vector<64x64xi1>, vector<64x64xf32>
    %reduce_min3A_1674 = arith.constant dense<0x7F800000> : vector<64xf32>
    %reduce_min3A_1675 = vector.multi_reduction <minimumf>, %select_n3A_1673, %reduce_min3A_1674 [1] : vector<64x64xf32> to vector<64xf32>
    %broadcast_in_dim3A_1676 = vector.shape_cast %reduce_min3A_1675 : vector<64xf32> to vector<64x1xf32>
    %eq3A_1677 = arith.constant 1 : i32
    %eq3A_1678 = vector.broadcast %eq3A_1677 : i32 to vector<64x8xi32>
    %eq3A_1679 = arith.cmpi eq, %iota3A_1640, %eq3A_1678 : vector<64x8xi32>
    %convert_element_type3A_1680 = arith.fptosi %broadcast_in_dim3A_1676 : vector<64x1xf32> to vector<64x1xi32>
    %broadcast_in_dim3A_1681 = vector.shape_cast %convert_element_type3A_1680 : vector<64x1xi32> to vector<64x1xi32>
    %broadcast_in_dim3A_1682 = vector.broadcast %broadcast_in_dim3A_1681 : vector<64x1xi32> to vector<64x8xi32>
    %select_n3A_1683 = arith.select %eq3A_1679, %broadcast_in_dim3A_1682, %select_n3A_1660 : vector<64x8xi1>, vector<64x8xi32>
    %eq3A_1684 = vector.broadcast %broadcast_in_dim3A_1676 : vector<64x1xf32> to vector<64x64xf32>
    %eq3A_1685 = arith.cmpf oeq, %convert_element_type3A_1639, %eq3A_1684 : vector<64x64xf32>
    %jit3A_1686 = arith.constant 0xFF800000 : f32
    %broadcast_in_dim3A_1687 = vector.broadcast %jit3A_1686 : f32 to vector<64x64xf32>
    %select_n3A_1688 = arith.select %eq3A_1685, %broadcast_in_dim3A_1687, %select_n3A_1665 : vector<64x64xi1>, vector<64x64xf32>
    %reduce_max3A_1689 = arith.constant dense<0xFF800000> : vector<64xf32>
    %reduce_max3A_1690 = vector.multi_reduction <maximumf>, %select_n3A_1688, %reduce_max3A_1689 [1] : vector<64x64xf32> to vector<64xf32>
    %broadcast_in_dim3A_1691 = vector.shape_cast %reduce_max3A_1690 : vector<64xf32> to vector<64x1xf32>
    %eq3A_1692 = vector.broadcast %broadcast_in_dim3A_1691 : vector<64x1xf32> to vector<64x64xf32>
    %eq3A_1693 = arith.cmpf oeq, %select_n3A_1688, %eq3A_1692 : vector<64x64xf32>
    %jit3A_1694 = arith.constant 1.280000e+02 : f32
    %broadcast_in_dim3A_1695 = vector.broadcast %jit3A_1694 : f32 to vector<64x64xf32>
    %select_n3A_1696 = arith.select %eq3A_1693, %convert_element_type3A_1639, %broadcast_in_dim3A_1695 : vector<64x64xi1>, vector<64x64xf32>
    %reduce_min3A_1697 = arith.constant dense<0x7F800000> : vector<64xf32>
    %reduce_min3A_1698 = vector.multi_reduction <minimumf>, %select_n3A_1696, %reduce_min3A_1697 [1] : vector<64x64xf32> to vector<64xf32>
    %broadcast_in_dim3A_1699 = vector.shape_cast %reduce_min3A_1698 : vector<64xf32> to vector<64x1xf32>
    %eq3A_1700 = arith.constant 2 : i32
    %eq3A_1701 = vector.broadcast %eq3A_1700 : i32 to vector<64x8xi32>
    %eq3A_1702 = arith.cmpi eq, %iota3A_1640, %eq3A_1701 : vector<64x8xi32>
    %convert_element_type3A_1703 = arith.fptosi %broadcast_in_dim3A_1699 : vector<64x1xf32> to vector<64x1xi32>
    %broadcast_in_dim3A_1704 = vector.shape_cast %convert_element_type3A_1703 : vector<64x1xi32> to vector<64x1xi32>
    %broadcast_in_dim3A_1705 = vector.broadcast %broadcast_in_dim3A_1704 : vector<64x1xi32> to vector<64x8xi32>
    %select_n3A_1706 = arith.select %eq3A_1702, %broadcast_in_dim3A_1705, %select_n3A_1683 : vector<64x8xi1>, vector<64x8xi32>
    %eq3A_1707 = vector.broadcast %broadcast_in_dim3A_1699 : vector<64x1xf32> to vector<64x64xf32>
    %eq3A_1708 = arith.cmpf oeq, %convert_element_type3A_1639, %eq3A_1707 : vector<64x64xf32>
    %jit3A_1709 = arith.constant 0xFF800000 : f32
    %broadcast_in_dim3A_1710 = vector.broadcast %jit3A_1709 : f32 to vector<64x64xf32>
    %select_n3A_1711 = arith.select %eq3A_1708, %broadcast_in_dim3A_1710, %select_n3A_1688 : vector<64x64xi1>, vector<64x64xf32>
    %reduce_max3A_1712 = arith.constant dense<0xFF800000> : vector<64xf32>
    %reduce_max3A_1713 = vector.multi_reduction <maximumf>, %select_n3A_1711, %reduce_max3A_1712 [1] : vector<64x64xf32> to vector<64xf32>
    %broadcast_in_dim3A_1714 = vector.shape_cast %reduce_max3A_1713 : vector<64xf32> to vector<64x1xf32>
    %eq3A_1715 = vector.broadcast %broadcast_in_dim3A_1714 : vector<64x1xf32> to vector<64x64xf32>
    %eq3A_1716 = arith.cmpf oeq, %select_n3A_1711, %eq3A_1715 : vector<64x64xf32>
    %jit3A_1717 = arith.constant 1.280000e+02 : f32
    %broadcast_in_dim3A_1718 = vector.broadcast %jit3A_1717 : f32 to vector<64x64xf32>
    %select_n3A_1719 = arith.select %eq3A_1716, %convert_element_type3A_1639, %broadcast_in_dim3A_1718 : vector<64x64xi1>, vector<64x64xf32>
    %reduce_min3A_1720 = arith.constant dense<0x7F800000> : vector<64xf32>
    %reduce_min3A_1721 = vector.multi_reduction <minimumf>, %select_n3A_1719, %reduce_min3A_1720 [1] : vector<64x64xf32> to vector<64xf32>
    %broadcast_in_dim3A_1722 = vector.shape_cast %reduce_min3A_1721 : vector<64xf32> to vector<64x1xf32>
    %eq3A_1723 = arith.constant 3 : i32
    %eq3A_1724 = vector.broadcast %eq3A_1723 : i32 to vector<64x8xi32>
    %eq3A_1725 = arith.cmpi eq, %iota3A_1640, %eq3A_1724 : vector<64x8xi32>
    %convert_element_type3A_1726 = arith.fptosi %broadcast_in_dim3A_1722 : vector<64x1xf32> to vector<64x1xi32>
    %broadcast_in_dim3A_1727 = vector.shape_cast %convert_element_type3A_1726 : vector<64x1xi32> to vector<64x1xi32>
    %broadcast_in_dim3A_1728 = vector.broadcast %broadcast_in_dim3A_1727 : vector<64x1xi32> to vector<64x8xi32>
    %select_n3A_1729 = arith.select %eq3A_1725, %broadcast_in_dim3A_1728, %select_n3A_1706 : vector<64x8xi1>, vector<64x8xi32>
    %eq3A_1730 = vector.broadcast %broadcast_in_dim3A_1722 : vector<64x1xf32> to vector<64x64xf32>
    %eq3A_1731 = arith.cmpf oeq, %convert_element_type3A_1639, %eq3A_1730 : vector<64x64xf32>
    %jit3A_1732 = arith.constant 0xFF800000 : f32
    %broadcast_in_dim3A_1733 = vector.broadcast %jit3A_1732 : f32 to vector<64x64xf32>
    %select_n3A_1734 = arith.select %eq3A_1731, %broadcast_in_dim3A_1733, %select_n3A_1711 : vector<64x64xi1>, vector<64x64xf32>
    %reduce_max3A_1735 = arith.constant dense<0xFF800000> : vector<64xf32>
    %reduce_max3A_1736 = vector.multi_reduction <maximumf>, %select_n3A_1734, %reduce_max3A_1735 [1] : vector<64x64xf32> to vector<64xf32>
    %broadcast_in_dim3A_1737 = vector.shape_cast %reduce_max3A_1736 : vector<64xf32> to vector<64x1xf32>
    %eq3A_1738 = vector.broadcast %broadcast_in_dim3A_1737 : vector<64x1xf32> to vector<64x64xf32>
    %eq3A_1739 = arith.cmpf oeq, %select_n3A_1734, %eq3A_1738 : vector<64x64xf32>
    %jit3A_1740 = arith.constant 1.280000e+02 : f32
    %broadcast_in_dim3A_1741 = vector.broadcast %jit3A_1740 : f32 to vector<64x64xf32>
    %select_n3A_1742 = arith.select %eq3A_1739, %convert_element_type3A_1639, %broadcast_in_dim3A_1741 : vector<64x64xi1>, vector<64x64xf32>
    %reduce_min3A_1743 = arith.constant dense<0x7F800000> : vector<64xf32>
    %reduce_min3A_1744 = vector.multi_reduction <minimumf>, %select_n3A_1742, %reduce_min3A_1743 [1] : vector<64x64xf32> to vector<64xf32>
    %broadcast_in_dim3A_1745 = vector.shape_cast %reduce_min3A_1744 : vector<64xf32> to vector<64x1xf32>
    %eq3A_1746 = arith.constant 4 : i32
    %eq3A_1747 = vector.broadcast %eq3A_1746 : i32 to vector<64x8xi32>
    %eq3A_1748 = arith.cmpi eq, %iota3A_1640, %eq3A_1747 : vector<64x8xi32>
    %convert_element_type3A_1749 = arith.fptosi %broadcast_in_dim3A_1745 : vector<64x1xf32> to vector<64x1xi32>
    %broadcast_in_dim3A_1750 = vector.shape_cast %convert_element_type3A_1749 : vector<64x1xi32> to vector<64x1xi32>
    %broadcast_in_dim3A_1751 = vector.broadcast %broadcast_in_dim3A_1750 : vector<64x1xi32> to vector<64x8xi32>
    %select_n3A_1752 = arith.select %eq3A_1748, %broadcast_in_dim3A_1751, %select_n3A_1729 : vector<64x8xi1>, vector<64x8xi32>
    %eq3A_1753 = vector.broadcast %broadcast_in_dim3A_1745 : vector<64x1xf32> to vector<64x64xf32>
    %eq3A_1754 = arith.cmpf oeq, %convert_element_type3A_1639, %eq3A_1753 : vector<64x64xf32>
    %jit3A_1755 = arith.constant 0xFF800000 : f32
    %broadcast_in_dim3A_1756 = vector.broadcast %jit3A_1755 : f32 to vector<64x64xf32>
    %select_n3A_1757 = arith.select %eq3A_1754, %broadcast_in_dim3A_1756, %select_n3A_1734 : vector<64x64xi1>, vector<64x64xf32>
    %reduce_max3A_1758 = arith.constant dense<0xFF800000> : vector<64xf32>
    %reduce_max3A_1759 = vector.multi_reduction <maximumf>, %select_n3A_1757, %reduce_max3A_1758 [1] : vector<64x64xf32> to vector<64xf32>
    %broadcast_in_dim3A_1760 = vector.shape_cast %reduce_max3A_1759 : vector<64xf32> to vector<64x1xf32>
    %eq3A_1761 = vector.broadcast %broadcast_in_dim3A_1760 : vector<64x1xf32> to vector<64x64xf32>
    %eq3A_1762 = arith.cmpf oeq, %select_n3A_1757, %eq3A_1761 : vector<64x64xf32>
    %jit3A_1763 = arith.constant 1.280000e+02 : f32
    %broadcast_in_dim3A_1764 = vector.broadcast %jit3A_1763 : f32 to vector<64x64xf32>
    %select_n3A_1765 = arith.select %eq3A_1762, %convert_element_type3A_1639, %broadcast_in_dim3A_1764 : vector<64x64xi1>, vector<64x64xf32>
    %reduce_min3A_1766 = arith.constant dense<0x7F800000> : vector<64xf32>
    %reduce_min3A_1767 = vector.multi_reduction <minimumf>, %select_n3A_1765, %reduce_min3A_1766 [1] : vector<64x64xf32> to vector<64xf32>
    %broadcast_in_dim3A_1768 = vector.shape_cast %reduce_min3A_1767 : vector<64xf32> to vector<64x1xf32>
    %eq3A_1769 = arith.constant 5 : i32
    %eq3A_1770 = vector.broadcast %eq3A_1769 : i32 to vector<64x8xi32>
    %eq3A_1771 = arith.cmpi eq, %iota3A_1640, %eq3A_1770 : vector<64x8xi32>
    %convert_element_type3A_1772 = arith.fptosi %broadcast_in_dim3A_1768 : vector<64x1xf32> to vector<64x1xi32>
    %broadcast_in_dim3A_1773 = vector.shape_cast %convert_element_type3A_1772 : vector<64x1xi32> to vector<64x1xi32>
    %broadcast_in_dim3A_1774 = vector.broadcast %broadcast_in_dim3A_1773 : vector<64x1xi32> to vector<64x8xi32>
    %select_n3A_1775 = arith.select %eq3A_1771, %broadcast_in_dim3A_1774, %select_n3A_1752 : vector<64x8xi1>, vector<64x8xi32>
    %eq3A_1776 = vector.broadcast %broadcast_in_dim3A_1768 : vector<64x1xf32> to vector<64x64xf32>
    %eq3A_1777 = arith.cmpf oeq, %convert_element_type3A_1639, %eq3A_1776 : vector<64x64xf32>
    %jit3A_1778 = arith.constant 0xFF800000 : f32
    %broadcast_in_dim3A_1779 = vector.broadcast %jit3A_1778 : f32 to vector<64x64xf32>
    %select_n3A_1780 = arith.select %eq3A_1777, %broadcast_in_dim3A_1779, %select_n3A_1757 : vector<64x64xi1>, vector<64x64xf32>
    %reduce_max3A_1781 = arith.constant dense<0xFF800000> : vector<64xf32>
    %reduce_max3A_1782 = vector.multi_reduction <maximumf>, %select_n3A_1780, %reduce_max3A_1781 [1] : vector<64x64xf32> to vector<64xf32>
    %broadcast_in_dim3A_1783 = vector.shape_cast %reduce_max3A_1782 : vector<64xf32> to vector<64x1xf32>
    %eq3A_1784 = vector.broadcast %broadcast_in_dim3A_1783 : vector<64x1xf32> to vector<64x64xf32>
    %eq3A_1785 = arith.cmpf oeq, %select_n3A_1780, %eq3A_1784 : vector<64x64xf32>
    %jit3A_1786 = arith.constant 1.280000e+02 : f32
    %broadcast_in_dim3A_1787 = vector.broadcast %jit3A_1786 : f32 to vector<64x64xf32>
    %select_n3A_1788 = arith.select %eq3A_1785, %convert_element_type3A_1639, %broadcast_in_dim3A_1787 : vector<64x64xi1>, vector<64x64xf32>
    %reduce_min3A_1789 = arith.constant dense<0x7F800000> : vector<64xf32>
    %reduce_min3A_1790 = vector.multi_reduction <minimumf>, %select_n3A_1788, %reduce_min3A_1789 [1] : vector<64x64xf32> to vector<64xf32>
    %broadcast_in_dim3A_1791 = vector.shape_cast %reduce_min3A_1790 : vector<64xf32> to vector<64x1xf32>
    %eq3A_1792 = arith.constant 6 : i32
    %eq3A_1793 = vector.broadcast %eq3A_1792 : i32 to vector<64x8xi32>
    %eq3A_1794 = arith.cmpi eq, %iota3A_1640, %eq3A_1793 : vector<64x8xi32>
    %convert_element_type3A_1795 = arith.fptosi %broadcast_in_dim3A_1791 : vector<64x1xf32> to vector<64x1xi32>
    %broadcast_in_dim3A_1796 = vector.shape_cast %convert_element_type3A_1795 : vector<64x1xi32> to vector<64x1xi32>
    %broadcast_in_dim3A_1797 = vector.broadcast %broadcast_in_dim3A_1796 : vector<64x1xi32> to vector<64x8xi32>
    %select_n3A_1798 = arith.select %eq3A_1794, %broadcast_in_dim3A_1797, %select_n3A_1775 : vector<64x8xi1>, vector<64x8xi32>
    %eq3A_1799 = vector.broadcast %broadcast_in_dim3A_1791 : vector<64x1xf32> to vector<64x64xf32>
    %eq3A_1800 = arith.cmpf oeq, %convert_element_type3A_1639, %eq3A_1799 : vector<64x64xf32>
    %jit3A_1801 = arith.constant 0xFF800000 : f32
    %broadcast_in_dim3A_1802 = vector.broadcast %jit3A_1801 : f32 to vector<64x64xf32>
    %select_n3A_1803 = arith.select %eq3A_1800, %broadcast_in_dim3A_1802, %select_n3A_1780 : vector<64x64xi1>, vector<64x64xf32>
    %reduce_max3A_1804 = arith.constant dense<0xFF800000> : vector<64xf32>
    %reduce_max3A_1805 = vector.multi_reduction <maximumf>, %select_n3A_1803, %reduce_max3A_1804 [1] : vector<64x64xf32> to vector<64xf32>
    %broadcast_in_dim3A_1806 = vector.shape_cast %reduce_max3A_1805 : vector<64xf32> to vector<64x1xf32>
    %eq3A_1807 = vector.broadcast %broadcast_in_dim3A_1806 : vector<64x1xf32> to vector<64x64xf32>
    %eq3A_1808 = arith.cmpf oeq, %select_n3A_1803, %eq3A_1807 : vector<64x64xf32>
    %jit3A_1809 = arith.constant 1.280000e+02 : f32
    %broadcast_in_dim3A_1810 = vector.broadcast %jit3A_1809 : f32 to vector<64x64xf32>
    %select_n3A_1811 = arith.select %eq3A_1808, %convert_element_type3A_1639, %broadcast_in_dim3A_1810 : vector<64x64xi1>, vector<64x64xf32>
    %reduce_min3A_1812 = arith.constant dense<0x7F800000> : vector<64xf32>
    %reduce_min3A_1813 = vector.multi_reduction <minimumf>, %select_n3A_1811, %reduce_min3A_1812 [1] : vector<64x64xf32> to vector<64xf32>
    %broadcast_in_dim3A_1814 = vector.shape_cast %reduce_min3A_1813 : vector<64xf32> to vector<64x1xf32>
    %eq3A_1815 = arith.constant 7 : i32
    %eq3A_1816 = vector.broadcast %eq3A_1815 : i32 to vector<64x8xi32>
    %eq3A_1817 = arith.cmpi eq, %iota3A_1640, %eq3A_1816 : vector<64x8xi32>
    %convert_element_type3A_1818 = arith.fptosi %broadcast_in_dim3A_1814 : vector<64x1xf32> to vector<64x1xi32>
    %broadcast_in_dim3A_1819 = vector.shape_cast %convert_element_type3A_1818 : vector<64x1xi32> to vector<64x1xi32>
    %broadcast_in_dim3A_1820 = vector.broadcast %broadcast_in_dim3A_1819 : vector<64x1xi32> to vector<64x8xi32>
    %select_n3A_1821 = arith.select %eq3A_1817, %broadcast_in_dim3A_1820, %select_n3A_1798 : vector<64x8xi1>, vector<64x8xi32>
    %eq3A_1822 = vector.broadcast %broadcast_in_dim3A_1814 : vector<64x1xf32> to vector<64x64xf32>
    %eq3A_1823 = arith.cmpf oeq, %convert_element_type3A_1639, %eq3A_1822 : vector<64x64xf32>
    %jit3A_1824 = arith.constant 0xFF800000 : f32
    %broadcast_in_dim3A_1825 = vector.broadcast %jit3A_1824 : f32 to vector<64x64xf32>
    %select_n3A_1826 = arith.select %eq3A_1823, %broadcast_in_dim3A_1825, %select_n3A_1803 : vector<64x64xi1>, vector<64x64xf32>
    %swap3A_1827 = arith.constant 384 : index
    %swap3A_1828 = arith.constant 0 : index
    %swap3A_1829 = vector.load %arg5[%swap3A_1827, %swap3A_1828] : memref<512x8xi32, #tpu.memory_space<vmem>>, vector<64x8xi32>
    tpu.vector_store %arg5[%swap3A_1827, %swap3A_1828], %select_n3A_1821 {strides = array<i32>} : memref<512x8xi32, #tpu.memory_space<vmem>>, vector<64x8xi32>,
    %eq3A_1830 = arith.constant 0xFF800000 : f32
    %eq3A_1831 = vector.broadcast %eq3A_1830 : f32 to vector<64x64xf32>
    %eq3A_1832 = arith.cmpf oeq, %select_n3A_1826, %eq3A_1831 : vector<64x64xf32>
    %sub3A_1833 = vector.broadcast %broadcast_in_dim3A_1645 : vector<64x1xf32> to vector<64x64xf32>
    %sub3A_1834 = arith.subf %slice3A_1637, %sub3A_1833 : vector<64x64xf32>
    %exp3A_1835 = math.exp %sub3A_1834 : vector<64x64xf32>
    %jit3A_1836 = arith.constant 0.000000e+00 : f32
    %broadcast_in_dim3A_1837 = vector.broadcast %jit3A_1836 : f32 to vector<64x64xf32>
    %select_n3A_1838 = arith.select %eq3A_1832, %exp3A_1835, %broadcast_in_dim3A_1837 : vector<64x64xi1>, vector<64x64xf32>
    %reduce_sum3A_1839 = arith.constant dense<0.000000e+00> : vector<64xf32>
    %reduce_sum3A_1840 = vector.multi_reduction <add>, %select_n3A_1838, %reduce_sum3A_1839 [1] : vector<64x64xf32> to vector<64xf32>
    %broadcast_in_dim3A_1841 = vector.shape_cast %reduce_sum3A_1840 : vector<64xf32> to vector<64x1xf32>
    %div3A_1842 = arith.constant 1.000000e+00 : f32
    %div3A_1843 = vector.broadcast %div3A_1842 : f32 to vector<64x1xf32>
    %div3A_1844 = arith.divf %div3A_1843, %broadcast_in_dim3A_1841 : vector<64x1xf32>
    %mul3A_1845 = vector.broadcast %div3A_1844 : vector<64x1xf32> to vector<64x64xf32>
    %mul3A_1846 = arith.mulf %select_n3A_1838, %mul3A_1845 : vector<64x64xf32>
    %swap3A_1847 = arith.constant 384 : index
    %swap3A_1848 = arith.constant 0 : index
    %swap3A_1849 = vector.load %arg4[%swap3A_1847, %swap3A_1848] : memref<512x64xf32, #tpu.memory_space<vmem>>, vector<64x64xf32>
    tpu.vector_store %arg4[%swap3A_1847, %swap3A_1848], %mul3A_1846 {strides = array<i32>} : memref<512x64xf32, #tpu.memory_space<vmem>>, vector<64x64xf32>,
    %slice3A_1850 = vector.extract_strided_slice %add3A_365 {offsets = [448, 0], sizes = [64, 64], strides = [1, 1]} : vector<512x64xf32> to vector<64x64xf32>
    %iota3A_1851 = tpu.iota {dimensions = array<i32: 1>} : vector<64x64xi32>
    %convert_element_type3A_1852 = arith.sitofp %iota3A_1851 : vector<64x64xi32> to vector<64x64xf32>
    %iota3A_1853 = tpu.iota {dimensions = array<i32: 1>} : vector<64x8xi32>
    %broadcast_in_dim3A_1854 = arith.constant 0 : i32
    %broadcast_in_dim3A_1855 = vector.broadcast %broadcast_in_dim3A_1854 : i32 to vector<64x8xi32>
    %reduce_max3A_1856 = arith.constant dense<0xFF800000> : vector<64xf32>
    %reduce_max3A_1857 = vector.multi_reduction <maximumf>, %slice3A_1850, %reduce_max3A_1856 [1] : vector<64x64xf32> to vector<64xf32>
    %broadcast_in_dim3A_1858 = vector.shape_cast %reduce_max3A_1857 : vector<64xf32> to vector<64x1xf32>
    %eq3A_1859 = vector.broadcast %broadcast_in_dim3A_1858 : vector<64x1xf32> to vector<64x64xf32>
    %eq3A_1860 = arith.cmpf oeq, %slice3A_1850, %eq3A_1859 : vector<64x64xf32>
    %jit3A_1861 = arith.constant 1.280000e+02 : f32
    %broadcast_in_dim3A_1862 = vector.broadcast %jit3A_1861 : f32 to vector<64x64xf32>
    %select_n3A_1863 = arith.select %eq3A_1860, %convert_element_type3A_1852, %broadcast_in_dim3A_1862 : vector<64x64xi1>, vector<64x64xf32>
    %reduce_min3A_1864 = arith.constant dense<0x7F800000> : vector<64xf32>
    %reduce_min3A_1865 = vector.multi_reduction <minimumf>, %select_n3A_1863, %reduce_min3A_1864 [1] : vector<64x64xf32> to vector<64xf32>
    %broadcast_in_dim3A_1866 = vector.shape_cast %reduce_min3A_1865 : vector<64xf32> to vector<64x1xf32>
    %eq3A_1867 = arith.constant 0 : i32
    %eq3A_1868 = vector.broadcast %eq3A_1867 : i32 to vector<64x8xi32>
    %eq3A_1869 = arith.cmpi eq, %iota3A_1853, %eq3A_1868 : vector<64x8xi32>
    %convert_element_type3A_1870 = arith.fptosi %broadcast_in_dim3A_1866 : vector<64x1xf32> to vector<64x1xi32>
    %broadcast_in_dim3A_1871 = vector.shape_cast %convert_element_type3A_1870 : vector<64x1xi32> to vector<64x1xi32>
    %broadcast_in_dim3A_1872 = vector.broadcast %broadcast_in_dim3A_1871 : vector<64x1xi32> to vector<64x8xi32>
    %select_n3A_1873 = arith.select %eq3A_1869, %broadcast_in_dim3A_1872, %broadcast_in_dim3A_1855 : vector<64x8xi1>, vector<64x8xi32>
    %eq3A_1874 = vector.broadcast %broadcast_in_dim3A_1866 : vector<64x1xf32> to vector<64x64xf32>
    %eq3A_1875 = arith.cmpf oeq, %convert_element_type3A_1852, %eq3A_1874 : vector<64x64xf32>
    %jit3A_1876 = arith.constant 0xFF800000 : f32
    %broadcast_in_dim3A_1877 = vector.broadcast %jit3A_1876 : f32 to vector<64x64xf32>
    %select_n3A_1878 = arith.select %eq3A_1875, %broadcast_in_dim3A_1877, %slice3A_1850 : vector<64x64xi1>, vector<64x64xf32>
    %reduce_max3A_1879 = arith.constant dense<0xFF800000> : vector<64xf32>
    %reduce_max3A_1880 = vector.multi_reduction <maximumf>, %select_n3A_1878, %reduce_max3A_1879 [1] : vector<64x64xf32> to vector<64xf32>
    %broadcast_in_dim3A_1881 = vector.shape_cast %reduce_max3A_1880 : vector<64xf32> to vector<64x1xf32>
    %eq3A_1882 = vector.broadcast %broadcast_in_dim3A_1881 : vector<64x1xf32> to vector<64x64xf32>
    %eq3A_1883 = arith.cmpf oeq, %select_n3A_1878, %eq3A_1882 : vector<64x64xf32>
    %jit3A_1884 = arith.constant 1.280000e+02 : f32
    %broadcast_in_dim3A_1885 = vector.broadcast %jit3A_1884 : f32 to vector<64x64xf32>
    %select_n3A_1886 = arith.select %eq3A_1883, %convert_element_type3A_1852, %broadcast_in_dim3A_1885 : vector<64x64xi1>, vector<64x64xf32>
    %reduce_min3A_1887 = arith.constant dense<0x7F800000> : vector<64xf32>
    %reduce_min3A_1888 = vector.multi_reduction <minimumf>, %select_n3A_1886, %reduce_min3A_1887 [1] : vector<64x64xf32> to vector<64xf32>
    %broadcast_in_dim3A_1889 = vector.shape_cast %reduce_min3A_1888 : vector<64xf32> to vector<64x1xf32>
    %eq3A_1890 = arith.constant 1 : i32
    %eq3A_1891 = vector.broadcast %eq3A_1890 : i32 to vector<64x8xi32>
    %eq3A_1892 = arith.cmpi eq, %iota3A_1853, %eq3A_1891 : vector<64x8xi32>
    %convert_element_type3A_1893 = arith.fptosi %broadcast_in_dim3A_1889 : vector<64x1xf32> to vector<64x1xi32>
    %broadcast_in_dim3A_1894 = vector.shape_cast %convert_element_type3A_1893 : vector<64x1xi32> to vector<64x1xi32>
    %broadcast_in_dim3A_1895 = vector.broadcast %broadcast_in_dim3A_1894 : vector<64x1xi32> to vector<64x8xi32>
    %select_n3A_1896 = arith.select %eq3A_1892, %broadcast_in_dim3A_1895, %select_n3A_1873 : vector<64x8xi1>, vector<64x8xi32>
    %eq3A_1897 = vector.broadcast %broadcast_in_dim3A_1889 : vector<64x1xf32> to vector<64x64xf32>
    %eq3A_1898 = arith.cmpf oeq, %convert_element_type3A_1852, %eq3A_1897 : vector<64x64xf32>
    %jit3A_1899 = arith.constant 0xFF800000 : f32
    %broadcast_in_dim3A_1900 = vector.broadcast %jit3A_1899 : f32 to vector<64x64xf32>
    %select_n3A_1901 = arith.select %eq3A_1898, %broadcast_in_dim3A_1900, %select_n3A_1878 : vector<64x64xi1>, vector<64x64xf32>
    %reduce_max3A_1902 = arith.constant dense<0xFF800000> : vector<64xf32>
    %reduce_max3A_1903 = vector.multi_reduction <maximumf>, %select_n3A_1901, %reduce_max3A_1902 [1] : vector<64x64xf32> to vector<64xf32>
    %broadcast_in_dim3A_1904 = vector.shape_cast %reduce_max3A_1903 : vector<64xf32> to vector<64x1xf32>
    %eq3A_1905 = vector.broadcast %broadcast_in_dim3A_1904 : vector<64x1xf32> to vector<64x64xf32>
    %eq3A_1906 = arith.cmpf oeq, %select_n3A_1901, %eq3A_1905 : vector<64x64xf32>
    %jit3A_1907 = arith.constant 1.280000e+02 : f32
    %broadcast_in_dim3A_1908 = vector.broadcast %jit3A_1907 : f32 to vector<64x64xf32>
    %select_n3A_1909 = arith.select %eq3A_1906, %convert_element_type3A_1852, %broadcast_in_dim3A_1908 : vector<64x64xi1>, vector<64x64xf32>
    %reduce_min3A_1910 = arith.constant dense<0x7F800000> : vector<64xf32>
    %reduce_min3A_1911 = vector.multi_reduction <minimumf>, %select_n3A_1909, %reduce_min3A_1910 [1] : vector<64x64xf32> to vector<64xf32>
    %broadcast_in_dim3A_1912 = vector.shape_cast %reduce_min3A_1911 : vector<64xf32> to vector<64x1xf32>
    %eq3A_1913 = arith.constant 2 : i32
    %eq3A_1914 = vector.broadcast %eq3A_1913 : i32 to vector<64x8xi32>
    %eq3A_1915 = arith.cmpi eq, %iota3A_1853, %eq3A_1914 : vector<64x8xi32>
    %convert_element_type3A_1916 = arith.fptosi %broadcast_in_dim3A_1912 : vector<64x1xf32> to vector<64x1xi32>
    %broadcast_in_dim3A_1917 = vector.shape_cast %convert_element_type3A_1916 : vector<64x1xi32> to vector<64x1xi32>
    %broadcast_in_dim3A_1918 = vector.broadcast %broadcast_in_dim3A_1917 : vector<64x1xi32> to vector<64x8xi32>
    %select_n3A_1919 = arith.select %eq3A_1915, %broadcast_in_dim3A_1918, %select_n3A_1896 : vector<64x8xi1>, vector<64x8xi32>
    %eq3A_1920 = vector.broadcast %broadcast_in_dim3A_1912 : vector<64x1xf32> to vector<64x64xf32>
    %eq3A_1921 = arith.cmpf oeq, %convert_element_type3A_1852, %eq3A_1920 : vector<64x64xf32>
    %jit3A_1922 = arith.constant 0xFF800000 : f32
    %broadcast_in_dim3A_1923 = vector.broadcast %jit3A_1922 : f32 to vector<64x64xf32>
    %select_n3A_1924 = arith.select %eq3A_1921, %broadcast_in_dim3A_1923, %select_n3A_1901 : vector<64x64xi1>, vector<64x64xf32>
    %reduce_max3A_1925 = arith.constant dense<0xFF800000> : vector<64xf32>
    %reduce_max3A_1926 = vector.multi_reduction <maximumf>, %select_n3A_1924, %reduce_max3A_1925 [1] : vector<64x64xf32> to vector<64xf32>
    %broadcast_in_dim3A_1927 = vector.shape_cast %reduce_max3A_1926 : vector<64xf32> to vector<64x1xf32>
    %eq3A_1928 = vector.broadcast %broadcast_in_dim3A_1927 : vector<64x1xf32> to vector<64x64xf32>
    %eq3A_1929 = arith.cmpf oeq, %select_n3A_1924, %eq3A_1928 : vector<64x64xf32>
    %jit3A_1930 = arith.constant 1.280000e+02 : f32
    %broadcast_in_dim3A_1931 = vector.broadcast %jit3A_1930 : f32 to vector<64x64xf32>
    %select_n3A_1932 = arith.select %eq3A_1929, %convert_element_type3A_1852, %broadcast_in_dim3A_1931 : vector<64x64xi1>, vector<64x64xf32>
    %reduce_min3A_1933 = arith.constant dense<0x7F800000> : vector<64xf32>
    %reduce_min3A_1934 = vector.multi_reduction <minimumf>, %select_n3A_1932, %reduce_min3A_1933 [1] : vector<64x64xf32> to vector<64xf32>
    %broadcast_in_dim3A_1935 = vector.shape_cast %reduce_min3A_1934 : vector<64xf32> to vector<64x1xf32>
    %eq3A_1936 = arith.constant 3 : i32
    %eq3A_1937 = vector.broadcast %eq3A_1936 : i32 to vector<64x8xi32>
    %eq3A_1938 = arith.cmpi eq, %iota3A_1853, %eq3A_1937 : vector<64x8xi32>
    %convert_element_type3A_1939 = arith.fptosi %broadcast_in_dim3A_1935 : vector<64x1xf32> to vector<64x1xi32>
    %broadcast_in_dim3A_1940 = vector.shape_cast %convert_element_type3A_1939 : vector<64x1xi32> to vector<64x1xi32>
    %broadcast_in_dim3A_1941 = vector.broadcast %broadcast_in_dim3A_1940 : vector<64x1xi32> to vector<64x8xi32>
    %select_n3A_1942 = arith.select %eq3A_1938, %broadcast_in_dim3A_1941, %select_n3A_1919 : vector<64x8xi1>, vector<64x8xi32>
    %eq3A_1943 = vector.broadcast %broadcast_in_dim3A_1935 : vector<64x1xf32> to vector<64x64xf32>
    %eq3A_1944 = arith.cmpf oeq, %convert_element_type3A_1852, %eq3A_1943 : vector<64x64xf32>
    %jit3A_1945 = arith.constant 0xFF800000 : f32
    %broadcast_in_dim3A_1946 = vector.broadcast %jit3A_1945 : f32 to vector<64x64xf32>
    %select_n3A_1947 = arith.select %eq3A_1944, %broadcast_in_dim3A_1946, %select_n3A_1924 : vector<64x64xi1>, vector<64x64xf32>
    %reduce_max3A_1948 = arith.constant dense<0xFF800000> : vector<64xf32>
    %reduce_max3A_1949 = vector.multi_reduction <maximumf>, %select_n3A_1947, %reduce_max3A_1948 [1] : vector<64x64xf32> to vector<64xf32>
    %broadcast_in_dim3A_1950 = vector.shape_cast %reduce_max3A_1949 : vector<64xf32> to vector<64x1xf32>
    %eq3A_1951 = vector.broadcast %broadcast_in_dim3A_1950 : vector<64x1xf32> to vector<64x64xf32>
    %eq3A_1952 = arith.cmpf oeq, %select_n3A_1947, %eq3A_1951 : vector<64x64xf32>
    %jit3A_1953 = arith.constant 1.280000e+02 : f32
    %broadcast_in_dim3A_1954 = vector.broadcast %jit3A_1953 : f32 to vector<64x64xf32>
    %select_n3A_1955 = arith.select %eq3A_1952, %convert_element_type3A_1852, %broadcast_in_dim3A_1954 : vector<64x64xi1>, vector<64x64xf32>
    %reduce_min3A_1956 = arith.constant dense<0x7F800000> : vector<64xf32>
    %reduce_min3A_1957 = vector.multi_reduction <minimumf>, %select_n3A_1955, %reduce_min3A_1956 [1] : vector<64x64xf32> to vector<64xf32>
    %broadcast_in_dim3A_1958 = vector.shape_cast %reduce_min3A_1957 : vector<64xf32> to vector<64x1xf32>
    %eq3A_1959 = arith.constant 4 : i32
    %eq3A_1960 = vector.broadcast %eq3A_1959 : i32 to vector<64x8xi32>
    %eq3A_1961 = arith.cmpi eq, %iota3A_1853, %eq3A_1960 : vector<64x8xi32>
    %convert_element_type3A_1962 = arith.fptosi %broadcast_in_dim3A_1958 : vector<64x1xf32> to vector<64x1xi32>
    %broadcast_in_dim3A_1963 = vector.shape_cast %convert_element_type3A_1962 : vector<64x1xi32> to vector<64x1xi32>
    %broadcast_in_dim3A_1964 = vector.broadcast %broadcast_in_dim3A_1963 : vector<64x1xi32> to vector<64x8xi32>
    %select_n3A_1965 = arith.select %eq3A_1961, %broadcast_in_dim3A_1964, %select_n3A_1942 : vector<64x8xi1>, vector<64x8xi32>
    %eq3A_1966 = vector.broadcast %broadcast_in_dim3A_1958 : vector<64x1xf32> to vector<64x64xf32>
    %eq3A_1967 = arith.cmpf oeq, %convert_element_type3A_1852, %eq3A_1966 : vector<64x64xf32>
    %jit3A_1968 = arith.constant 0xFF800000 : f32
    %broadcast_in_dim3A_1969 = vector.broadcast %jit3A_1968 : f32 to vector<64x64xf32>
    %select_n3A_1970 = arith.select %eq3A_1967, %broadcast_in_dim3A_1969, %select_n3A_1947 : vector<64x64xi1>, vector<64x64xf32>
    %reduce_max3A_1971 = arith.constant dense<0xFF800000> : vector<64xf32>
    %reduce_max3A_1972 = vector.multi_reduction <maximumf>, %select_n3A_1970, %reduce_max3A_1971 [1] : vector<64x64xf32> to vector<64xf32>
    %broadcast_in_dim3A_1973 = vector.shape_cast %reduce_max3A_1972 : vector<64xf32> to vector<64x1xf32>
    %eq3A_1974 = vector.broadcast %broadcast_in_dim3A_1973 : vector<64x1xf32> to vector<64x64xf32>
    %eq3A_1975 = arith.cmpf oeq, %select_n3A_1970, %eq3A_1974 : vector<64x64xf32>
    %jit3A_1976 = arith.constant 1.280000e+02 : f32
    %broadcast_in_dim3A_1977 = vector.broadcast %jit3A_1976 : f32 to vector<64x64xf32>
    %select_n3A_1978 = arith.select %eq3A_1975, %convert_element_type3A_1852, %broadcast_in_dim3A_1977 : vector<64x64xi1>, vector<64x64xf32>
    %reduce_min3A_1979 = arith.constant dense<0x7F800000> : vector<64xf32>
    %reduce_min3A_1980 = vector.multi_reduction <minimumf>, %select_n3A_1978, %reduce_min3A_1979 [1] : vector<64x64xf32> to vector<64xf32>
    %broadcast_in_dim3A_1981 = vector.shape_cast %reduce_min3A_1980 : vector<64xf32> to vector<64x1xf32>
    %eq3A_1982 = arith.constant 5 : i32
    %eq3A_1983 = vector.broadcast %eq3A_1982 : i32 to vector<64x8xi32>
    %eq3A_1984 = arith.cmpi eq, %iota3A_1853, %eq3A_1983 : vector<64x8xi32>
    %convert_element_type3A_1985 = arith.fptosi %broadcast_in_dim3A_1981 : vector<64x1xf32> to vector<64x1xi32>
    %broadcast_in_dim3A_1986 = vector.shape_cast %convert_element_type3A_1985 : vector<64x1xi32> to vector<64x1xi32>
    %broadcast_in_dim3A_1987 = vector.broadcast %broadcast_in_dim3A_1986 : vector<64x1xi32> to vector<64x8xi32>
    %select_n3A_1988 = arith.select %eq3A_1984, %broadcast_in_dim3A_1987, %select_n3A_1965 : vector<64x8xi1>, vector<64x8xi32>
    %eq3A_1989 = vector.broadcast %broadcast_in_dim3A_1981 : vector<64x1xf32> to vector<64x64xf32>
    %eq3A_1990 = arith.cmpf oeq, %convert_element_type3A_1852, %eq3A_1989 : vector<64x64xf32>
    %jit3A_1991 = arith.constant 0xFF800000 : f32
    %broadcast_in_dim3A_1992 = vector.broadcast %jit3A_1991 : f32 to vector<64x64xf32>
    %select_n3A_1993 = arith.select %eq3A_1990, %broadcast_in_dim3A_1992, %select_n3A_1970 : vector<64x64xi1>, vector<64x64xf32>
    %reduce_max3A_1994 = arith.constant dense<0xFF800000> : vector<64xf32>
    %reduce_max3A_1995 = vector.multi_reduction <maximumf>, %select_n3A_1993, %reduce_max3A_1994 [1] : vector<64x64xf32> to vector<64xf32>
    %broadcast_in_dim3A_1996 = vector.shape_cast %reduce_max3A_1995 : vector<64xf32> to vector<64x1xf32>
    %eq3A_1997 = vector.broadcast %broadcast_in_dim3A_1996 : vector<64x1xf32> to vector<64x64xf32>
    %eq3A_1998 = arith.cmpf oeq, %select_n3A_1993, %eq3A_1997 : vector<64x64xf32>
    %jit3A_1999 = arith.constant 1.280000e+02 : f32
    %broadcast_in_dim3A_2000 = vector.broadcast %jit3A_1999 : f32 to vector<64x64xf32>
    %select_n3A_2001 = arith.select %eq3A_1998, %convert_element_type3A_1852, %broadcast_in_dim3A_2000 : vector<64x64xi1>, vector<64x64xf32>
    %reduce_min3A_2002 = arith.constant dense<0x7F800000> : vector<64xf32>
    %reduce_min3A_2003 = vector.multi_reduction <minimumf>, %select_n3A_2001, %reduce_min3A_2002 [1] : vector<64x64xf32> to vector<64xf32>
    %broadcast_in_dim3A_2004 = vector.shape_cast %reduce_min3A_2003 : vector<64xf32> to vector<64x1xf32>
    %eq3A_2005 = arith.constant 6 : i32
    %eq3A_2006 = vector.broadcast %eq3A_2005 : i32 to vector<64x8xi32>
    %eq3A_2007 = arith.cmpi eq, %iota3A_1853, %eq3A_2006 : vector<64x8xi32>
    %convert_element_type3A_2008 = arith.fptosi %broadcast_in_dim3A_2004 : vector<64x1xf32> to vector<64x1xi32>
    %broadcast_in_dim3A_2009 = vector.shape_cast %convert_element_type3A_2008 : vector<64x1xi32> to vector<64x1xi32>
    %broadcast_in_dim3A_2010 = vector.broadcast %broadcast_in_dim3A_2009 : vector<64x1xi32> to vector<64x8xi32>
    %select_n3A_2011 = arith.select %eq3A_2007, %broadcast_in_dim3A_2010, %select_n3A_1988 : vector<64x8xi1>, vector<64x8xi32>
    %eq3A_2012 = vector.broadcast %broadcast_in_dim3A_2004 : vector<64x1xf32> to vector<64x64xf32>
    %eq3A_2013 = arith.cmpf oeq, %convert_element_type3A_1852, %eq3A_2012 : vector<64x64xf32>
    %jit3A_2014 = arith.constant 0xFF800000 : f32
    %broadcast_in_dim3A_2015 = vector.broadcast %jit3A_2014 : f32 to vector<64x64xf32>
    %select_n3A_2016 = arith.select %eq3A_2013, %broadcast_in_dim3A_2015, %select_n3A_1993 : vector<64x64xi1>, vector<64x64xf32>
    %reduce_max3A_2017 = arith.constant dense<0xFF800000> : vector<64xf32>
    %reduce_max3A_2018 = vector.multi_reduction <maximumf>, %select_n3A_2016, %reduce_max3A_2017 [1] : vector<64x64xf32> to vector<64xf32>
    %broadcast_in_dim3A_2019 = vector.shape_cast %reduce_max3A_2018 : vector<64xf32> to vector<64x1xf32>
    %eq3A_2020 = vector.broadcast %broadcast_in_dim3A_2019 : vector<64x1xf32> to vector<64x64xf32>
    %eq3A_2021 = arith.cmpf oeq, %select_n3A_2016, %eq3A_2020 : vector<64x64xf32>
    %jit3A_2022 = arith.constant 1.280000e+02 : f32
    %broadcast_in_dim3A_2023 = vector.broadcast %jit3A_2022 : f32 to vector<64x64xf32>
    %select_n3A_2024 = arith.select %eq3A_2021, %convert_element_type3A_1852, %broadcast_in_dim3A_2023 : vector<64x64xi1>, vector<64x64xf32>
    %reduce_min3A_2025 = arith.constant dense<0x7F800000> : vector<64xf32>
    %reduce_min3A_2026 = vector.multi_reduction <minimumf>, %select_n3A_2024, %reduce_min3A_2025 [1] : vector<64x64xf32> to vector<64xf32>
    %broadcast_in_dim3A_2027 = vector.shape_cast %reduce_min3A_2026 : vector<64xf32> to vector<64x1xf32>
    %eq3A_2028 = arith.constant 7 : i32
    %eq3A_2029 = vector.broadcast %eq3A_2028 : i32 to vector<64x8xi32>
    %eq3A_2030 = arith.cmpi eq, %iota3A_1853, %eq3A_2029 : vector<64x8xi32>
    %convert_element_type3A_2031 = arith.fptosi %broadcast_in_dim3A_2027 : vector<64x1xf32> to vector<64x1xi32>
    %broadcast_in_dim3A_2032 = vector.shape_cast %convert_element_type3A_2031 : vector<64x1xi32> to vector<64x1xi32>
    %broadcast_in_dim3A_2033 = vector.broadcast %broadcast_in_dim3A_2032 : vector<64x1xi32> to vector<64x8xi32>
    %select_n3A_2034 = arith.select %eq3A_2030, %broadcast_in_dim3A_2033, %select_n3A_2011 : vector<64x8xi1>, vector<64x8xi32>
    %eq3A_2035 = vector.broadcast %broadcast_in_dim3A_2027 : vector<64x1xf32> to vector<64x64xf32>
    %eq3A_2036 = arith.cmpf oeq, %convert_element_type3A_1852, %eq3A_2035 : vector<64x64xf32>
    %jit3A_2037 = arith.constant 0xFF800000 : f32
    %broadcast_in_dim3A_2038 = vector.broadcast %jit3A_2037 : f32 to vector<64x64xf32>
    %select_n3A_2039 = arith.select %eq3A_2036, %broadcast_in_dim3A_2038, %select_n3A_2016 : vector<64x64xi1>, vector<64x64xf32>
    %swap3A_2040 = arith.constant 448 : index
    %swap3A_2041 = arith.constant 0 : index
    %swap3A_2042 = vector.load %arg5[%swap3A_2040, %swap3A_2041] : memref<512x8xi32, #tpu.memory_space<vmem>>, vector<64x8xi32>
    tpu.vector_store %arg5[%swap3A_2040, %swap3A_2041], %select_n3A_2034 {strides = array<i32>} : memref<512x8xi32, #tpu.memory_space<vmem>>, vector<64x8xi32>,
    %eq3A_2043 = arith.constant 0xFF800000 : f32
    %eq3A_2044 = vector.broadcast %eq3A_2043 : f32 to vector<64x64xf32>
    %eq3A_2045 = arith.cmpf oeq, %select_n3A_2039, %eq3A_2044 : vector<64x64xf32>
    %sub3A_2046 = vector.broadcast %broadcast_in_dim3A_1858 : vector<64x1xf32> to vector<64x64xf32>
    %sub3A_2047 = arith.subf %slice3A_1850, %sub3A_2046 : vector<64x64xf32>
    %exp3A_2048 = math.exp %sub3A_2047 : vector<64x64xf32>
    %jit3A_2049 = arith.constant 0.000000e+00 : f32
    %broadcast_in_dim3A_2050 = vector.broadcast %jit3A_2049 : f32 to vector<64x64xf32>
    %select_n3A_2051 = arith.select %eq3A_2045, %exp3A_2048, %broadcast_in_dim3A_2050 : vector<64x64xi1>, vector<64x64xf32>
    %reduce_sum3A_2052 = arith.constant dense<0.000000e+00> : vector<64xf32>
    %reduce_sum3A_2053 = vector.multi_reduction <add>, %select_n3A_2051, %reduce_sum3A_2052 [1] : vector<64x64xf32> to vector<64xf32>
    %broadcast_in_dim3A_2054 = vector.shape_cast %reduce_sum3A_2053 : vector<64xf32> to vector<64x1xf32>
    %div3A_2055 = arith.constant 1.000000e+00 : f32
    %div3A_2056 = vector.broadcast %div3A_2055 : f32 to vector<64x1xf32>
    %div3A_2057 = arith.divf %div3A_2056, %broadcast_in_dim3A_2054 : vector<64x1xf32>
    %mul3A_2058 = vector.broadcast %div3A_2057 : vector<64x1xf32> to vector<64x64xf32>
    %mul3A_2059 = arith.mulf %select_n3A_2051, %mul3A_2058 : vector<64x64xf32>
    %swap3A_2060 = arith.constant 448 : index
    %swap3A_2061 = arith.constant 0 : index
    %swap3A_2062 = vector.load %arg4[%swap3A_2060, %swap3A_2061] : memref<512x64xf32, #tpu.memory_space<vmem>>, vector<64x64xf32>
    tpu.vector_store %arg4[%swap3A_2060, %swap3A_2061], %mul3A_2059 {strides = array<i32>} : memref<512x64xf32, #tpu.memory_space<vmem>>, vector<64x64xf32>,
    %get3A_2063 = arith.constant 0 : index
    %get3A_2064 = arith.constant 0 : index
    %get3A_2065 = vector.load %arg1[%get3A_2063, %get3A_2064] : memref<512x4096xf32, #tpu.memory_space<vmem>>, vector<512x4096xf32>
    %get3A_2066 = arith.constant 0 : index
    %get3A_2067 = arith.constant 0 : index
    %get3A_2068 = vector.load %arg2[%get3A_2066, %get3A_2067] : memref<4096x128xf32, #tpu.memory_space<vmem>>, vector<4096x128xf32>
    %dot_general3A = arith.constant dense<0.000000e+00> : vector<512x128xf32>
    %dot_general3A_2069 = tpu.matmul %get3A_2065, %get3A_2068, %dot_general3A {dimension_numbers = #tpu.dot_dimension_numbers<[1], [0], [0], [1], [0, 0, 1, 1], [], []>, transpose_lhs_hint = false} : vector<512x4096xf32>, vector<4096x128xf32>, vector<512x128xf32> -> vector<512x128xf32>
    %get3A_2070 = arith.constant 0 : index
    %get3A_2071 = arith.constant 0 : index
    %get3A_2072 = vector.load %arg3[%get3A_2070, %get3A_2071] : memref<1x128xf32, #tpu.memory_space<vmem>>, vector<1x128xf32>
    %add3A_2073 = vector.broadcast %get3A_2072 : vector<1x128xf32> to vector<512x128xf32>
    %add3A_2074 = arith.addf %dot_general3A_2069, %add3A_2073 : vector<512x128xf32>
    %swap3A_2075 = arith.constant 0 : index
    %swap3A_2076 = arith.constant 0 : index
    %swap3A_2077 = vector.load %arg6[%swap3A_2075, %swap3A_2076] : memref<512x128xf32, #tpu.memory_space<vmem>>, vector<512x128xf32>
    tpu.vector_store %arg6[%swap3A_2075, %swap3A_2076], %add3A_2074 {strides = array<i32>} : memref<512x128xf32, #tpu.memory_space<vmem>>, vector<512x128xf32>,
    return
  }
  func.func @transform_0(%arg0: i32) -> (i32, i32) {
    %min3A = arith.constant 31 : i32
    %min3A_0 = arith.minsi %arg0, %min3A : i32
    %c0_i32 = arith.constant 0 : i32
    %c0_i32_1 = arith.constant 0 : i32
    return %min3A_0, %c0_i32 : i32, i32
  }
  func.func @transform_1(%arg0: i32) -> (i32, i32) {
    %c0_i32 = arith.constant 0 : i32
    %c0_i32_0 = arith.constant 0 : i32
    %c0_i32_1 = arith.constant 0 : i32
    return %c0_i32, %c0_i32_0 : i32, i32
  }
  func.func @transform_2(%arg0: i32) -> (i32, i32) {
    %c0_i32 = arith.constant 0 : i32
    %c0_i32_0 = arith.constant 0 : i32
    %c0_i32_1 = arith.constant 0 : i32
    return %c0_i32, %c0_i32_0 : i32, i32
  }
  func.func @transform_3(%arg0: i32) -> (i32, i32) {
    %sub3A = arith.constant 1 : i32
    %sub3A_0 = arith.subi %arg0, %sub3A : i32
    %max3A = arith.constant 0 : i32
    %max3A_1 = arith.maxsi %sub3A_0, %max3A : i32
    %c0_i32 = arith.constant 0 : i32
    %c0_i32_2 = arith.constant 0 : i32
    return %max3A_1, %c0_i32 : i32, i32
  }
  func.func @transform_4(%arg0: i32) -> (i32, i32) {
    %sub3A = arith.constant 1 : i32
    %sub3A_0 = arith.subi %arg0, %sub3A : i32
    %max3A = arith.constant 0 : i32
    %max3A_1 = arith.maxsi %sub3A_0, %max3A : i32
    %c0_i32 = arith.constant 0 : i32
    %c0_i32_2 = arith.constant 0 : i32
    return %max3A_1, %c0_i32 : i32, i32
  }
}

</mosaic_0001>

<sc_bundles>
// kernel: kernel.4.cloned.1.call-start
scs
__scs_entry_jumppad:
0x0: {  	(pc) =	sbr.rel $0x88, $3  }
0x1: {  	(tag) =	ssettag $0x0;
	lr =	simm.s32 $0x1  }
0x2: {  	[smem:$0x3F9C] =	sst lr;
	_ =	strace $0xD0000000  }
0x3: {  	_ = 	snop  }
0x4: {  	_ = 	snop  }
0x5: {  	_ = 	snop  }
0x6: {  	_ = 	snop  }
0x7: {  	_ = 	snop  }
__scs_overlays_trampoline_lowered:
0x8: {  	[smem:$0x3FAB] =	sst s0  }
0x9: {  	[smem:$0x3FAC] =	sst s1  }
0xa: {  	[smem:$0x3FAD] =	sst s2  }
0xb: {  	[smem:$0x3FAE] =	sst s3  }
0xc: {  	[smem:$0x3FAF] =	sst s4  }
0xd: {  	[smem:$0x3FB0] =	sst s5  }
0xe: {  	[smem:$0x3FB1] =	sst s6  }
0xf: {  	[smem:$0x3FB2] =	sst s7  }
0x10: {  	[smem:$0x3FB3] =	sst s8  }
0x11: {  	[smem:$0x3FB4] =	sst s9;
	s0 =	simm.s32 @!p0 $0x0  }
0x12: {  	s1 =	sld [smem:$0x3F9A];
	s0 =	simm.s32 @p0 $0x1  }
0x13: {  	[smem:$0x3FB5] =	sst s0;
	s0 =	simm.s32 @!p1 $0x0  }
0x14: {  	s2 =	sld [smem:$0x3F99];
	s0 =	simm.s32 @p1 $0x1  }
0x15: {  	[smem:$0x3FB6] =	sst s0;
	s0 =	simm.s32 @!p2 $0x0  }
0x16: {  	s3 =	sld [smem:$0x3FDB];
	s0 =	simm.s32 @p2 $0x1  }
0x17: {  	s4 =	simm.s32 $0x1BF5;
	[smem:$0x3FB8] =	sst s0  }
0x18: {  	s0 =	sld [smem:$0x3F9B];
	_ =	swait.ge [sflag:s4], $0x0  }
0x19: {  	s7 =	sld [smem:$0x3F9C]  }
0x1a: {  	s8 =	sadd.s32 $0xFFFFE003, lr  }
0x1b: {  	s9 =	sadd.s32 $0xFFFFFEF7, lr;
	s5 =	simm.s32 $0xFFFFFFFF;
	p2 =	slt.u32 s8, $0xFFFFF086  }
0x1c: {  	p1 =	slt.u32 s9, $0xF7A;
	s5 =	simm.s32 @!p2 $0x0  }
0x1d: {  	s5 =	simm.s32 @p1 $0x1;
	p0 =	seq.s32 s7, s2  }
0x1e: {  	s7 =	smul.u32 @!p0 $0xF7A, s2;
	p2 =	seq.s32 @!p0 s5, $0x0  }
0x1f: {  	s9 =	smul.u32 $0xF7A, s1;
	s8 =	simm.s32 @!p0 $0x1BF5;
	p2 =	por !p2, p0  }
0x20: {  	[sflag:s8] =	ssyncset.s32 @!p0 $0xFFFFF086;
	s6 =	sadd.s32 @!p0 s3, s7;
	s7 =	simm.s32 @!p0 $0x108  }
0x21: {  	s3 =	sadd.s32 s3, s9;
	s6 =	sadd.s32 @!p0 $0x88, s6;
	s7 =	simm.s32 @p2 $0x1082  }
0x22: {  	[simem:s7], [sflag:s8] =	dma.local @!p0 [hbm:s6], $0xF7A  }
0x23: {  	s9 =	sor.u32 $0xD0000000, s2;
	s6 =	simm.s32 $0x108;
	_ =	swait.ge @!p0 [sflag:s8], $0x0  }
0x24: {  	s3 =	sadd.s32 $0x88, s3;
	s6 =	simm.s32 @!p1 $0x1082;
	[sflag:s4] =	ssyncset.s32 $0xFFFFF086  }
0x25: {  	[simem:s6], [sflag:s4] =	dma.local [hbm:s3], $0xF7A  }
0x26: {  	[smem:$0x3F9C] =	sst s1;
	(tag) =	ssettag s2;
	_ =	strace s9  }
0x27: {  	s1 =	sld [smem:$0x3FAC]  }
0x28: {  	s2 =	sld [smem:$0x3FAD]  }
0x29: {  	s4 =	sld [smem:$0x3FAF]  }
0x2a: {  	p0 =	seq.s32 s5, $0x0;
	s5 =	sld [smem:$0x3FB0]  }
0x2b: {  	s6 =	sld [smem:$0x3FB1]  }
0x2c: {  	s7 =	sld [smem:$0x3FB2]  }
0x2d: {  	s3 =	simm.s32 $0x108;
	s8 =	sld [smem:$0x3FB3]  }
0x2e: {  	s3 =	simm.s32 @!p0 $0x1082;
	s9 =	sld [smem:$0x3FB4]  }
0x2f: {  	lr =	sadd.s32 s0, s3;
	s0 =	sld [smem:$0x3FAB]  }
0x30: {  	s3 =	sld [smem:$0x3FAE]  }
0x31: {  	[smem:$0x3FB7] =	sst s10  }
0x32: {  	s10 =	sld [smem:$0x3FB5];
	_ =	sdelay $0x3  }
0x33: {  	p0 =	seq.s32 s10, $0x1;
	s10 =	sld [smem:$0x3FB7];
	_ =	sdelay $0x3  }
0x34: {  	[smem:$0x3FB7] =	sst s10  }
0x35: {  	s10 =	sld [smem:$0x3FB6];
	_ =	sdelay $0x3  }
0x36: {  	p1 =	seq.s32 s10, $0x1;
	s10 =	sld [smem:$0x3FB7];
	_ =	sdelay $0x3  }
0x37: {  	[smem:$0x3FB7] =	sst s10  }
0x38: {  	s10 =	sld [smem:$0x3FB8]  }
0x39: {  	_ = 	snop;
	(pc) =	sbr.ind lr, $3  }
0x3a: {  	_ = 	snop  }
0x3b: {  	_ = 	snop  }
0x3c: {  	p2 =	seq.s32 s10, $0x1;
	s10 =	sld [smem:$0x3FB7]  }
0x3d: {  	_ =	shalt  }
0x3e: {  	_ =	shalt  }
0x3f: {  	_ =	shalt  }
0x40: {  	_ =	shalt  }
0x41: {  	_ =	shalt  }
0x42: {  	_ =	shalt  }
0x43: {  	_ =	shalt  }
0x44: {  	_ =	shalt  }
0x45: {  	_ =	shalt  }
0x46: {  	_ =	shalt  }
0x47: {  	_ =	shalt  }
0x48: {  	_ =	shalt  }
0x49: {  	_ =	shalt  }
0x4a: {  	_ =	shalt  }
0x4b: {  	_ =	shalt  }
0x4c: {  	_ =	shalt  }
0x4d: {  	_ =	shalt  }
0x4e: {  	_ =	shalt  }
0x4f: {  	_ =	shalt  }
0x50: {  	_ =	shalt  }
0x51: {  	_ =	shalt  }
0x52: {  	_ =	shalt  }
0x53: {  	_ =	shalt  }
0x54: {  	_ =	shalt  }
0x55: {  	_ =	shalt  }
0x56: {  	_ =	shalt  }
0x57: {  	_ =	shalt  }
0x58: {  	_ =	shalt  }
0x59: {  	_ =	shalt  }
0x5a: {  	_ =	shalt  }
0x5b: {  	_ =	shalt  }
0x5c: {  	_ =	shalt  }
0x5d: {  	_ =	shalt  }
0x5e: {  	_ =	shalt  }
0x5f: {  	_ =	shalt  }
0x60: {  	_ =	shalt  }
0x61: {  	_ =	shalt  }
0x62: {  	_ =	shalt  }
0x63: {  	_ =	shalt  }
0x64: {  	_ =	shalt  }
0x65: {  	_ =	shalt  }
0x66: {  	_ =	shalt  }
0x67: {  	_ =	shalt  }
0x68: {  	_ =	shalt  }
0x69: {  	_ =	shalt  }
0x6a: {  	_ =	shalt  }
0x6b: {  	_ =	shalt  }
0x6c: {  	_ =	shalt  }
0x6d: {  	_ =	shalt  }
0x6e: {  	_ =	shalt  }
0x6f: {  	_ =	shalt  }
0x70: {  	_ =	shalt  }
0x71: {  	_ =	shalt  }
0x72: {  	_ =	shalt  }
0x73: {  	_ =	shalt  }
0x74: {  	_ =	shalt  }
0x75: {  	_ =	shalt  }
0x76: {  	_ =	shalt  }
0x77: {  	_ =	shalt  }
0x78: {  	_ =	shalt  }
0x79: {  	_ =	shalt  }
0x7a: {  	_ =	shalt  }
0x7b: {  	_ =	shalt  }
0x7c: {  	_ =	shalt  }
0x7d: {  	_ =	shalt  }
0x7e: {  	_ =	shalt  }
0x7f: {  	_ =	shalt  }
0x80: {  	_ =	shalt  }
0x81: {  	_ =	shalt  }
0x82: {  	_ =	shalt  }
0x83: {  	_ =	shalt  }
0x84: {  	_ =	shalt  }
0x85: {  	_ =	shalt  }
0x86: {  	_ =	shalt  }
0x87: {  	_ =	shalt  }
.Lfunc_end0:
.L_simem_size_0:
called_computation_lowered:
.L_overlay_start_0:
0x88: {  	s2 =	sld [smem:$0x3FD9]  }
0x89: {  	s3 =	sld [smem:$0x3FFE];
	_ =	sdelay $0x1  }
0x8a: {  	s1 =	srdreg.scid  }
0x8b: {  	s0 =	sand.u32 $0x1, s1  }
0x8c: {  	s16 =	sshll.u32 s0, $0xA;
	s2 =	sadd.s32 s3, s2  }
0x8d: {  	s2 =	sadd.s32 s2, s16  }
0x8e: {  	[smem:$0x3FC3] =	sst s2  }
0x8f: {  	_ = 	snop  }
0x90: {  	(tm) =	ssettm $0x1  }
0x91: {  	s17 =	sld [smem:$0x3FFB];
	_ =	sdelay $0x3  }
0x92: {  	_ =	strace s17  }
0x93: {  	s2 =	sld [smem:$0x3FFC];
	_ =	sdelay $0x3  }
0x94: {  	_ =	strace s2  }
0x95: {  	s2 =	sld [smem:$0x3FFD];
	_ =	sdelay $0x3  }
0x96: {  	_ =	strace s2  }
0x97: {  	_ =	strace $0x8FFFFFFF  }
0x98: {  	s18 =	sld [smem:$0x3FDB];
	_ =	sdelay $0x1  }
0x99: {  	s19 =	simm.s32 $_scs_section_size  }
0x9a: {  	s4 =	simm.s32 $_size__tile_overlayer_lowered;
	s5 =	simm.s32 $_tile_overlayer_lowered  }
0x9b: {  	s22 =	simm.s32 $0x1BFF;
	s21 =	sshll.u32 s5, $0x1;
	s2 =	sadd.s32 s19, s18  }
0x9c: {  	s6 =	simm.s32 $0x0;
	s20 =	sshll.u32 s4, $0x1;
	s4 =	sadd.s32 s21, s2  }
0x9d: {  	[timem:s6], [sflag:s22] =	dma.local [hbm:s4], s20  }
0x9e: {  	_ =	swait.ge [sflag:s22], s20  }
0x9f: {  	s3 =	ssub.s32 $0x0, s20;
	[sflag:s22] =	ssyncset.done $0x0  }
0xa0: {  	[sflag:s22] =	ssyncadd.s32 s3;
	_ =	sdelay $0x1  }
0xa1: {  	s23 =	simm.s32 $0x1B8B  }
0xa2: {  	_ =	swait.ge [sflag:s23], $0x1  }
0xa3: {  	[sflag:s23] =	ssyncset.done $0x0  }
0xa4: {  	s25 =	simm.s32 $0x1B8E;
	s24 =	sld [smem:$0x3FFE];
	[sflag:s23] =	ssyncadd.s32 $0xFFFFFFFF  }
0xa5: {  	s26 =	simm.s32 $execute0_lowered;
	[smem:$0x3FD2] =	sst s25  }
0xa6: {  	s4 =	sshll.u32 s26, $0x1;
	_ =	strace $0x80000046;
	[dreg:$0x1] =	wrdreg $0xFFFFFFFF  }
0xa7: {  	s28 =	simm.s32 $_size_execute0_lowered;
	s2 =	sadd.s32 s2, s4;
	[dreg:$0x0] =	wrdreg $0x0  }
0xa8: {  	s4 =	sshll.u32 s28, $0x1;
	[dreg:$0x2] =	wrdreg s2  }
0xa9: {  	[dreg:$0x3] =	wrdreg s4  }
0xaa: {  	[dreg:$0x4] =	wrdreg $0xC0  }
0xab: {  	_ =	task [dreg:s6], $0x5FFFF  }
0xac: {  	[dreg:$0x1] =	wrdreg $0xFFFFFFFF  }
0xad: {  	[dreg:$0x0] =	wrdreg $0x60  }
0xae: {  	[dreg:$0x2] =	wrdreg s24  }
0xaf: {  	[dreg:$0x3] =	wrdreg $0x9  }
0xb0: {  	_ =	task.clear_ibuf [dreg:s6], $0x4FFFF;
	_ =	strace $0x90000046  }
0xb1: {  	s29 =	simm.s32 $0x9;
	_ =	strace $0x80000048  }
0xb2: {  	_ =	swait.ge [sflag:s29], $0x1  }
0xb3: {  	[sflag:s29] =	ssyncadd.s32 $0xFFFFFFFF  }
0xb4: {  	_ =	strace $0x90000048  }
0xb5: {  	_ =	sfence  }
0xb6: {  	s30 =	sld [smem:$0x0];
	_ =	sdelay $0x2  }
0xb7: {  	s31 =	sshll.u32 s1, $0xD;
	s1 =	sshrl.u32 s1, $0x2  }
0xb8: {  	s3 =	sand.u32 $0x4000, s31;
	s1 =	sadd.s32 s1, s30  }
0xb9: {  	s0 =	sor.u32 s3, s0;
	s1 =	sshll.u32 s1, $0x11  }
0xba: {  	s0 =	sor.u32 s1, s0  }
0xbb: {  	s0 =	sadd.s32 $0x8F2B, s0  }
0xbc: {  	[sflag:s0] =	ssyncadd.remote.s32 $0x1  }
0xbd: {  	_ =	sfence.sel $0xFFFF  }
0xbe: {  	[dreg:$0x0] =	wrdreg $0xFFFFFFFF;
	(pc) =	sbr.abs _section_cstart, $3  }
0xbf: {  	[dreg:$0x1] =	wrdreg $0xFFFFFFFF  }
0xc0: {  	_ =	task.clear_ibuf [dreg:s6], $0x2FFFF;
	_ =	strace $0x9FFFFFFF  }
0xc1: {  	(tm) =	ssettm $0x7FFFFFFF  }
tec
execute0_lowered:
.L_overlay_start_1:
0x0: {  	(tag) =	ssettag $0x1  }
0x1: {  	s3 =	rddreg [dreg:$0x0]  }
0x2: {  	s2 =	srdreg.scid;
	s0 =	rddreg [dreg:$0x1]  }
0x3: {  	s1 =	stileid.u32;
	s4 =	sand.u32 $0x1, s2;
	s2 =	simm.s32 $0x0  }
0x4: {  	s6 =	sshll.u32 s1, $0xD;
	s5 =	sshll.u32 s4, $0x11;
	s31 =	ssub.s32 $0x2, s4  }
0x5: {  	[smem:$0x7FF] =	sst s2;
	s5 =	sor.u32 s6, s5;
	s7 =	sshrl.u32 s31, $0x1  }
0x6: {  	s4 =	simm.s32 $0x1;
	s5 =	sadd.s32 s5, s3;
	s6 =	ssub.s32 s31, s7  }
0x7: {  	_ =	strace $0x80000047;
	s3 =	sadd.s32 $0xE00, s5;
	s7 =	smax.u32 s6, $0x1  }
0x8: {  	[tilespmem:s2], [sflag:$0x1] =	stream.linear.gather [hbm4b:s3+s2], $0x10000, $0x38;
	[tilespmem:$0x10000] =	vst v63  }
0x9: {  	p0 =	sne.s32 s7, $0x1;
	_ =	swait.ge [sflag:s4], $0x10000  }
.Ltmp0:
0xa: {  	[sflag:s4] =	ssyncset.done $0x0;
	(pc) =	sbr.rel @!p0 .LBB2_2-.Ltmp0, $4  }
0xb: {  	s5 =	sadd.s32 $0x40E00, s5;
	s6 =	simm.s32 $0x2;
	[sflag:s4] =	ssyncadd.s32 $0xFFFF0000  }
0xc: {  	[hbm4b:s5+s2] =	stream.linear.scatter [tilespmem:s2], [sflag:$0x2], $0x10000, $0x38;
	[tilespmem:$0x10000] =	vst v63  }
0xd: {  	_ =	swait.ge [sflag:s6], $0x10000  }
0xe: {  	s7 =	sadd.s32 $0xFFFFFFFF, s7;
	[sflag:s6] =	ssyncset.done $0x0  }
.LBB2_1:
0xf: {  	p0 =	sne.s32 s7, $0x1;
	s7 =	sadd.s32 $0xFFFFFFFF, s7;
	[sflag:s6] =	ssyncadd.s32 $0xFFFF0000  }
0x10: {  	[tilespmem:s2], [sflag:$0x1] =	stream.linear.gather [hbm4b:s3+s2], $0x10000, $0x38;
	[tilespmem:$0x10000] =	vst v63  }
0x11: {  	_ =	swait.ge [sflag:s4], $0x10000  }
.Ltmp1:
0x12: {  	[sflag:s4] =	ssyncset.done $0x0;
	(pc) =	sbr.rel @p0 .LBB2_1-.Ltmp1, $4  }
0x13: {  	[sflag:s4] =	ssyncadd.s32 $0xFFFF0000  }
0x14: {  	[hbm4b:s5+s2] =	stream.linear.scatter [tilespmem:s2], [sflag:$0x2], $0x10000, $0x38;
	[tilespmem:$0x10000] =	vst v63  }
0x15: {  	_ =	swait.ge [sflag:s6], $0x10000  }
0x16: {  	[sflag:s6] =	ssyncset.done $0x0  }
.LBB2_2:
0x17: {  	[sflag:s6] =	ssyncadd.s32 $0xFFFF0000  }
0x18: {  	_ =	sfence.sel $0x180000  }
0x19: {  	[bflag:$0x0] =	sbarrier.arrive $0xFFFF  }
0x1a: {  	p0 =	sne.s32 s1, $0x0;
	_ =	strace $0x90000047  }
0x1b: {  	s0 =	sadd.s32 @!p0 $0x100000, s0;
	[bflag:$0x2] =	sbarrier.arrive $0xFFFF  }
0x1c: {  	[sflag:s0] =	ssyncadd.tile.s32 @!p0 $0x1;
	_ =	shalt  }
.Lfunc_end2:
_tile_overlayer_lowered:
.L_overlay_start_2:
0x1d: {  	(tag) =	ssettag $0x2  }
0x1e: {  	s0 =	rddreg [dreg:$0x0];
	s2 =	stileid.u32  }
0x1f: {  	s1 =	rddreg [dreg:$0x1];
	p0 =	sne.s32 s2, $0x0  }
0x20: {  	s3 =	rddreg [dreg:$0x2];
	[bflag:$0x3] =	sbarrier.arrive $0xFFFF;
	s2 =	simm.s32 @!p0 $0x1C03  }
0x21: {  	[timem:s3], [sflag:s2] =	dma.local @!p0 [hbm:s0], s1  }
0x22: {  	s0 =	simm.s32 @!p0 $0x3  }
0x23: {  	_ =	swait.ge @!p0 [sflag:s0], s1  }
0x24: {  	s1 =	ssub.s32 @!p0 $0x0, s1;
	[sflag:s0] =	ssyncset.done @!p0 $0x0  }
0x25: {  	[sflag:s0] =	ssyncadd.s32 @!p0 s1  }
0x26: {  	[bflag:$0x3] =	sbarrier.arrive $0xFFFF  }
0x27: {  	_ =	shalt  }

</sc_bundles>
